<compile_context>
chip_gen: v7x
topology: tpu7x:2x2x1
jax: 0.10.2.dev20260603
libtpu: 0.0.44.dev20260713+nightly
codegen_flags: <defaults>
</compile_context>

<pallas_src>
import functools

import jax
import jax.numpy as jnp
from jax import lax
from jax.experimental import pallas as pl
from jax.experimental.pallas import tpu as pltpu
from jax.experimental.pallas import tpu_sc as plsc

N = 10000
E = 320000
D = 128

NPAD = 10240
NSUB = 16
NCORE = 2
ROWS_PER_SUB = NPAD // NSUB
TBL_PER_SUB = N // NSUB
EPAD = 327680
EROWS = EPAD // 128
ROWS_PER_W = EROWS // (NSUB * NCORE)

_MESH = plsc.VectorSubcoreMesh(core_axis_name="c", subcore_axis_name="s")




def _zero_fill(zbuf, acc, row0, nrows, wd):

    @pl.loop(0, 128)
    def _(i):
        for k in range(wd // 16):
            zbuf[i, pl.ds(16 * k, 16)] = jnp.zeros((16,), jnp.float32)

    for m in range(nrows // 128):
        pltpu.sync_copy(zbuf, acc.at[pl.ds(row0 + 128 * m, 128)])


def _agg_ring(tbl, src_v, dst_v, bufs, gsems, ssems, acc, nchunks):
    nbuf = len(bufs)
    nstep = nchunks // nbuf
    for b in range(nbuf):
        pltpu.async_copy(tbl.at[src_v.at[b]], bufs[b], gsems[b])

    @pl.loop(0, nstep)
    def _(t):
        for b in range(nbuf):
            j = t * nbuf + b
            pltpu.make_async_copy(tbl.at[src_v.at[j]], bufs[b],
                                  gsems[b]).wait()
            pltpu.async_copy(bufs[b], acc.at[dst_v.at[j]], ssems[b], add=True)

            @pl.when(t < nstep - 1)
            def _():
                pltpu.make_async_copy(bufs[b], acc.at[dst_v.at[j]],
                                      ssems[b]).wait()
                pltpu.async_copy(tbl.at[src_v.at[j + nbuf]], bufs[b], gsems[b])

    for b in range(nbuf):
        pltpu.make_async_copy(bufs[b], acc.at[dst_v.at[nchunks - nbuf + b]],
                              ssems[b]).wait()


@functools.partial(
    pl.kernel,
    out_type=jax.ShapeDtypeStruct((NCORE, NPAD, 16), jnp.float32),
    mesh=_MESH,
    scratch_types=[
        pltpu.VMEM((ROWS_PER_W, 128), jnp.int32),
        pltpu.VMEM((128, 16), jnp.float32),
        pltpu.VMEM_SHARED((NPAD, 16), jnp.float32),
    ] + [pltpu.SemaphoreType.DMA] * 4,
)
def _deg_kernel(ei_hbm, out_hbm, dst_v, ones_v, acc, *ssems):
    c = lax.axis_index("c")
    s = lax.axis_index("s")
    w = s * NCORE + c
    sl = pl.ds(s * ROWS_PER_SUB, ROWS_PER_SUB)

    _zero_fill(ones_v, acc, s * ROWS_PER_SUB, ROWS_PER_SUB, 16)

    @pl.loop(0, 128)
    def _(i):
        ones_v[i, :] = jnp.ones((16,), jnp.float32)

    pltpu.sync_copy(ei_hbm.at[1, pl.ds(w * ROWS_PER_W, ROWS_PER_W)], dst_v)
    plsc.subcore_barrier()

    nbuf = 4
    for b in range(nbuf):
        pltpu.async_copy(ones_v, acc.at[dst_v.at[b]], ssems[b], add=True)

    @pl.loop(0, ROWS_PER_W // nbuf - 1)
    def _(t):
        for b in range(nbuf):
            j = t * nbuf + b
            pltpu.make_async_copy(ones_v, acc.at[dst_v.at[j]],
                                  ssems[b]).wait()
            pltpu.async_copy(ones_v, acc.at[dst_v.at[j + nbuf]], ssems[b],
                             add=True)

    for b in range(nbuf):
        pltpu.make_async_copy(ones_v, acc.at[dst_v.at[ROWS_PER_W - nbuf + b]],
                              ssems[b]).wait()

    plsc.subcore_barrier()
    pltpu.sync_copy(acc.at[sl], out_hbm.at[c, sl])


_HALF = ROWS_PER_W // 2


@functools.partial(
    pl.kernel,
    out_type=jax.ShapeDtypeStruct((NCORE, NPAD, 128), jnp.float32),
    mesh=_MESH,
    scratch_types=[
        pltpu.VMEM((_HALF, 128), jnp.int32),
        pltpu.VMEM((_HALF, 128), jnp.int32),
        pltpu.VMEM_SHARED((NPAD, 128), jnp.float32),
        pltpu.VMEM((128, 128), jnp.float32),
        pltpu.VMEM((128, 128), jnp.float32),
    ] + [pltpu.SemaphoreType.DMA] * 4,
)
def _agg128(tbl_hbm, ei_hbm, out_hbm,
            src_v, dst_v, acc, buf0, buf1, *sems):
    bufs = (buf0, buf1)
    gsems, ssems = sems[:2], sems[2:]
    c = lax.axis_index("c")
    s = lax.axis_index("s")
    w = s * NCORE + c
    sl = pl.ds(s * ROWS_PER_SUB, ROWS_PER_SUB)
    _zero_fill(buf0, acc, s * ROWS_PER_SUB, ROWS_PER_SUB, 128)
    pltpu.sync_copy(ei_hbm.at[0, pl.ds(w * ROWS_PER_W, _HALF)], src_v)
    pltpu.sync_copy(ei_hbm.at[1, pl.ds(w * ROWS_PER_W, _HALF)], dst_v)
    plsc.subcore_barrier()

    _agg_ring(tbl_hbm, src_v, dst_v, bufs, gsems, ssems, acc, _HALF)
    pltpu.sync_copy(ei_hbm.at[0, pl.ds(w * ROWS_PER_W + _HALF, _HALF)], src_v)
    pltpu.sync_copy(ei_hbm.at[1, pl.ds(w * ROWS_PER_W + _HALF, _HALF)], dst_v)
    _agg_ring(tbl_hbm, src_v, dst_v, bufs, gsems, ssems, acc, _HALF)

    plsc.subcore_barrier()
    pltpu.sync_copy(acc.at[sl], out_hbm.at[c, sl])


@functools.partial(
    pl.kernel,
    out_type=jax.ShapeDtypeStruct((NCORE, NPAD, 16), jnp.float32),
    mesh=_MESH,
    scratch_types=[
        pltpu.VMEM((ROWS_PER_W, 128), jnp.int32),
        pltpu.VMEM((ROWS_PER_W, 128), jnp.int32),
        pltpu.VMEM_SHARED((NPAD, 16), jnp.float32),
        pltpu.VMEM_SHARED((NPAD, 16), jnp.float32),
    ] + [pltpu.VMEM((128, 16), jnp.float32)] * 4
      + [pltpu.SemaphoreType.DMA] * 8,
)
def _agg16(tbl_hbm, ei_hbm, out_hbm,
           src_v, dst_v, tbl_sh, acc, *rest):
    bufs = rest[:4]
    gsems, ssems = rest[4:8], rest[8:]
    c = lax.axis_index("c")
    s = lax.axis_index("s")
    w = s * NCORE + c
    sl = pl.ds(s * ROWS_PER_SUB, ROWS_PER_SUB)
    _zero_fill(bufs[0], acc, s * ROWS_PER_SUB, ROWS_PER_SUB, 16)
    pltpu.sync_copy(tbl_hbm.at[sl], tbl_sh.at[sl])
    pltpu.sync_copy(ei_hbm.at[0, pl.ds(w * ROWS_PER_W, ROWS_PER_W)], src_v)
    pltpu.sync_copy(ei_hbm.at[1, pl.ds(w * ROWS_PER_W, ROWS_PER_W)], dst_v)
    plsc.subcore_barrier()

    _agg_ring(tbl_sh, src_v, dst_v, bufs, gsems, ssems, acc, ROWS_PER_W)

    plsc.subcore_barrier()
    pltpu.sync_copy(acc.at[sl], out_hbm.at[c, sl])



_B = 2000
_GRID = N // _B


def _tc1_body(dg, x_ref, w1, g1_ref, dv_ref):
    deg = dg[0, :, 0:1] + dg[1, :, 0:1] + 1.0
    dinv = lax.rsqrt(deg)
    h = jnp.dot(x_ref[...].astype(jnp.bfloat16), w1[...].astype(jnp.bfloat16),
                preferred_element_type=jnp.float32)
    g1_ref[...] = h * dinv
    dv_ref[...] = jnp.broadcast_to(dinv, (_B, 16))


def _tc1(degp, x, W1):
    return pl.pallas_call(
        _tc1_body,
        grid=(_GRID,),
        in_specs=[
            pl.BlockSpec((2, _B, 16), lambda i: (0, i, 0)),
            pl.BlockSpec((_B, D), lambda i: (i, 0)),
            pl.BlockSpec((D, D), lambda i: (0, 0)),
        ],
        out_specs=[
            pl.BlockSpec((_B, D), lambda i: (i, 0)),
            pl.BlockSpec((_B, 16), lambda i: (i, 0)),
        ],
        out_shape=[
            jax.ShapeDtypeStruct((N, D), jnp.float32),
            jax.ShapeDtypeStruct((N, 16), jnp.float32),
        ],
    )(degp, x, W1)


def _tc2_body(ac, g1, dv, b1, w2, g2_ref):
    dinv = dv[:, 0:1]
    h = dinv * (ac[0] + ac[1] + g1[...]) + b1[...]
    h = jnp.maximum(h, 0.0)
    g2_ref[...] = dinv * jnp.dot(h.astype(jnp.bfloat16),
                                 w2[...].astype(jnp.bfloat16),
                                 preferred_element_type=jnp.float32)


def _tc2(acc1, g1, dv, b1, w2p):
    return pl.pallas_call(
        _tc2_body,
        grid=(_GRID,),
        in_specs=[
            pl.BlockSpec((2, _B, D), lambda i: (0, i, 0)),
            pl.BlockSpec((_B, D), lambda i: (i, 0)),
            pl.BlockSpec((_B, 16), lambda i: (i, 0)),
            pl.BlockSpec((1, D), lambda i: (0, 0)),
            pl.BlockSpec((D, 16), lambda i: (0, 0)),
        ],
        out_specs=pl.BlockSpec((_B, 16), lambda i: (i, 0)),
        out_shape=jax.ShapeDtypeStruct((NPAD, 16), jnp.float32),
    )(acc1, g1, dv, b1, w2p)


def _tc3_body(ac, g2, dv, b2, o_ref):
    o_ref[...] = dv[:, 0:1] * (ac[0] + ac[1] + g2[...]) + b2[...]


def _tc3(acc2, g2, dv, b2p):
    return pl.pallas_call(
        _tc3_body,
        grid=(_GRID,),
        in_specs=[
            pl.BlockSpec((2, _B, 16), lambda i: (0, i, 0)),
            pl.BlockSpec((_B, 16), lambda i: (i, 0)),
            pl.BlockSpec((_B, 16), lambda i: (i, 0)),
            pl.BlockSpec((1, 16), lambda i: (0, 0)),
        ],
        out_specs=pl.BlockSpec((_B, 16), lambda i: (i, 0)),
        out_shape=jax.ShapeDtypeStruct((N, 16), jnp.float32),
    )(acc2, g2, dv, b2p)




def kernel(x, edge_index, W1, b1, W2, b2):
    f32 = jnp.float32
    p = EPAD - E
    pad_ids = jnp.arange(p, dtype=jnp.int32)
    padblk = jnp.stack([(pad_ids * 997) % N, N + pad_ids % (NPAD - N)])
    ei = jnp.concatenate([edge_index, padblk], axis=1).reshape(2, EROWS, 128)

    w2p = jnp.zeros((D, 16), f32).at[:, :2].set(W2)
    b2p = jnp.zeros((1, 16), f32).at[0, :2].set(b2)

    degp = _deg_kernel(ei)
    g1, dv = _tc1(degp, x, W1)
    acc1 = _agg128(g1, ei)
    g2 = _tc2(acc1, g1, dv, b1.reshape(1, D), w2p)
    acc2 = _agg16(g2, ei)
    o16 = _tc3(acc2, g2, dv, b2p)
    return o16[:, :2]

# --- scband reference (transcript-rebuilt; emitter-appended) ---
"""Pipeline reference for scband-gnnfraud-detector-25237227831894 (READ-ONLY COPY).

The authoritative reference and input builder live on the scoring server;
editing this copy changes nothing except your own understanding.
"""

import jax, jax.numpy as jnp
import numpy as np

N = 10000
E = 320000
D_IN = 128
D_HID = 128
D_OUT = 2


def setup_inputs(seed: int = 0) -> dict:
    key = jax.random.key(seed)
    k1, k2, k3, k4, k5, k6 = jax.random.split(key, 6)
    x = jax.random.normal(k1, (N, D_IN), dtype=jnp.float32)
    edge_index = jax.random.randint(k2, (2, E), 0, N).astype(jnp.int32)
    W1 = jax.random.normal(k3, (D_IN, D_HID), dtype=jnp.float32) * (1.0 / np.sqrt(D_IN))
    b1 = jnp.zeros((D_HID,), dtype=jnp.float32)
    W2 = jax.random.normal(k4, (D_HID, D_OUT), dtype=jnp.float32) * (1.0 / np.sqrt(D_HID))
    b2 = jnp.zeros((D_OUT,), dtype=jnp.float32)
    return {"x": x, "edge_index": edge_index, "W1": W1, "b1": b1, "W2": W2, "b2": b2}


def _gcn_conv(x, edge_index, W, b, num_nodes):
    # GCNConv: linear transform, add self-loops, symmetric deg normalization, scatter-add
    src = edge_index[0]
    dst = edge_index[1]
    loop = jnp.arange(num_nodes, dtype=src.dtype)
    src = jnp.concatenate([src, loop], axis=0)
    dst = jnp.concatenate([dst, loop], axis=0)
    h = x @ W
    deg = jnp.zeros((num_nodes,), dtype=h.dtype).at[dst].add(jnp.ones_like(dst, dtype=h.dtype))
    dinv = jnp.where(deg > 0, jax.lax.rsqrt(jnp.maximum(deg, 1e-12)), 0.0)
    norm = dinv[src] * dinv[dst]
    msg = h[src] * norm[:, None]
    out = jnp.zeros((num_nodes, h.shape[1]), dtype=h.dtype).at[dst].add(msg)
    return out + b


def reference(x, edge_index, W1, b1, W2, b2):
    h = _gcn_conv(x, edge_index, W1, b1, N)
    h = jax.nn.relu(h)
    out = _gcn_conv(h, edge_index, W2, b2, N)
    return out

if __name__ == "__main__":
    import jax
    _d = setup_inputs()
    print(jax.jit(kernel)(*tuple(_d.values())))

</pallas_src>

<mosaic_0001>
#map = affine_map<(d0, d1) -> (0, 0)>
#map1 = affine_map<(d0, d1) -> (0, 0, 0)>
module attributes {stable_mosaic.version = 14 : i64} {
  func.func @_agg128(%arg0: i32, %arg1: i32, %arg2: memref<10000x128xf32, #tpu.memory_space<hbm>>, %arg3: memref<2x2560x128xi32, #tpu.memory_space<hbm>>, %arg4: memref<2x10240x128xf32, #tpu.memory_space<hbm>>, %arg5: memref<40x128xi32, #tpu.memory_space<vmem>>, %arg6: memref<40x128xi32, #tpu.memory_space<vmem>>, %arg7: memref<10240x128xf32, #tpu.memory_space<vmem_shared>>, %arg8: memref<128x128xf32, #tpu.memory_space<vmem>>, %arg9: memref<128x128xf32, #tpu.memory_space<vmem>>, %arg10: memref<!tpu.dma_semaphore, #tpu.memory_space<semaphore_mem>>, %arg11: memref<!tpu.dma_semaphore, #tpu.memory_space<semaphore_mem>>, %arg12: memref<!tpu.dma_semaphore, #tpu.memory_space<semaphore_mem>>, %arg13: memref<!tpu.dma_semaphore, #tpu.memory_space<semaphore_mem>>) attributes {dimension_semantics = [#tpu.dimension_semantics<core_parallel>, #tpu.dimension_semantics<subcore_parallel>], iteration_bounds = array<i64: 2, 16>, scalar_prefetch = 0 : i64, scratch_operands = 9 : i64, tpu.core_type = #tpu.core_type<sc_vector_subcore>, window_params = [{transform_indices = #map}, {transform_indices = #map1}, {transform_indices = #map1}]} {
    %mul3A = arith.constant 2 : i32
    %mul3A_0 = arith.muli %arg1, %mul3A : i32
    %add3A = arith.addi %mul3A_0, %arg0 : i32
    %mul3A_1 = arith.constant 640 : i32
    %mul3A_2 = arith.muli %arg1, %mul3A_1 : i32
    %mul3A_3 = arith.constant 640 : i32
    %mul3A_4 = arith.muli %arg1, %mul3A_3 : i32
    %scan3A = arith.constant 0 : i32
    %scan3A_5 = arith.constant 128 : i32
    %scan3A_6 = arith.addi %scan3A, %scan3A_5 : i32
    %scan3A_7 = arith.constant 1 : i32
    scf.for %scan3A_99 = %scan3A to %scan3A_6 step %scan3A_7  : i32 {
      %mul3A_100 = arith.constant 1 : i32
      %mul3A_101 = arith.muli %scan3A_99, %mul3A_100 : i32
      %add3A_102 = arith.constant 0 : i32
      %add3A_103 = arith.addi %add3A_102, %mul3A_101 : i32
      %broadcast_in_dim3A = arith.constant 0.000000e+00 : f32
      %broadcast_in_dim3A_104 = vector.broadcast %broadcast_in_dim3A : f32 to vector<16xf32>
      %swap3A = arith.index_cast %add3A_103 : i32 to index
      %swap3A_105 = arith.constant 0 : index
      %swap3A_106 = tpu.vector_load %arg8[%swap3A, %swap3A_105] {strides = array<i32>} : memref<128x128xf32, #tpu.memory_space<vmem>>, vector<1x16xf32>,
      %swap3A_107 = vector.shape_cast %swap3A_106 : vector<1x16xf32> to vector<16xf32>
      %swap3A_108 = vector.shape_cast %broadcast_in_dim3A_104 : vector<16xf32> to vector<1x16xf32>
      tpu.vector_store %arg8[%swap3A, %swap3A_105], %swap3A_108 {strides = array<i32>} : memref<128x128xf32, #tpu.memory_space<vmem>>, vector<1x16xf32>,
      %broadcast_in_dim3A_109 = arith.constant 0.000000e+00 : f32
      %broadcast_in_dim3A_110 = vector.broadcast %broadcast_in_dim3A_109 : f32 to vector<16xf32>
      %swap3A_111 = arith.index_cast %add3A_103 : i32 to index
      %swap3A_112 = arith.constant 16 : index
      %swap3A_113 = tpu.vector_load %arg8[%swap3A_111, %swap3A_112] {strides = array<i32>} : memref<128x128xf32, #tpu.memory_space<vmem>>, vector<1x16xf32>,
      %swap3A_114 = vector.shape_cast %swap3A_113 : vector<1x16xf32> to vector<16xf32>
      %swap3A_115 = vector.shape_cast %broadcast_in_dim3A_110 : vector<16xf32> to vector<1x16xf32>
      tpu.vector_store %arg8[%swap3A_111, %swap3A_112], %swap3A_115 {strides = array<i32>} : memref<128x128xf32, #tpu.memory_space<vmem>>, vector<1x16xf32>,
      %broadcast_in_dim3A_116 = arith.constant 0.000000e+00 : f32
      %broadcast_in_dim3A_117 = vector.broadcast %broadcast_in_dim3A_116 : f32 to vector<16xf32>
      %swap3A_118 = arith.index_cast %add3A_103 : i32 to index
      %swap3A_119 = arith.constant 32 : index
      %swap3A_120 = tpu.vector_load %arg8[%swap3A_118, %swap3A_119] {strides = array<i32>} : memref<128x128xf32, #tpu.memory_space<vmem>>, vector<1x16xf32>,
      %swap3A_121 = vector.shape_cast %swap3A_120 : vector<1x16xf32> to vector<16xf32>
      %swap3A_122 = vector.shape_cast %broadcast_in_dim3A_117 : vector<16xf32> to vector<1x16xf32>
      tpu.vector_store %arg8[%swap3A_118, %swap3A_119], %swap3A_122 {strides = array<i32>} : memref<128x128xf32, #tpu.memory_space<vmem>>, vector<1x16xf32>,
      %broadcast_in_dim3A_123 = arith.constant 0.000000e+00 : f32
      %broadcast_in_dim3A_124 = vector.broadcast %broadcast_in_dim3A_123 : f32 to vector<16xf32>
      %swap3A_125 = arith.index_cast %add3A_103 : i32 to index
      %swap3A_126 = arith.constant 48 : index
      %swap3A_127 = tpu.vector_load %arg8[%swap3A_125, %swap3A_126] {strides = array<i32>} : memref<128x128xf32, #tpu.memory_space<vmem>>, vector<1x16xf32>,
      %swap3A_128 = vector.shape_cast %swap3A_127 : vector<1x16xf32> to vector<16xf32>
      %swap3A_129 = vector.shape_cast %broadcast_in_dim3A_124 : vector<16xf32> to vector<1x16xf32>
      tpu.vector_store %arg8[%swap3A_125, %swap3A_126], %swap3A_129 {strides = array<i32>} : memref<128x128xf32, #tpu.memory_space<vmem>>, vector<1x16xf32>,
      %broadcast_in_dim3A_130 = arith.constant 0.000000e+00 : f32
      %broadcast_in_dim3A_131 = vector.broadcast %broadcast_in_dim3A_130 : f32 to vector<16xf32>
      %swap3A_132 = arith.index_cast %add3A_103 : i32 to index
      %swap3A_133 = arith.constant 64 : index
      %swap3A_134 = tpu.vector_load %arg8[%swap3A_132, %swap3A_133] {strides = array<i32>} : memref<128x128xf32, #tpu.memory_space<vmem>>, vector<1x16xf32>,
      %swap3A_135 = vector.shape_cast %swap3A_134 : vector<1x16xf32> to vector<16xf32>
      %swap3A_136 = vector.shape_cast %broadcast_in_dim3A_131 : vector<16xf32> to vector<1x16xf32>
      tpu.vector_store %arg8[%swap3A_132, %swap3A_133], %swap3A_136 {strides = array<i32>} : memref<128x128xf32, #tpu.memory_space<vmem>>, vector<1x16xf32>,
      %broadcast_in_dim3A_137 = arith.constant 0.000000e+00 : f32
      %broadcast_in_dim3A_138 = vector.broadcast %broadcast_in_dim3A_137 : f32 to vector<16xf32>
      %swap3A_139 = arith.index_cast %add3A_103 : i32 to index
      %swap3A_140 = arith.constant 80 : index
      %swap3A_141 = tpu.vector_load %arg8[%swap3A_139, %swap3A_140] {strides = array<i32>} : memref<128x128xf32, #tpu.memory_space<vmem>>, vector<1x16xf32>,
      %swap3A_142 = vector.shape_cast %swap3A_141 : vector<1x16xf32> to vector<16xf32>
      %swap3A_143 = vector.shape_cast %broadcast_in_dim3A_138 : vector<16xf32> to vector<1x16xf32>
      tpu.vector_store %arg8[%swap3A_139, %swap3A_140], %swap3A_143 {strides = array<i32>} : memref<128x128xf32, #tpu.memory_space<vmem>>, vector<1x16xf32>,
      %broadcast_in_dim3A_144 = arith.constant 0.000000e+00 : f32
      %broadcast_in_dim3A_145 = vector.broadcast %broadcast_in_dim3A_144 : f32 to vector<16xf32>
      %swap3A_146 = arith.index_cast %add3A_103 : i32 to index
      %swap3A_147 = arith.constant 96 : index
      %swap3A_148 = tpu.vector_load %arg8[%swap3A_146, %swap3A_147] {strides = array<i32>} : memref<128x128xf32, #tpu.memory_space<vmem>>, vector<1x16xf32>,
      %swap3A_149 = vector.shape_cast %swap3A_148 : vector<1x16xf32> to vector<16xf32>
      %swap3A_150 = vector.shape_cast %broadcast_in_dim3A_145 : vector<16xf32> to vector<1x16xf32>
      tpu.vector_store %arg8[%swap3A_146, %swap3A_147], %swap3A_150 {strides = array<i32>} : memref<128x128xf32, #tpu.memory_space<vmem>>, vector<1x16xf32>,
      %broadcast_in_dim3A_151 = arith.constant 0.000000e+00 : f32
      %broadcast_in_dim3A_152 = vector.broadcast %broadcast_in_dim3A_151 : f32 to vector<16xf32>
      %swap3A_153 = arith.index_cast %add3A_103 : i32 to index
      %swap3A_154 = arith.constant 112 : index
      %swap3A_155 = tpu.vector_load %arg8[%swap3A_153, %swap3A_154] {strides = array<i32>} : memref<128x128xf32, #tpu.memory_space<vmem>>, vector<1x16xf32>,
      %swap3A_156 = vector.shape_cast %swap3A_155 : vector<1x16xf32> to vector<16xf32>
      %swap3A_157 = vector.shape_cast %broadcast_in_dim3A_152 : vector<16xf32> to vector<1x16xf32>
      tpu.vector_store %arg8[%swap3A_153, %swap3A_154], %swap3A_157 {strides = array<i32>} : memref<128x128xf32, #tpu.memory_space<vmem>>, vector<1x16xf32>,
    }
    %scan3A_8 = arith.constant 128 : i32
    %add3A_9 = arith.constant 0 : i32
    %add3A_10 = arith.addi %mul3A_4, %add3A_9 : i32
    "tpu.region"() ({
      %run_scoped3A_99 = tpu.sem_alloc : memref<!tpu.dma_semaphore, #tpu.memory_space<semaphore_mem>>
      %dma_start3A_100 = arith.constant 0 : i32
      %dma_start3A_101 = tpu.memref_slice %arg7[%add3A_10, %dma_start3A_100] : memref<10240x128xf32, #tpu.memory_space<vmem_shared>> -> memref<128x128xf32, #tpu.memory_space<vmem_shared>>
      %dma_start3A_102 = arith.constant 0 : i32
      %dma_start3A_103 = tpu.memref_slice %arg7[%add3A_10, %dma_start3A_102] : memref<10240x128xf32, #tpu.memory_space<vmem_shared>> -> memref<128x128xf32, #tpu.memory_space<vmem_shared>>
      tpu.enqueue_dma source(%arg8 : memref<128x128xf32, #tpu.memory_space<vmem>>) target(%dma_start3A_103 : memref<128x128xf32, #tpu.memory_space<vmem_shared>>) target_semaphore(%run_scoped3A_99 : memref<!tpu.dma_semaphore, #tpu.memory_space<semaphore_mem>>)
      %dma_wait3A_104 = arith.constant 0 : i32
      %dma_wait3A_105 = tpu.memref_slice %arg7[%add3A_10, %dma_wait3A_104] : memref<10240x128xf32, #tpu.memory_space<vmem_shared>> -> memref<128x128xf32, #tpu.memory_space<vmem_shared>>
      %dma_wait3A_106 = arith.constant 0 : i32
      %dma_wait3A_107 = tpu.memref_slice %arg7[%add3A_10, %dma_wait3A_106] : memref<10240x128xf32, #tpu.memory_space<vmem_shared>> -> memref<128x128xf32, #tpu.memory_space<vmem_shared>>
      tpu.wait_dma2 semaphore(%run_scoped3A_99 : memref<!tpu.dma_semaphore, #tpu.memory_space<semaphore_mem>>) src(%arg8 : memref<128x128xf32, #tpu.memory_space<vmem>>) dst(%dma_wait3A_107 : memref<128x128xf32, #tpu.memory_space<vmem_shared>>)
      tpu.yield
    }) : () -> ()
    %add3A_11 = arith.constant 128 : i32
    %add3A_12 = arith.addi %mul3A_4, %add3A_11 : i32
    "tpu.region"() ({
      %run_scoped3A_99 = tpu.sem_alloc : memref<!tpu.dma_semaphore, #tpu.memory_space<semaphore_mem>>
      %dma_start3A_100 = arith.constant 0 : i32
      %dma_start3A_101 = tpu.memref_slice %arg7[%add3A_12, %dma_start3A_100] : memref<10240x128xf32, #tpu.memory_space<vmem_shared>> -> memref<128x128xf32, #tpu.memory_space<vmem_shared>>
      %dma_start3A_102 = arith.constant 0 : i32
      %dma_start3A_103 = tpu.memref_slice %arg7[%add3A_12, %dma_start3A_102] : memref<10240x128xf32, #tpu.memory_space<vmem_shared>> -> memref<128x128xf32, #tpu.memory_space<vmem_shared>>
      tpu.enqueue_dma source(%arg8 : memref<128x128xf32, #tpu.memory_space<vmem>>) target(%dma_start3A_103 : memref<128x128xf32, #tpu.memory_space<vmem_shared>>) target_semaphore(%run_scoped3A_99 : memref<!tpu.dma_semaphore, #tpu.memory_space<semaphore_mem>>)
      %dma_wait3A_104 = arith.constant 0 : i32
      %dma_wait3A_105 = tpu.memref_slice %arg7[%add3A_12, %dma_wait3A_104] : memref<10240x128xf32, #tpu.memory_space<vmem_shared>> -> memref<128x128xf32, #tpu.memory_space<vmem_shared>>
      %dma_wait3A_106 = arith.constant 0 : i32
      %dma_wait3A_107 = tpu.memref_slice %arg7[%add3A_12, %dma_wait3A_106] : memref<10240x128xf32, #tpu.memory_space<vmem_shared>> -> memref<128x128xf32, #tpu.memory_space<vmem_shared>>
      tpu.wait_dma2 semaphore(%run_scoped3A_99 : memref<!tpu.dma_semaphore, #tpu.memory_space<semaphore_mem>>) src(%arg8 : memref<128x128xf32, #tpu.memory_space<vmem>>) dst(%dma_wait3A_107 : memref<128x128xf32, #tpu.memory_space<vmem_shared>>)
      tpu.yield
    }) : () -> ()
    %add3A_13 = arith.constant 256 : i32
    %add3A_14 = arith.addi %mul3A_4, %add3A_13 : i32
    "tpu.region"() ({
      %run_scoped3A_99 = tpu.sem_alloc : memref<!tpu.dma_semaphore, #tpu.memory_space<semaphore_mem>>
      %dma_start3A_100 = arith.constant 0 : i32
      %dma_start3A_101 = tpu.memref_slice %arg7[%add3A_14, %dma_start3A_100] : memref<10240x128xf32, #tpu.memory_space<vmem_shared>> -> memref<128x128xf32, #tpu.memory_space<vmem_shared>>
      %dma_start3A_102 = arith.constant 0 : i32
      %dma_start3A_103 = tpu.memref_slice %arg7[%add3A_14, %dma_start3A_102] : memref<10240x128xf32, #tpu.memory_space<vmem_shared>> -> memref<128x128xf32, #tpu.memory_space<vmem_shared>>
      tpu.enqueue_dma source(%arg8 : memref<128x128xf32, #tpu.memory_space<vmem>>) target(%dma_start3A_103 : memref<128x128xf32, #tpu.memory_space<vmem_shared>>) target_semaphore(%run_scoped3A_99 : memref<!tpu.dma_semaphore, #tpu.memory_space<semaphore_mem>>)
      %dma_wait3A_104 = arith.constant 0 : i32
      %dma_wait3A_105 = tpu.memref_slice %arg7[%add3A_14, %dma_wait3A_104] : memref<10240x128xf32, #tpu.memory_space<vmem_shared>> -> memref<128x128xf32, #tpu.memory_space<vmem_shared>>
      %dma_wait3A_106 = arith.constant 0 : i32
      %dma_wait3A_107 = tpu.memref_slice %arg7[%add3A_14, %dma_wait3A_106] : memref<10240x128xf32, #tpu.memory_space<vmem_shared>> -> memref<128x128xf32, #tpu.memory_space<vmem_shared>>
      tpu.wait_dma2 semaphore(%run_scoped3A_99 : memref<!tpu.dma_semaphore, #tpu.memory_space<semaphore_mem>>) src(%arg8 : memref<128x128xf32, #tpu.memory_space<vmem>>) dst(%dma_wait3A_107 : memref<128x128xf32, #tpu.memory_space<vmem_shared>>)
      tpu.yield
    }) : () -> ()
    %add3A_15 = arith.constant 384 : i32
    %add3A_16 = arith.addi %mul3A_4, %add3A_15 : i32
    "tpu.region"() ({
      %run_scoped3A_99 = tpu.sem_alloc : memref<!tpu.dma_semaphore, #tpu.memory_space<semaphore_mem>>
      %dma_start3A_100 = arith.constant 0 : i32
      %dma_start3A_101 = tpu.memref_slice %arg7[%add3A_16, %dma_start3A_100] : memref<10240x128xf32, #tpu.memory_space<vmem_shared>> -> memref<128x128xf32, #tpu.memory_space<vmem_shared>>
      %dma_start3A_102 = arith.constant 0 : i32
      %dma_start3A_103 = tpu.memref_slice %arg7[%add3A_16, %dma_start3A_102] : memref<10240x128xf32, #tpu.memory_space<vmem_shared>> -> memref<128x128xf32, #tpu.memory_space<vmem_shared>>
      tpu.enqueue_dma source(%arg8 : memref<128x128xf32, #tpu.memory_space<vmem>>) target(%dma_start3A_103 : memref<128x128xf32, #tpu.memory_space<vmem_shared>>) target_semaphore(%run_scoped3A_99 : memref<!tpu.dma_semaphore, #tpu.memory_space<semaphore_mem>>)
      %dma_wait3A_104 = arith.constant 0 : i32
      %dma_wait3A_105 = tpu.memref_slice %arg7[%add3A_16, %dma_wait3A_104] : memref<10240x128xf32, #tpu.memory_space<vmem_shared>> -> memref<128x128xf32, #tpu.memory_space<vmem_shared>>
      %dma_wait3A_106 = arith.constant 0 : i32
      %dma_wait3A_107 = tpu.memref_slice %arg7[%add3A_16, %dma_wait3A_106] : memref<10240x128xf32, #tpu.memory_space<vmem_shared>> -> memref<128x128xf32, #tpu.memory_space<vmem_shared>>
      tpu.wait_dma2 semaphore(%run_scoped3A_99 : memref<!tpu.dma_semaphore, #tpu.memory_space<semaphore_mem>>) src(%arg8 : memref<128x128xf32, #tpu.memory_space<vmem>>) dst(%dma_wait3A_107 : memref<128x128xf32, #tpu.memory_space<vmem_shared>>)
      tpu.yield
    }) : () -> ()
    %add3A_17 = arith.constant 512 : i32
    %add3A_18 = arith.addi %mul3A_4, %add3A_17 : i32
    "tpu.region"() ({
      %run_scoped3A_99 = tpu.sem_alloc : memref<!tpu.dma_semaphore, #tpu.memory_space<semaphore_mem>>
      %dma_start3A_100 = arith.constant 0 : i32
      %dma_start3A_101 = tpu.memref_slice %arg7[%add3A_18, %dma_start3A_100] : memref<10240x128xf32, #tpu.memory_space<vmem_shared>> -> memref<128x128xf32, #tpu.memory_space<vmem_shared>>
      %dma_start3A_102 = arith.constant 0 : i32
      %dma_start3A_103 = tpu.memref_slice %arg7[%add3A_18, %dma_start3A_102] : memref<10240x128xf32, #tpu.memory_space<vmem_shared>> -> memref<128x128xf32, #tpu.memory_space<vmem_shared>>
      tpu.enqueue_dma source(%arg8 : memref<128x128xf32, #tpu.memory_space<vmem>>) target(%dma_start3A_103 : memref<128x128xf32, #tpu.memory_space<vmem_shared>>) target_semaphore(%run_scoped3A_99 : memref<!tpu.dma_semaphore, #tpu.memory_space<semaphore_mem>>)
      %dma_wait3A_104 = arith.constant 0 : i32
      %dma_wait3A_105 = tpu.memref_slice %arg7[%add3A_18, %dma_wait3A_104] : memref<10240x128xf32, #tpu.memory_space<vmem_shared>> -> memref<128x128xf32, #tpu.memory_space<vmem_shared>>
      %dma_wait3A_106 = arith.constant 0 : i32
      %dma_wait3A_107 = tpu.memref_slice %arg7[%add3A_18, %dma_wait3A_106] : memref<10240x128xf32, #tpu.memory_space<vmem_shared>> -> memref<128x128xf32, #tpu.memory_space<vmem_shared>>
      tpu.wait_dma2 semaphore(%run_scoped3A_99 : memref<!tpu.dma_semaphore, #tpu.memory_space<semaphore_mem>>) src(%arg8 : memref<128x128xf32, #tpu.memory_space<vmem>>) dst(%dma_wait3A_107 : memref<128x128xf32, #tpu.memory_space<vmem_shared>>)
      tpu.yield
    }) : () -> ()
    %mul3A_19 = arith.constant 80 : i32
    %mul3A_20 = arith.muli %add3A, %mul3A_19 : i32
    %run_scoped3A = arith.constant 0 : i32
    "tpu.region"() ({
      %run_scoped3A_99 = tpu.sem_alloc : memref<!tpu.dma_semaphore, #tpu.memory_space<semaphore_mem>>
      %dma_start3A_100 = arith.constant 0 : i32
      %dma_start3A_101 = tpu.memref_slice %arg3[%run_scoped3A, %mul3A_20, %dma_start3A_100] : memref<2x2560x128xi32, #tpu.memory_space<hbm>> -> memref<1x40x128xi32, #tpu.memory_space<hbm>>
      %dma_start3A_102 = tpu.memref_squeeze %dma_start3A_101 : memref<1x40x128xi32, #tpu.memory_space<hbm>> -> memref<40x128xi32, #tpu.memory_space<hbm>>
      %dma_start3A_103 = arith.constant 0 : i32
      %dma_start3A_104 = tpu.memref_slice %arg3[%run_scoped3A, %mul3A_20, %dma_start3A_103] : memref<2x2560x128xi32, #tpu.memory_space<hbm>> -> memref<1x40x128xi32, #tpu.memory_space<hbm>>
      %dma_start3A_105 = tpu.memref_squeeze %dma_start3A_104 : memref<1x40x128xi32, #tpu.memory_space<hbm>> -> memref<40x128xi32, #tpu.memory_space<hbm>>
      tpu.enqueue_dma source(%dma_start3A_105 : memref<40x128xi32, #tpu.memory_space<hbm>>) target(%arg5 : memref<40x128xi32, #tpu.memory_space<vmem>>) target_semaphore(%run_scoped3A_99 : memref<!tpu.dma_semaphore, #tpu.memory_space<semaphore_mem>>)
      %dma_wait3A_106 = arith.constant 0 : i32
      %dma_wait3A_107 = tpu.memref_slice %arg3[%run_scoped3A, %mul3A_20, %dma_wait3A_106] : memref<2x2560x128xi32, #tpu.memory_space<hbm>> -> memref<1x40x128xi32, #tpu.memory_space<hbm>>
      %dma_wait3A_108 = tpu.memref_squeeze %dma_wait3A_107 : memref<1x40x128xi32, #tpu.memory_space<hbm>> -> memref<40x128xi32, #tpu.memory_space<hbm>>
      %dma_wait3A_109 = arith.constant 0 : i32
      %dma_wait3A_110 = tpu.memref_slice %arg3[%run_scoped3A, %mul3A_20, %dma_wait3A_109] : memref<2x2560x128xi32, #tpu.memory_space<hbm>> -> memref<1x40x128xi32, #tpu.memory_space<hbm>>
      %dma_wait3A_111 = tpu.memref_squeeze %dma_wait3A_110 : memref<1x40x128xi32, #tpu.memory_space<hbm>> -> memref<40x128xi32, #tpu.memory_space<hbm>>
      tpu.wait_dma2 semaphore(%run_scoped3A_99 : memref<!tpu.dma_semaphore, #tpu.memory_space<semaphore_mem>>) src(%dma_wait3A_111 : memref<40x128xi32, #tpu.memory_space<hbm>>) dst(%arg5 : memref<40x128xi32, #tpu.memory_space<vmem>>)
      tpu.yield
    }) : () -> ()
    %mul3A_21 = arith.constant 80 : i32
    %mul3A_22 = arith.muli %add3A, %mul3A_21 : i32
    %run_scoped3A_23 = arith.constant 1 : i32
    "tpu.region"() ({
      %run_scoped3A_99 = tpu.sem_alloc : memref<!tpu.dma_semaphore, #tpu.memory_space<semaphore_mem>>
      %dma_start3A_100 = arith.constant 0 : i32
      %dma_start3A_101 = tpu.memref_slice %arg3[%run_scoped3A_23, %mul3A_22, %dma_start3A_100] : memref<2x2560x128xi32, #tpu.memory_space<hbm>> -> memref<1x40x128xi32, #tpu.memory_space<hbm>>
      %dma_start3A_102 = tpu.memref_squeeze %dma_start3A_101 : memref<1x40x128xi32, #tpu.memory_space<hbm>> -> memref<40x128xi32, #tpu.memory_space<hbm>>
      %dma_start3A_103 = arith.constant 0 : i32
      %dma_start3A_104 = tpu.memref_slice %arg3[%run_scoped3A_23, %mul3A_22, %dma_start3A_103] : memref<2x2560x128xi32, #tpu.memory_space<hbm>> -> memref<1x40x128xi32, #tpu.memory_space<hbm>>
      %dma_start3A_105 = tpu.memref_squeeze %dma_start3A_104 : memref<1x40x128xi32, #tpu.memory_space<hbm>> -> memref<40x128xi32, #tpu.memory_space<hbm>>
      tpu.enqueue_dma source(%dma_start3A_105 : memref<40x128xi32, #tpu.memory_space<hbm>>) target(%arg6 : memref<40x128xi32, #tpu.memory_space<vmem>>) target_semaphore(%run_scoped3A_99 : memref<!tpu.dma_semaphore, #tpu.memory_space<semaphore_mem>>)
      %dma_wait3A_106 = arith.constant 0 : i32
      %dma_wait3A_107 = tpu.memref_slice %arg3[%run_scoped3A_23, %mul3A_22, %dma_wait3A_106] : memref<2x2560x128xi32, #tpu.memory_space<hbm>> -> memref<1x40x128xi32, #tpu.memory_space<hbm>>
      %dma_wait3A_108 = tpu.memref_squeeze %dma_wait3A_107 : memref<1x40x128xi32, #tpu.memory_space<hbm>> -> memref<40x128xi32, #tpu.memory_space<hbm>>
      %dma_wait3A_109 = arith.constant 0 : i32
      %dma_wait3A_110 = tpu.memref_slice %arg3[%run_scoped3A_23, %mul3A_22, %dma_wait3A_109] : memref<2x2560x128xi32, #tpu.memory_space<hbm>> -> memref<1x40x128xi32, #tpu.memory_space<hbm>>
      %dma_wait3A_111 = tpu.memref_squeeze %dma_wait3A_110 : memref<1x40x128xi32, #tpu.memory_space<hbm>> -> memref<40x128xi32, #tpu.memory_space<hbm>>
      tpu.wait_dma2 semaphore(%run_scoped3A_99 : memref<!tpu.dma_semaphore, #tpu.memory_space<semaphore_mem>>) src(%dma_wait3A_111 : memref<40x128xi32, #tpu.memory_space<hbm>>) dst(%arg6 : memref<40x128xi32, #tpu.memory_space<vmem>>)
      tpu.yield
    }) : () -> ()
    %barrier3A = arith.constant 0 : index
    tpu.barrier barrier_id(%barrier3A)
    %dma_start3A = arith.constant 0 : i32
    %dma_start3A_24 = arith.constant 0 : i32
    %dma_start3A_25 = tpu.memref_slice %arg5[%dma_start3A, %dma_start3A_24] : memref<40x128xi32, #tpu.memory_space<vmem>> -> memref<1x128xi32, #tpu.memory_space<vmem>>
    %dma_start3A_26 = tpu.memref_squeeze %dma_start3A_25 : memref<1x128xi32, #tpu.memory_space<vmem>> -> memref<128xi32, #tpu.memory_space<vmem>>
    %dma_start3A_27 = arith.constant 0 : i32
    %dma_start3A_28 = arith.constant 0 : i32
    %dma_start3A_29 = tpu.memref_slice %arg2[%dma_start3A_27, %dma_start3A_28] : memref<10000x128xf32, #tpu.memory_space<hbm>> -> memref<10000x128xf32, #tpu.memory_space<hbm>>
    tpu.enqueue_indirect_dma source(%dma_start3A_29 : memref<10000x128xf32, #tpu.memory_space<hbm>>) target(%arg8 : memref<128x128xf32, #tpu.memory_space<vmem>>) offsets(%dma_start3A_26 : memref<128xi32, #tpu.memory_space<vmem>>) semaphore(%arg10 : memref<!tpu.dma_semaphore, #tpu.memory_space<semaphore_mem>>)
    %dma_start3A_30 = arith.constant 1 : i32
    %dma_start3A_31 = arith.constant 0 : i32
    %dma_start3A_32 = tpu.memref_slice %arg5[%dma_start3A_30, %dma_start3A_31] : memref<40x128xi32, #tpu.memory_space<vmem>> -> memref<1x128xi32, #tpu.memory_space<vmem>>
    %dma_start3A_33 = tpu.memref_squeeze %dma_start3A_32 : memref<1x128xi32, #tpu.memory_space<vmem>> -> memref<128xi32, #tpu.memory_space<vmem>>
    %dma_start3A_34 = arith.constant 0 : i32
    %dma_start3A_35 = arith.constant 0 : i32
    %dma_start3A_36 = tpu.memref_slice %arg2[%dma_start3A_34, %dma_start3A_35] : memref<10000x128xf32, #tpu.memory_space<hbm>> -> memref<10000x128xf32, #tpu.memory_space<hbm>>
    tpu.enqueue_indirect_dma source(%dma_start3A_36 : memref<10000x128xf32, #tpu.memory_space<hbm>>) target(%arg9 : memref<128x128xf32, #tpu.memory_space<vmem>>) offsets(%dma_start3A_33 : memref<128xi32, #tpu.memory_space<vmem>>) semaphore(%arg11 : memref<!tpu.dma_semaphore, #tpu.memory_space<semaphore_mem>>)
    %scan3A_37 = arith.constant 0 : i32
    %scan3A_38 = arith.constant 20 : i32
    %scan3A_39 = arith.addi %scan3A_37, %scan3A_38 : i32
    %scan3A_40 = arith.constant 1 : i32
    scf.for %scan3A_99 = %scan3A_37 to %scan3A_39 step %scan3A_40  : i32 {
      %mul3A_100 = arith.constant 1 : i32
      %mul3A_101 = arith.muli %scan3A_99, %mul3A_100 : i32
      %add3A_102 = arith.constant 0 : i32
      %add3A_103 = arith.addi %add3A_102, %mul3A_101 : i32
      %mul3A_104 = arith.constant 2 : i32
      %mul3A_105 = arith.muli %add3A_103, %mul3A_104 : i32
      %add3A_106 = arith.constant 0 : i32
      %add3A_107 = arith.addi %mul3A_105, %add3A_106 : i32
      %dma_wait3A_108 = arith.constant 0 : i32
      %dma_wait3A_109 = tpu.memref_slice %arg5[%add3A_107, %dma_wait3A_108] : memref<40x128xi32, #tpu.memory_space<vmem>> -> memref<1x128xi32, #tpu.memory_space<vmem>>
      %dma_wait3A_110 = tpu.memref_squeeze %dma_wait3A_109 : memref<1x128xi32, #tpu.memory_space<vmem>> -> memref<128xi32, #tpu.memory_space<vmem>>
      %dma_wait3A_111 = arith.constant 0 : i32
      %dma_wait3A_112 = arith.constant 0 : i32
      %dma_wait3A_113 = tpu.memref_slice %arg2[%dma_wait3A_111, %dma_wait3A_112] : memref<10000x128xf32, #tpu.memory_space<hbm>> -> memref<10000x128xf32, #tpu.memory_space<hbm>>
      tpu.wait_indirect_dma semaphore(%arg10 : memref<!tpu.dma_semaphore, #tpu.memory_space<semaphore_mem>>) src(%dma_wait3A_113 : memref<10000x128xf32, #tpu.memory_space<hbm>>) dst(%arg8 : memref<128x128xf32, #tpu.memory_space<vmem>>)
      %dma_start3A_114 = arith.constant 0 : i32
      %dma_start3A_115 = tpu.memref_slice %arg6[%add3A_107, %dma_start3A_114] : memref<40x128xi32, #tpu.memory_space<vmem>> -> memref<1x128xi32, #tpu.memory_space<vmem>>
      %dma_start3A_116 = tpu.memref_squeeze %dma_start3A_115 : memref<1x128xi32, #tpu.memory_space<vmem>> -> memref<128xi32, #tpu.memory_space<vmem>>
      %dma_start3A_117 = arith.constant 0 : i32
      %dma_start3A_118 = arith.constant 0 : i32
      %dma_start3A_119 = tpu.memref_slice %arg7[%dma_start3A_117, %dma_start3A_118] : memref<10240x128xf32, #tpu.memory_space<vmem_shared>> -> memref<10240x128xf32, #tpu.memory_space<vmem_shared>>
      tpu.enqueue_indirect_dma source(%arg8 : memref<128x128xf32, #tpu.memory_space<vmem>>) target(%dma_start3A_119 : memref<10240x128xf32, #tpu.memory_space<vmem_shared>>) offsets(%dma_start3A_116 : memref<128xi32, #tpu.memory_space<vmem>>) semaphore(%arg12 : memref<!tpu.dma_semaphore, #tpu.memory_space<semaphore_mem>>) {add = true}
      %lt3A = arith.constant 19 : i32
      %lt3A_120 = arith.cmpi slt, %add3A_103, %lt3A : i32
      %convert_element_type3A = arith.extui %lt3A_120 : i1 to i32
      %cond3A = arith.constant 0 : i32
      %cond3A_121 = arith.cmpi ne, %convert_element_type3A, %cond3A : i32
      scf.if %cond3A_121 {
        %dma_wait3A_143 = arith.constant 0 : i32
        %dma_wait3A_144 = tpu.memref_slice %arg6[%add3A_107, %dma_wait3A_143] : memref<40x128xi32, #tpu.memory_space<vmem>> -> memref<1x128xi32, #tpu.memory_space<vmem>>
        %dma_wait3A_145 = tpu.memref_squeeze %dma_wait3A_144 : memref<1x128xi32, #tpu.memory_space<vmem>> -> memref<128xi32, #tpu.memory_space<vmem>>
        %dma_wait3A_146 = arith.constant 0 : i32
        %dma_wait3A_147 = arith.constant 0 : i32
        %dma_wait3A_148 = tpu.memref_slice %arg7[%dma_wait3A_146, %dma_wait3A_147] : memref<10240x128xf32, #tpu.memory_space<vmem_shared>> -> memref<10240x128xf32, #tpu.memory_space<vmem_shared>>
        tpu.wait_indirect_dma semaphore(%arg12 : memref<!tpu.dma_semaphore, #tpu.memory_space<semaphore_mem>>) src(%arg8 : memref<128x128xf32, #tpu.memory_space<vmem>>) dst(%dma_wait3A_148 : memref<10240x128xf32, #tpu.memory_space<vmem_shared>>)
        %add3A_149 = arith.constant 2 : i32
        %add3A_150 = arith.addi %add3A_107, %add3A_149 : i32
        %dma_start3A_151 = arith.constant 0 : i32
        %dma_start3A_152 = tpu.memref_slice %arg5[%add3A_150, %dma_start3A_151] : memref<40x128xi32, #tpu.memory_space<vmem>> -> memref<1x128xi32, #tpu.memory_space<vmem>>
        %dma_start3A_153 = tpu.memref_squeeze %dma_start3A_152 : memref<1x128xi32, #tpu.memory_space<vmem>> -> memref<128xi32, #tpu.memory_space<vmem>>
        %dma_start3A_154 = arith.constant 0 : i32
        %dma_start3A_155 = arith.constant 0 : i32
        %dma_start3A_156 = tpu.memref_slice %arg2[%dma_start3A_154, %dma_start3A_155] : memref<10000x128xf32, #tpu.memory_space<hbm>> -> memref<10000x128xf32, #tpu.memory_space<hbm>>
        tpu.enqueue_indirect_dma source(%dma_start3A_156 : memref<10000x128xf32, #tpu.memory_space<hbm>>) target(%arg8 : memref<128x128xf32, #tpu.memory_space<vmem>>) offsets(%dma_start3A_153 : memref<128xi32, #tpu.memory_space<vmem>>) semaphore(%arg10 : memref<!tpu.dma_semaphore, #tpu.memory_space<semaphore_mem>>)
      } else {
      }
      %mul3A_122 = arith.constant 2 : i32
      %mul3A_123 = arith.muli %add3A_103, %mul3A_122 : i32
      %add3A_124 = arith.constant 1 : i32
      %add3A_125 = arith.addi %mul3A_123, %add3A_124 : i32
      %dma_wait3A_126 = arith.constant 0 : i32
      %dma_wait3A_127 = tpu.memref_slice %arg5[%add3A_125, %dma_wait3A_126] : memref<40x128xi32, #tpu.memory_space<vmem>> -> memref<1x128xi32, #tpu.memory_space<vmem>>
      %dma_wait3A_128 = tpu.memref_squeeze %dma_wait3A_127 : memref<1x128xi32, #tpu.memory_space<vmem>> -> memref<128xi32, #tpu.memory_space<vmem>>
      %dma_wait3A_129 = arith.constant 0 : i32
      %dma_wait3A_130 = arith.constant 0 : i32
      %dma_wait3A_131 = tpu.memref_slice %arg2[%dma_wait3A_129, %dma_wait3A_130] : memref<10000x128xf32, #tpu.memory_space<hbm>> -> memref<10000x128xf32, #tpu.memory_space<hbm>>
      tpu.wait_indirect_dma semaphore(%arg11 : memref<!tpu.dma_semaphore, #tpu.memory_space<semaphore_mem>>) src(%dma_wait3A_131 : memref<10000x128xf32, #tpu.memory_space<hbm>>) dst(%arg9 : memref<128x128xf32, #tpu.memory_space<vmem>>)
      %dma_start3A_132 = arith.constant 0 : i32
      %dma_start3A_133 = tpu.memref_slice %arg6[%add3A_125, %dma_start3A_132] : memref<40x128xi32, #tpu.memory_space<vmem>> -> memref<1x128xi32, #tpu.memory_space<vmem>>
      %dma_start3A_134 = tpu.memref_squeeze %dma_start3A_133 : memref<1x128xi32, #tpu.memory_space<vmem>> -> memref<128xi32, #tpu.memory_space<vmem>>
      %dma_start3A_135 = arith.constant 0 : i32
      %dma_start3A_136 = arith.constant 0 : i32
      %dma_start3A_137 = tpu.memref_slice %arg7[%dma_start3A_135, %dma_start3A_136] : memref<10240x128xf32, #tpu.memory_space<vmem_shared>> -> memref<10240x128xf32, #tpu.memory_space<vmem_shared>>
      tpu.enqueue_indirect_dma source(%arg9 : memref<128x128xf32, #tpu.memory_space<vmem>>) target(%dma_start3A_137 : memref<10240x128xf32, #tpu.memory_space<vmem_shared>>) offsets(%dma_start3A_134 : memref<128xi32, #tpu.memory_space<vmem>>) semaphore(%arg13 : memref<!tpu.dma_semaphore, #tpu.memory_space<semaphore_mem>>) {add = true}
      %lt3A_138 = arith.constant 19 : i32
      %lt3A_139 = arith.cmpi slt, %add3A_103, %lt3A_138 : i32
      %convert_element_type3A_140 = arith.extui %lt3A_139 : i1 to i32
      %cond3A_141 = arith.constant 0 : i32
      %cond3A_142 = arith.cmpi ne, %convert_element_type3A_140, %cond3A_141 : i32
      scf.if %cond3A_142 {
        %dma_wait3A_143 = arith.constant 0 : i32
        %dma_wait3A_144 = tpu.memref_slice %arg6[%add3A_125, %dma_wait3A_143] : memref<40x128xi32, #tpu.memory_space<vmem>> -> memref<1x128xi32, #tpu.memory_space<vmem>>
        %dma_wait3A_145 = tpu.memref_squeeze %dma_wait3A_144 : memref<1x128xi32, #tpu.memory_space<vmem>> -> memref<128xi32, #tpu.memory_space<vmem>>
        %dma_wait3A_146 = arith.constant 0 : i32
        %dma_wait3A_147 = arith.constant 0 : i32
        %dma_wait3A_148 = tpu.memref_slice %arg7[%dma_wait3A_146, %dma_wait3A_147] : memref<10240x128xf32, #tpu.memory_space<vmem_shared>> -> memref<10240x128xf32, #tpu.memory_space<vmem_shared>>
        tpu.wait_indirect_dma semaphore(%arg13 : memref<!tpu.dma_semaphore, #tpu.memory_space<semaphore_mem>>) src(%arg9 : memref<128x128xf32, #tpu.memory_space<vmem>>) dst(%dma_wait3A_148 : memref<10240x128xf32, #tpu.memory_space<vmem_shared>>)
        %add3A_149 = arith.constant 2 : i32
        %add3A_150 = arith.addi %add3A_125, %add3A_149 : i32
        %dma_start3A_151 = arith.constant 0 : i32
        %dma_start3A_152 = tpu.memref_slice %arg5[%add3A_150, %dma_start3A_151] : memref<40x128xi32, #tpu.memory_space<vmem>> -> memref<1x128xi32, #tpu.memory_space<vmem>>
        %dma_start3A_153 = tpu.memref_squeeze %dma_start3A_152 : memref<1x128xi32, #tpu.memory_space<vmem>> -> memref<128xi32, #tpu.memory_space<vmem>>
        %dma_start3A_154 = arith.constant 0 : i32
        %dma_start3A_155 = arith.constant 0 : i32
        %dma_start3A_156 = tpu.memref_slice %arg2[%dma_start3A_154, %dma_start3A_155] : memref<10000x128xf32, #tpu.memory_space<hbm>> -> memref<10000x128xf32, #tpu.memory_space<hbm>>
        tpu.enqueue_indirect_dma source(%dma_start3A_156 : memref<10000x128xf32, #tpu.memory_space<hbm>>) target(%arg9 : memref<128x128xf32, #tpu.memory_space<vmem>>) offsets(%dma_start3A_153 : memref<128xi32, #tpu.memory_space<vmem>>) semaphore(%arg11 : memref<!tpu.dma_semaphore, #tpu.memory_space<semaphore_mem>>)
      } else {
      }
    }
    %scan3A_41 = arith.constant 20 : i32
    %dma_wait3A = arith.constant 38 : i32
    %dma_wait3A_42 = arith.constant 0 : i32
    %dma_wait3A_43 = tpu.memref_slice %arg6[%dma_wait3A, %dma_wait3A_42] : memref<40x128xi32, #tpu.memory_space<vmem>> -> memref<1x128xi32, #tpu.memory_space<vmem>>
    %dma_wait3A_44 = tpu.memref_squeeze %dma_wait3A_43 : memref<1x128xi32, #tpu.memory_space<vmem>> -> memref<128xi32, #tpu.memory_space<vmem>>
    %dma_wait3A_45 = arith.constant 0 : i32
    %dma_wait3A_46 = arith.constant 0 : i32
    %dma_wait3A_47 = tpu.memref_slice %arg7[%dma_wait3A_45, %dma_wait3A_46] : memref<10240x128xf32, #tpu.memory_space<vmem_shared>> -> memref<10240x128xf32, #tpu.memory_space<vmem_shared>>
    tpu.wait_indirect_dma semaphore(%arg12 : memref<!tpu.dma_semaphore, #tpu.memory_space<semaphore_mem>>) src(%arg8 : memref<128x128xf32, #tpu.memory_space<vmem>>) dst(%dma_wait3A_47 : memref<10240x128xf32, #tpu.memory_space<vmem_shared>>)
    %dma_wait3A_48 = arith.constant 39 : i32
    %dma_wait3A_49 = arith.constant 0 : i32
    %dma_wait3A_50 = tpu.memref_slice %arg6[%dma_wait3A_48, %dma_wait3A_49] : memref<40x128xi32, #tpu.memory_space<vmem>> -> memref<1x128xi32, #tpu.memory_space<vmem>>
    %dma_wait3A_51 = tpu.memref_squeeze %dma_wait3A_50 : memref<1x128xi32, #tpu.memory_space<vmem>> -> memref<128xi32, #tpu.memory_space<vmem>>
    %dma_wait3A_52 = arith.constant 0 : i32
    %dma_wait3A_53 = arith.constant 0 : i32
    %dma_wait3A_54 = tpu.memref_slice %arg7[%dma_wait3A_52, %dma_wait3A_53] : memref<10240x128xf32, #tpu.memory_space<vmem_shared>> -> memref<10240x128xf32, #tpu.memory_space<vmem_shared>>
    tpu.wait_indirect_dma semaphore(%arg13 : memref<!tpu.dma_semaphore, #tpu.memory_space<semaphore_mem>>) src(%arg9 : memref<128x128xf32, #tpu.memory_space<vmem>>) dst(%dma_wait3A_54 : memref<10240x128xf32, #tpu.memory_space<vmem_shared>>)
    %mul3A_55 = arith.constant 80 : i32
    %mul3A_56 = arith.muli %add3A, %mul3A_55 : i32
    %add3A_57 = arith.constant 40 : i32
    %add3A_58 = arith.addi %mul3A_56, %add3A_57 : i32
    %run_scoped3A_59 = arith.constant 0 : i32
    "tpu.region"() ({
      %run_scoped3A_99 = tpu.sem_alloc : memref<!tpu.dma_semaphore, #tpu.memory_space<semaphore_mem>>
      %dma_start3A_100 = arith.constant 0 : i32
      %dma_start3A_101 = tpu.memref_slice %arg3[%run_scoped3A_59, %add3A_58, %dma_start3A_100] : memref<2x2560x128xi32, #tpu.memory_space<hbm>> -> memref<1x40x128xi32, #tpu.memory_space<hbm>>
      %dma_start3A_102 = tpu.memref_squeeze %dma_start3A_101 : memref<1x40x128xi32, #tpu.memory_space<hbm>> -> memref<40x128xi32, #tpu.memory_space<hbm>>
      %dma_start3A_103 = arith.constant 0 : i32
      %dma_start3A_104 = tpu.memref_slice %arg3[%run_scoped3A_59, %add3A_58, %dma_start3A_103] : memref<2x2560x128xi32, #tpu.memory_space<hbm>> -> memref<1x40x128xi32, #tpu.memory_space<hbm>>
      %dma_start3A_105 = tpu.memref_squeeze %dma_start3A_104 : memref<1x40x128xi32, #tpu.memory_space<hbm>> -> memref<40x128xi32, #tpu.memory_space<hbm>>
      tpu.enqueue_dma source(%dma_start3A_105 : memref<40x128xi32, #tpu.memory_space<hbm>>) target(%arg5 : memref<40x128xi32, #tpu.memory_space<vmem>>) target_semaphore(%run_scoped3A_99 : memref<!tpu.dma_semaphore, #tpu.memory_space<semaphore_mem>>)
      %dma_wait3A_106 = arith.constant 0 : i32
      %dma_wait3A_107 = tpu.memref_slice %arg3[%run_scoped3A_59, %add3A_58, %dma_wait3A_106] : memref<2x2560x128xi32, #tpu.memory_space<hbm>> -> memref<1x40x128xi32, #tpu.memory_space<hbm>>
      %dma_wait3A_108 = tpu.memref_squeeze %dma_wait3A_107 : memref<1x40x128xi32, #tpu.memory_space<hbm>> -> memref<40x128xi32, #tpu.memory_space<hbm>>
      %dma_wait3A_109 = arith.constant 0 : i32
      %dma_wait3A_110 = tpu.memref_slice %arg3[%run_scoped3A_59, %add3A_58, %dma_wait3A_109] : memref<2x2560x128xi32, #tpu.memory_space<hbm>> -> memref<1x40x128xi32, #tpu.memory_space<hbm>>
      %dma_wait3A_111 = tpu.memref_squeeze %dma_wait3A_110 : memref<1x40x128xi32, #tpu.memory_space<hbm>> -> memref<40x128xi32, #tpu.memory_space<hbm>>
      tpu.wait_dma2 semaphore(%run_scoped3A_99 : memref<!tpu.dma_semaphore, #tpu.memory_space<semaphore_mem>>) src(%dma_wait3A_111 : memref<40x128xi32, #tpu.memory_space<hbm>>) dst(%arg5 : memref<40x128xi32, #tpu.memory_space<vmem>>)
      tpu.yield
    }) : () -> ()
    %mul3A_60 = arith.constant 80 : i32
    %mul3A_61 = arith.muli %add3A, %mul3A_60 : i32
    %add3A_62 = arith.constant 40 : i32
    %add3A_63 = arith.addi %mul3A_61, %add3A_62 : i32
    %run_scoped3A_64 = arith.constant 1 : i32
    "tpu.region"() ({
      %run_scoped3A_99 = tpu.sem_alloc : memref<!tpu.dma_semaphore, #tpu.memory_space<semaphore_mem>>
      %dma_start3A_100 = arith.constant 0 : i32
      %dma_start3A_101 = tpu.memref_slice %arg3[%run_scoped3A_64, %add3A_63, %dma_start3A_100] : memref<2x2560x128xi32, #tpu.memory_space<hbm>> -> memref<1x40x128xi32, #tpu.memory_space<hbm>>
      %dma_start3A_102 = tpu.memref_squeeze %dma_start3A_101 : memref<1x40x128xi32, #tpu.memory_space<hbm>> -> memref<40x128xi32, #tpu.memory_space<hbm>>
      %dma_start3A_103 = arith.constant 0 : i32
      %dma_start3A_104 = tpu.memref_slice %arg3[%run_scoped3A_64, %add3A_63, %dma_start3A_103] : memref<2x2560x128xi32, #tpu.memory_space<hbm>> -> memref<1x40x128xi32, #tpu.memory_space<hbm>>
      %dma_start3A_105 = tpu.memref_squeeze %dma_start3A_104 : memref<1x40x128xi32, #tpu.memory_space<hbm>> -> memref<40x128xi32, #tpu.memory_space<hbm>>
      tpu.enqueue_dma source(%dma_start3A_105 : memref<40x128xi32, #tpu.memory_space<hbm>>) target(%arg6 : memref<40x128xi32, #tpu.memory_space<vmem>>) target_semaphore(%run_scoped3A_99 : memref<!tpu.dma_semaphore, #tpu.memory_space<semaphore_mem>>)
      %dma_wait3A_106 = arith.constant 0 : i32
      %dma_wait3A_107 = tpu.memref_slice %arg3[%run_scoped3A_64, %add3A_63, %dma_wait3A_106] : memref<2x2560x128xi32, #tpu.memory_space<hbm>> -> memref<1x40x128xi32, #tpu.memory_space<hbm>>
      %dma_wait3A_108 = tpu.memref_squeeze %dma_wait3A_107 : memref<1x40x128xi32, #tpu.memory_space<hbm>> -> memref<40x128xi32, #tpu.memory_space<hbm>>
      %dma_wait3A_109 = arith.constant 0 : i32
      %dma_wait3A_110 = tpu.memref_slice %arg3[%run_scoped3A_64, %add3A_63, %dma_wait3A_109] : memref<2x2560x128xi32, #tpu.memory_space<hbm>> -> memref<1x40x128xi32, #tpu.memory_space<hbm>>
      %dma_wait3A_111 = tpu.memref_squeeze %dma_wait3A_110 : memref<1x40x128xi32, #tpu.memory_space<hbm>> -> memref<40x128xi32, #tpu.memory_space<hbm>>
      tpu.wait_dma2 semaphore(%run_scoped3A_99 : memref<!tpu.dma_semaphore, #tpu.memory_space<semaphore_mem>>) src(%dma_wait3A_111 : memref<40x128xi32, #tpu.memory_space<hbm>>) dst(%arg6 : memref<40x128xi32, #tpu.memory_space<vmem>>)
      tpu.yield
    }) : () -> ()
    %dma_start3A_65 = arith.constant 0 : i32
    %dma_start3A_66 = arith.constant 0 : i32
    %dma_start3A_67 = tpu.memref_slice %arg5[%dma_start3A_65, %dma_start3A_66] : memref<40x128xi32, #tpu.memory_space<vmem>> -> memref<1x128xi32, #tpu.memory_space<vmem>>
    %dma_start3A_68 = tpu.memref_squeeze %dma_start3A_67 : memref<1x128xi32, #tpu.memory_space<vmem>> -> memref<128xi32, #tpu.memory_space<vmem>>
    %dma_start3A_69 = arith.constant 0 : i32
    %dma_start3A_70 = arith.constant 0 : i32
    %dma_start3A_71 = tpu.memref_slice %arg2[%dma_start3A_69, %dma_start3A_70] : memref<10000x128xf32, #tpu.memory_space<hbm>> -> memref<10000x128xf32, #tpu.memory_space<hbm>>
    tpu.enqueue_indirect_dma source(%dma_start3A_71 : memref<10000x128xf32, #tpu.memory_space<hbm>>) target(%arg8 : memref<128x128xf32, #tpu.memory_space<vmem>>) offsets(%dma_start3A_68 : memref<128xi32, #tpu.memory_space<vmem>>) semaphore(%arg10 : memref<!tpu.dma_semaphore, #tpu.memory_space<semaphore_mem>>)
    %dma_start3A_72 = arith.constant 1 : i32
    %dma_start3A_73 = arith.constant 0 : i32
    %dma_start3A_74 = tpu.memref_slice %arg5[%dma_start3A_72, %dma_start3A_73] : memref<40x128xi32, #tpu.memory_space<vmem>> -> memref<1x128xi32, #tpu.memory_space<vmem>>
    %dma_start3A_75 = tpu.memref_squeeze %dma_start3A_74 : memref<1x128xi32, #tpu.memory_space<vmem>> -> memref<128xi32, #tpu.memory_space<vmem>>
    %dma_start3A_76 = arith.constant 0 : i32
    %dma_start3A_77 = arith.constant 0 : i32
    %dma_start3A_78 = tpu.memref_slice %arg2[%dma_start3A_76, %dma_start3A_77] : memref<10000x128xf32, #tpu.memory_space<hbm>> -> memref<10000x128xf32, #tpu.memory_space<hbm>>
    tpu.enqueue_indirect_dma source(%dma_start3A_78 : memref<10000x128xf32, #tpu.memory_space<hbm>>) target(%arg9 : memref<128x128xf32, #tpu.memory_space<vmem>>) offsets(%dma_start3A_75 : memref<128xi32, #tpu.memory_space<vmem>>) semaphore(%arg11 : memref<!tpu.dma_semaphore, #tpu.memory_space<semaphore_mem>>)
    %scan3A_79 = arith.constant 0 : i32
    %scan3A_80 = arith.constant 20 : i32
    %scan3A_81 = arith.addi %scan3A_79, %scan3A_80 : i32
    %scan3A_82 = arith.constant 1 : i32
    scf.for %scan3A_99 = %scan3A_79 to %scan3A_81 step %scan3A_82  : i32 {
      %mul3A_100 = arith.constant 1 : i32
      %mul3A_101 = arith.muli %scan3A_99, %mul3A_100 : i32
      %add3A_102 = arith.constant 0 : i32
      %add3A_103 = arith.addi %add3A_102, %mul3A_101 : i32
      %mul3A_104 = arith.constant 2 : i32
      %mul3A_105 = arith.muli %add3A_103, %mul3A_104 : i32
      %add3A_106 = arith.constant 0 : i32
      %add3A_107 = arith.addi %mul3A_105, %add3A_106 : i32
      %dma_wait3A_108 = arith.constant 0 : i32
      %dma_wait3A_109 = tpu.memref_slice %arg5[%add3A_107, %dma_wait3A_108] : memref<40x128xi32, #tpu.memory_space<vmem>> -> memref<1x128xi32, #tpu.memory_space<vmem>>
      %dma_wait3A_110 = tpu.memref_squeeze %dma_wait3A_109 : memref<1x128xi32, #tpu.memory_space<vmem>> -> memref<128xi32, #tpu.memory_space<vmem>>
      %dma_wait3A_111 = arith.constant 0 : i32
      %dma_wait3A_112 = arith.constant 0 : i32
      %dma_wait3A_113 = tpu.memref_slice %arg2[%dma_wait3A_111, %dma_wait3A_112] : memref<10000x128xf32, #tpu.memory_space<hbm>> -> memref<10000x128xf32, #tpu.memory_space<hbm>>
      tpu.wait_indirect_dma semaphore(%arg10 : memref<!tpu.dma_semaphore, #tpu.memory_space<semaphore_mem>>) src(%dma_wait3A_113 : memref<10000x128xf32, #tpu.memory_space<hbm>>) dst(%arg8 : memref<128x128xf32, #tpu.memory_space<vmem>>)
      %dma_start3A_114 = arith.constant 0 : i32
      %dma_start3A_115 = tpu.memref_slice %arg6[%add3A_107, %dma_start3A_114] : memref<40x128xi32, #tpu.memory_space<vmem>> -> memref<1x128xi32, #tpu.memory_space<vmem>>
      %dma_start3A_116 = tpu.memref_squeeze %dma_start3A_115 : memref<1x128xi32, #tpu.memory_space<vmem>> -> memref<128xi32, #tpu.memory_space<vmem>>
      %dma_start3A_117 = arith.constant 0 : i32
      %dma_start3A_118 = arith.constant 0 : i32
      %dma_start3A_119 = tpu.memref_slice %arg7[%dma_start3A_117, %dma_start3A_118] : memref<10240x128xf32, #tpu.memory_space<vmem_shared>> -> memref<10240x128xf32, #tpu.memory_space<vmem_shared>>
      tpu.enqueue_indirect_dma source(%arg8 : memref<128x128xf32, #tpu.memory_space<vmem>>) target(%dma_start3A_119 : memref<10240x128xf32, #tpu.memory_space<vmem_shared>>) offsets(%dma_start3A_116 : memref<128xi32, #tpu.memory_space<vmem>>) semaphore(%arg12 : memref<!tpu.dma_semaphore, #tpu.memory_space<semaphore_mem>>) {add = true}
      %lt3A = arith.constant 19 : i32
      %lt3A_120 = arith.cmpi slt, %add3A_103, %lt3A : i32
      %convert_element_type3A = arith.extui %lt3A_120 : i1 to i32
      %cond3A = arith.constant 0 : i32
      %cond3A_121 = arith.cmpi ne, %convert_element_type3A, %cond3A : i32
      scf.if %cond3A_121 {
        %dma_wait3A_143 = arith.constant 0 : i32
        %dma_wait3A_144 = tpu.memref_slice %arg6[%add3A_107, %dma_wait3A_143] : memref<40x128xi32, #tpu.memory_space<vmem>> -> memref<1x128xi32, #tpu.memory_space<vmem>>
        %dma_wait3A_145 = tpu.memref_squeeze %dma_wait3A_144 : memref<1x128xi32, #tpu.memory_space<vmem>> -> memref<128xi32, #tpu.memory_space<vmem>>
        %dma_wait3A_146 = arith.constant 0 : i32
        %dma_wait3A_147 = arith.constant 0 : i32
        %dma_wait3A_148 = tpu.memref_slice %arg7[%dma_wait3A_146, %dma_wait3A_147] : memref<10240x128xf32, #tpu.memory_space<vmem_shared>> -> memref<10240x128xf32, #tpu.memory_space<vmem_shared>>
        tpu.wait_indirect_dma semaphore(%arg12 : memref<!tpu.dma_semaphore, #tpu.memory_space<semaphore_mem>>) src(%arg8 : memref<128x128xf32, #tpu.memory_space<vmem>>) dst(%dma_wait3A_148 : memref<10240x128xf32, #tpu.memory_space<vmem_shared>>)
        %add3A_149 = arith.constant 2 : i32
        %add3A_150 = arith.addi %add3A_107, %add3A_149 : i32
        %dma_start3A_151 = arith.constant 0 : i32
        %dma_start3A_152 = tpu.memref_slice %arg5[%add3A_150, %dma_start3A_151] : memref<40x128xi32, #tpu.memory_space<vmem>> -> memref<1x128xi32, #tpu.memory_space<vmem>>
        %dma_start3A_153 = tpu.memref_squeeze %dma_start3A_152 : memref<1x128xi32, #tpu.memory_space<vmem>> -> memref<128xi32, #tpu.memory_space<vmem>>
        %dma_start3A_154 = arith.constant 0 : i32
        %dma_start3A_155 = arith.constant 0 : i32
        %dma_start3A_156 = tpu.memref_slice %arg2[%dma_start3A_154, %dma_start3A_155] : memref<10000x128xf32, #tpu.memory_space<hbm>> -> memref<10000x128xf32, #tpu.memory_space<hbm>>
        tpu.enqueue_indirect_dma source(%dma_start3A_156 : memref<10000x128xf32, #tpu.memory_space<hbm>>) target(%arg8 : memref<128x128xf32, #tpu.memory_space<vmem>>) offsets(%dma_start3A_153 : memref<128xi32, #tpu.memory_space<vmem>>) semaphore(%arg10 : memref<!tpu.dma_semaphore, #tpu.memory_space<semaphore_mem>>)
      } else {
      }
      %mul3A_122 = arith.constant 2 : i32
      %mul3A_123 = arith.muli %add3A_103, %mul3A_122 : i32
      %add3A_124 = arith.constant 1 : i32
      %add3A_125 = arith.addi %mul3A_123, %add3A_124 : i32
      %dma_wait3A_126 = arith.constant 0 : i32
      %dma_wait3A_127 = tpu.memref_slice %arg5[%add3A_125, %dma_wait3A_126] : memref<40x128xi32, #tpu.memory_space<vmem>> -> memref<1x128xi32, #tpu.memory_space<vmem>>
      %dma_wait3A_128 = tpu.memref_squeeze %dma_wait3A_127 : memref<1x128xi32, #tpu.memory_space<vmem>> -> memref<128xi32, #tpu.memory_space<vmem>>
      %dma_wait3A_129 = arith.constant 0 : i32
      %dma_wait3A_130 = arith.constant 0 : i32
      %dma_wait3A_131 = tpu.memref_slice %arg2[%dma_wait3A_129, %dma_wait3A_130] : memref<10000x128xf32, #tpu.memory_space<hbm>> -> memref<10000x128xf32, #tpu.memory_space<hbm>>
      tpu.wait_indirect_dma semaphore(%arg11 : memref<!tpu.dma_semaphore, #tpu.memory_space<semaphore_mem>>) src(%dma_wait3A_131 : memref<10000x128xf32, #tpu.memory_space<hbm>>) dst(%arg9 : memref<128x128xf32, #tpu.memory_space<vmem>>)
      %dma_start3A_132 = arith.constant 0 : i32
      %dma_start3A_133 = tpu.memref_slice %arg6[%add3A_125, %dma_start3A_132] : memref<40x128xi32, #tpu.memory_space<vmem>> -> memref<1x128xi32, #tpu.memory_space<vmem>>
      %dma_start3A_134 = tpu.memref_squeeze %dma_start3A_133 : memref<1x128xi32, #tpu.memory_space<vmem>> -> memref<128xi32, #tpu.memory_space<vmem>>
      %dma_start3A_135 = arith.constant 0 : i32
      %dma_start3A_136 = arith.constant 0 : i32
      %dma_start3A_137 = tpu.memref_slice %arg7[%dma_start3A_135, %dma_start3A_136] : memref<10240x128xf32, #tpu.memory_space<vmem_shared>> -> memref<10240x128xf32, #tpu.memory_space<vmem_shared>>
      tpu.enqueue_indirect_dma source(%arg9 : memref<128x128xf32, #tpu.memory_space<vmem>>) target(%dma_start3A_137 : memref<10240x128xf32, #tpu.memory_space<vmem_shared>>) offsets(%dma_start3A_134 : memref<128xi32, #tpu.memory_space<vmem>>) semaphore(%arg13 : memref<!tpu.dma_semaphore, #tpu.memory_space<semaphore_mem>>) {add = true}
      %lt3A_138 = arith.constant 19 : i32
      %lt3A_139 = arith.cmpi slt, %add3A_103, %lt3A_138 : i32
      %convert_element_type3A_140 = arith.extui %lt3A_139 : i1 to i32
      %cond3A_141 = arith.constant 0 : i32
      %cond3A_142 = arith.cmpi ne, %convert_element_type3A_140, %cond3A_141 : i32
      scf.if %cond3A_142 {
        %dma_wait3A_143 = arith.constant 0 : i32
        %dma_wait3A_144 = tpu.memref_slice %arg6[%add3A_125, %dma_wait3A_143] : memref<40x128xi32, #tpu.memory_space<vmem>> -> memref<1x128xi32, #tpu.memory_space<vmem>>
        %dma_wait3A_145 = tpu.memref_squeeze %dma_wait3A_144 : memref<1x128xi32, #tpu.memory_space<vmem>> -> memref<128xi32, #tpu.memory_space<vmem>>
        %dma_wait3A_146 = arith.constant 0 : i32
        %dma_wait3A_147 = arith.constant 0 : i32
        %dma_wait3A_148 = tpu.memref_slice %arg7[%dma_wait3A_146, %dma_wait3A_147] : memref<10240x128xf32, #tpu.memory_space<vmem_shared>> -> memref<10240x128xf32, #tpu.memory_space<vmem_shared>>
        tpu.wait_indirect_dma semaphore(%arg13 : memref<!tpu.dma_semaphore, #tpu.memory_space<semaphore_mem>>) src(%arg9 : memref<128x128xf32, #tpu.memory_space<vmem>>) dst(%dma_wait3A_148 : memref<10240x128xf32, #tpu.memory_space<vmem_shared>>)
        %add3A_149 = arith.constant 2 : i32
        %add3A_150 = arith.addi %add3A_125, %add3A_149 : i32
        %dma_start3A_151 = arith.constant 0 : i32
        %dma_start3A_152 = tpu.memref_slice %arg5[%add3A_150, %dma_start3A_151] : memref<40x128xi32, #tpu.memory_space<vmem>> -> memref<1x128xi32, #tpu.memory_space<vmem>>
        %dma_start3A_153 = tpu.memref_squeeze %dma_start3A_152 : memref<1x128xi32, #tpu.memory_space<vmem>> -> memref<128xi32, #tpu.memory_space<vmem>>
        %dma_start3A_154 = arith.constant 0 : i32
        %dma_start3A_155 = arith.constant 0 : i32
        %dma_start3A_156 = tpu.memref_slice %arg2[%dma_start3A_154, %dma_start3A_155] : memref<10000x128xf32, #tpu.memory_space<hbm>> -> memref<10000x128xf32, #tpu.memory_space<hbm>>
        tpu.enqueue_indirect_dma source(%dma_start3A_156 : memref<10000x128xf32, #tpu.memory_space<hbm>>) target(%arg9 : memref<128x128xf32, #tpu.memory_space<vmem>>) offsets(%dma_start3A_153 : memref<128xi32, #tpu.memory_space<vmem>>) semaphore(%arg11 : memref<!tpu.dma_semaphore, #tpu.memory_space<semaphore_mem>>)
      } else {
      }
    }
    %scan3A_83 = arith.constant 20 : i32
    %dma_wait3A_84 = arith.constant 38 : i32
    %dma_wait3A_85 = arith.constant 0 : i32
    %dma_wait3A_86 = tpu.memref_slice %arg6[%dma_wait3A_84, %dma_wait3A_85] : memref<40x128xi32, #tpu.memory_space<vmem>> -> memref<1x128xi32, #tpu.memory_space<vmem>>
    %dma_wait3A_87 = tpu.memref_squeeze %dma_wait3A_86 : memref<1x128xi32, #tpu.memory_space<vmem>> -> memref<128xi32, #tpu.memory_space<vmem>>
    %dma_wait3A_88 = arith.constant 0 : i32
    %dma_wait3A_89 = arith.constant 0 : i32
    %dma_wait3A_90 = tpu.memref_slice %arg7[%dma_wait3A_88, %dma_wait3A_89] : memref<10240x128xf32, #tpu.memory_space<vmem_shared>> -> memref<10240x128xf32, #tpu.memory_space<vmem_shared>>
    tpu.wait_indirect_dma semaphore(%arg12 : memref<!tpu.dma_semaphore, #tpu.memory_space<semaphore_mem>>) src(%arg8 : memref<128x128xf32, #tpu.memory_space<vmem>>) dst(%dma_wait3A_90 : memref<10240x128xf32, #tpu.memory_space<vmem_shared>>)
    %dma_wait3A_91 = arith.constant 39 : i32
    %dma_wait3A_92 = arith.constant 0 : i32
    %dma_wait3A_93 = tpu.memref_slice %arg6[%dma_wait3A_91, %dma_wait3A_92] : memref<40x128xi32, #tpu.memory_space<vmem>> -> memref<1x128xi32, #tpu.memory_space<vmem>>
    %dma_wait3A_94 = tpu.memref_squeeze %dma_wait3A_93 : memref<1x128xi32, #tpu.memory_space<vmem>> -> memref<128xi32, #tpu.memory_space<vmem>>
    %dma_wait3A_95 = arith.constant 0 : i32
    %dma_wait3A_96 = arith.constant 0 : i32
    %dma_wait3A_97 = tpu.memref_slice %arg7[%dma_wait3A_95, %dma_wait3A_96] : memref<10240x128xf32, #tpu.memory_space<vmem_shared>> -> memref<10240x128xf32, #tpu.memory_space<vmem_shared>>
    tpu.wait_indirect_dma semaphore(%arg13 : memref<!tpu.dma_semaphore, #tpu.memory_space<semaphore_mem>>) src(%arg9 : memref<128x128xf32, #tpu.memory_space<vmem>>) dst(%dma_wait3A_97 : memref<10240x128xf32, #tpu.memory_space<vmem_shared>>)
    %barrier3A_98 = arith.constant 0 : index
    tpu.barrier barrier_id(%barrier3A_98)
    "tpu.region"() ({
      %run_scoped3A_99 = tpu.sem_alloc : memref<!tpu.dma_semaphore, #tpu.memory_space<semaphore_mem>>
      %dma_start3A_100 = arith.constant 0 : i32
      %dma_start3A_101 = tpu.memref_slice %arg4[%arg0, %mul3A_2, %dma_start3A_100] : memref<2x10240x128xf32, #tpu.memory_space<hbm>> -> memref<1x640x128xf32, #tpu.memory_space<hbm>>
      %dma_start3A_102 = tpu.memref_squeeze %dma_start3A_101 : memref<1x640x128xf32, #tpu.memory_space<hbm>> -> memref<640x128xf32, #tpu.memory_space<hbm>>
      %dma_start3A_103 = arith.constant 0 : i32
      %dma_start3A_104 = tpu.memref_slice %arg7[%mul3A_2, %dma_start3A_103] : memref<10240x128xf32, #tpu.memory_space<vmem_shared>> -> memref<640x128xf32, #tpu.memory_space<vmem_shared>>
      tpu.enqueue_dma source(%dma_start3A_104 : memref<640x128xf32, #tpu.memory_space<vmem_shared>>) target(%dma_start3A_102 : memref<640x128xf32, #tpu.memory_space<hbm>>) target_semaphore(%run_scoped3A_99 : memref<!tpu.dma_semaphore, #tpu.memory_space<semaphore_mem>>)
      %dma_wait3A_105 = arith.constant 0 : i32
      %dma_wait3A_106 = tpu.memref_slice %arg4[%arg0, %mul3A_2, %dma_wait3A_105] : memref<2x10240x128xf32, #tpu.memory_space<hbm>> -> memref<1x640x128xf32, #tpu.memory_space<hbm>>
      %dma_wait3A_107 = tpu.memref_squeeze %dma_wait3A_106 : memref<1x640x128xf32, #tpu.memory_space<hbm>> -> memref<640x128xf32, #tpu.memory_space<hbm>>
      %dma_wait3A_108 = arith.constant 0 : i32
      %dma_wait3A_109 = tpu.memref_slice %arg7[%mul3A_2, %dma_wait3A_108] : memref<10240x128xf32, #tpu.memory_space<vmem_shared>> -> memref<640x128xf32, #tpu.memory_space<vmem_shared>>
      tpu.wait_dma2 semaphore(%run_scoped3A_99 : memref<!tpu.dma_semaphore, #tpu.memory_space<semaphore_mem>>) src(%dma_wait3A_109 : memref<640x128xf32, #tpu.memory_space<vmem_shared>>) dst(%dma_wait3A_107 : memref<640x128xf32, #tpu.memory_space<hbm>>)
      tpu.yield
    }) : () -> ()
    return
  }
}

#map = affine_map<(d0, d1) -> (0, 0, 0)>
module attributes {stable_mosaic.version = 14 : i64} {
  func.func @_deg_kernel(%arg0: i32, %arg1: i32, %arg2: memref<2x2560x128xi32, #tpu.memory_space<hbm>>, %arg3: memref<2x10240x16xf32, #tpu.memory_space<hbm>>, %arg4: memref<80x128xi32, #tpu.memory_space<vmem>>, %arg5: memref<128x16xf32, #tpu.memory_space<vmem>>, %arg6: memref<10240x16xf32, #tpu.memory_space<vmem_shared>>, %arg7: memref<!tpu.dma_semaphore, #tpu.memory_space<semaphore_mem>>, %arg8: memref<!tpu.dma_semaphore, #tpu.memory_space<semaphore_mem>>, %arg9: memref<!tpu.dma_semaphore, #tpu.memory_space<semaphore_mem>>, %arg10: memref<!tpu.dma_semaphore, #tpu.memory_space<semaphore_mem>>) attributes {dimension_semantics = [#tpu.dimension_semantics<core_parallel>, #tpu.dimension_semantics<subcore_parallel>], iteration_bounds = array<i64: 2, 16>, scalar_prefetch = 0 : i64, scratch_operands = 7 : i64, tpu.core_type = #tpu.core_type<sc_vector_subcore>, window_params = [{transform_indices = #map}, {transform_indices = #map}]} {
    %mul3A = arith.constant 2 : i32
    %mul3A_0 = arith.muli %arg1, %mul3A : i32
    %add3A = arith.addi %mul3A_0, %arg0 : i32
    %mul3A_1 = arith.constant 640 : i32
    %mul3A_2 = arith.muli %arg1, %mul3A_1 : i32
    %mul3A_3 = arith.constant 640 : i32
    %mul3A_4 = arith.muli %arg1, %mul3A_3 : i32
    %scan3A = arith.constant 0 : i32
    %scan3A_5 = arith.constant 128 : i32
    %scan3A_6 = arith.addi %scan3A, %scan3A_5 : i32
    %scan3A_7 = arith.constant 1 : i32
    scf.for %scan3A_86 = %scan3A to %scan3A_6 step %scan3A_7  : i32 {
      %mul3A_87 = arith.constant 1 : i32
      %mul3A_88 = arith.muli %scan3A_86, %mul3A_87 : i32
      %add3A_89 = arith.constant 0 : i32
      %add3A_90 = arith.addi %add3A_89, %mul3A_88 : i32
      %broadcast_in_dim3A = arith.constant 0.000000e+00 : f32
      %broadcast_in_dim3A_91 = vector.broadcast %broadcast_in_dim3A : f32 to vector<16xf32>
      %swap3A = arith.index_cast %add3A_90 : i32 to index
      %swap3A_92 = arith.constant 0 : index
      %swap3A_93 = tpu.vector_load %arg5[%swap3A, %swap3A_92] {strides = array<i32>} : memref<128x16xf32, #tpu.memory_space<vmem>>, vector<1x16xf32>,
      %swap3A_94 = vector.shape_cast %swap3A_93 : vector<1x16xf32> to vector<16xf32>
      %swap3A_95 = vector.shape_cast %broadcast_in_dim3A_91 : vector<16xf32> to vector<1x16xf32>
      tpu.vector_store %arg5[%swap3A, %swap3A_92], %swap3A_95 {strides = array<i32>} : memref<128x16xf32, #tpu.memory_space<vmem>>, vector<1x16xf32>,
    }
    %scan3A_8 = arith.constant 128 : i32
    %add3A_9 = arith.constant 0 : i32
    %add3A_10 = arith.addi %mul3A_4, %add3A_9 : i32
    "tpu.region"() ({
      %run_scoped3A_86 = tpu.sem_alloc : memref<!tpu.dma_semaphore, #tpu.memory_space<semaphore_mem>>
      %dma_start3A_87 = arith.constant 0 : i32
      %dma_start3A_88 = tpu.memref_slice %arg6[%add3A_10, %dma_start3A_87] : memref<10240x16xf32, #tpu.memory_space<vmem_shared>> -> memref<128x16xf32, #tpu.memory_space<vmem_shared>>
      %dma_start3A_89 = arith.constant 0 : i32
      %dma_start3A_90 = tpu.memref_slice %arg6[%add3A_10, %dma_start3A_89] : memref<10240x16xf32, #tpu.memory_space<vmem_shared>> -> memref<128x16xf32, #tpu.memory_space<vmem_shared>>
      tpu.enqueue_dma source(%arg5 : memref<128x16xf32, #tpu.memory_space<vmem>>) target(%dma_start3A_90 : memref<128x16xf32, #tpu.memory_space<vmem_shared>>) target_semaphore(%run_scoped3A_86 : memref<!tpu.dma_semaphore, #tpu.memory_space<semaphore_mem>>)
      %dma_wait3A_91 = arith.constant 0 : i32
      %dma_wait3A_92 = tpu.memref_slice %arg6[%add3A_10, %dma_wait3A_91] : memref<10240x16xf32, #tpu.memory_space<vmem_shared>> -> memref<128x16xf32, #tpu.memory_space<vmem_shared>>
      %dma_wait3A_93 = arith.constant 0 : i32
      %dma_wait3A_94 = tpu.memref_slice %arg6[%add3A_10, %dma_wait3A_93] : memref<10240x16xf32, #tpu.memory_space<vmem_shared>> -> memref<128x16xf32, #tpu.memory_space<vmem_shared>>
      tpu.wait_dma2 semaphore(%run_scoped3A_86 : memref<!tpu.dma_semaphore, #tpu.memory_space<semaphore_mem>>) src(%arg5 : memref<128x16xf32, #tpu.memory_space<vmem>>) dst(%dma_wait3A_94 : memref<128x16xf32, #tpu.memory_space<vmem_shared>>)
      tpu.yield
    }) : () -> ()
    %add3A_11 = arith.constant 128 : i32
    %add3A_12 = arith.addi %mul3A_4, %add3A_11 : i32
    "tpu.region"() ({
      %run_scoped3A_86 = tpu.sem_alloc : memref<!tpu.dma_semaphore, #tpu.memory_space<semaphore_mem>>
      %dma_start3A_87 = arith.constant 0 : i32
      %dma_start3A_88 = tpu.memref_slice %arg6[%add3A_12, %dma_start3A_87] : memref<10240x16xf32, #tpu.memory_space<vmem_shared>> -> memref<128x16xf32, #tpu.memory_space<vmem_shared>>
      %dma_start3A_89 = arith.constant 0 : i32
      %dma_start3A_90 = tpu.memref_slice %arg6[%add3A_12, %dma_start3A_89] : memref<10240x16xf32, #tpu.memory_space<vmem_shared>> -> memref<128x16xf32, #tpu.memory_space<vmem_shared>>
      tpu.enqueue_dma source(%arg5 : memref<128x16xf32, #tpu.memory_space<vmem>>) target(%dma_start3A_90 : memref<128x16xf32, #tpu.memory_space<vmem_shared>>) target_semaphore(%run_scoped3A_86 : memref<!tpu.dma_semaphore, #tpu.memory_space<semaphore_mem>>)
      %dma_wait3A_91 = arith.constant 0 : i32
      %dma_wait3A_92 = tpu.memref_slice %arg6[%add3A_12, %dma_wait3A_91] : memref<10240x16xf32, #tpu.memory_space<vmem_shared>> -> memref<128x16xf32, #tpu.memory_space<vmem_shared>>
      %dma_wait3A_93 = arith.constant 0 : i32
      %dma_wait3A_94 = tpu.memref_slice %arg6[%add3A_12, %dma_wait3A_93] : memref<10240x16xf32, #tpu.memory_space<vmem_shared>> -> memref<128x16xf32, #tpu.memory_space<vmem_shared>>
      tpu.wait_dma2 semaphore(%run_scoped3A_86 : memref<!tpu.dma_semaphore, #tpu.memory_space<semaphore_mem>>) src(%arg5 : memref<128x16xf32, #tpu.memory_space<vmem>>) dst(%dma_wait3A_94 : memref<128x16xf32, #tpu.memory_space<vmem_shared>>)
      tpu.yield
    }) : () -> ()
    %add3A_13 = arith.constant 256 : i32
    %add3A_14 = arith.addi %mul3A_4, %add3A_13 : i32
    "tpu.region"() ({
      %run_scoped3A_86 = tpu.sem_alloc : memref<!tpu.dma_semaphore, #tpu.memory_space<semaphore_mem>>
      %dma_start3A_87 = arith.constant 0 : i32
      %dma_start3A_88 = tpu.memref_slice %arg6[%add3A_14, %dma_start3A_87] : memref<10240x16xf32, #tpu.memory_space<vmem_shared>> -> memref<128x16xf32, #tpu.memory_space<vmem_shared>>
      %dma_start3A_89 = arith.constant 0 : i32
      %dma_start3A_90 = tpu.memref_slice %arg6[%add3A_14, %dma_start3A_89] : memref<10240x16xf32, #tpu.memory_space<vmem_shared>> -> memref<128x16xf32, #tpu.memory_space<vmem_shared>>
      tpu.enqueue_dma source(%arg5 : memref<128x16xf32, #tpu.memory_space<vmem>>) target(%dma_start3A_90 : memref<128x16xf32, #tpu.memory_space<vmem_shared>>) target_semaphore(%run_scoped3A_86 : memref<!tpu.dma_semaphore, #tpu.memory_space<semaphore_mem>>)
      %dma_wait3A_91 = arith.constant 0 : i32
      %dma_wait3A_92 = tpu.memref_slice %arg6[%add3A_14, %dma_wait3A_91] : memref<10240x16xf32, #tpu.memory_space<vmem_shared>> -> memref<128x16xf32, #tpu.memory_space<vmem_shared>>
      %dma_wait3A_93 = arith.constant 0 : i32
      %dma_wait3A_94 = tpu.memref_slice %arg6[%add3A_14, %dma_wait3A_93] : memref<10240x16xf32, #tpu.memory_space<vmem_shared>> -> memref<128x16xf32, #tpu.memory_space<vmem_shared>>
      tpu.wait_dma2 semaphore(%run_scoped3A_86 : memref<!tpu.dma_semaphore, #tpu.memory_space<semaphore_mem>>) src(%arg5 : memref<128x16xf32, #tpu.memory_space<vmem>>) dst(%dma_wait3A_94 : memref<128x16xf32, #tpu.memory_space<vmem_shared>>)
      tpu.yield
    }) : () -> ()
    %add3A_15 = arith.constant 384 : i32
    %add3A_16 = arith.addi %mul3A_4, %add3A_15 : i32
    "tpu.region"() ({
      %run_scoped3A_86 = tpu.sem_alloc : memref<!tpu.dma_semaphore, #tpu.memory_space<semaphore_mem>>
      %dma_start3A_87 = arith.constant 0 : i32
      %dma_start3A_88 = tpu.memref_slice %arg6[%add3A_16, %dma_start3A_87] : memref<10240x16xf32, #tpu.memory_space<vmem_shared>> -> memref<128x16xf32, #tpu.memory_space<vmem_shared>>
      %dma_start3A_89 = arith.constant 0 : i32
      %dma_start3A_90 = tpu.memref_slice %arg6[%add3A_16, %dma_start3A_89] : memref<10240x16xf32, #tpu.memory_space<vmem_shared>> -> memref<128x16xf32, #tpu.memory_space<vmem_shared>>
      tpu.enqueue_dma source(%arg5 : memref<128x16xf32, #tpu.memory_space<vmem>>) target(%dma_start3A_90 : memref<128x16xf32, #tpu.memory_space<vmem_shared>>) target_semaphore(%run_scoped3A_86 : memref<!tpu.dma_semaphore, #tpu.memory_space<semaphore_mem>>)
      %dma_wait3A_91 = arith.constant 0 : i32
      %dma_wait3A_92 = tpu.memref_slice %arg6[%add3A_16, %dma_wait3A_91] : memref<10240x16xf32, #tpu.memory_space<vmem_shared>> -> memref<128x16xf32, #tpu.memory_space<vmem_shared>>
      %dma_wait3A_93 = arith.constant 0 : i32
      %dma_wait3A_94 = tpu.memref_slice %arg6[%add3A_16, %dma_wait3A_93] : memref<10240x16xf32, #tpu.memory_space<vmem_shared>> -> memref<128x16xf32, #tpu.memory_space<vmem_shared>>
      tpu.wait_dma2 semaphore(%run_scoped3A_86 : memref<!tpu.dma_semaphore, #tpu.memory_space<semaphore_mem>>) src(%arg5 : memref<128x16xf32, #tpu.memory_space<vmem>>) dst(%dma_wait3A_94 : memref<128x16xf32, #tpu.memory_space<vmem_shared>>)
      tpu.yield
    }) : () -> ()
    %add3A_17 = arith.constant 512 : i32
    %add3A_18 = arith.addi %mul3A_4, %add3A_17 : i32
    "tpu.region"() ({
      %run_scoped3A_86 = tpu.sem_alloc : memref<!tpu.dma_semaphore, #tpu.memory_space<semaphore_mem>>
      %dma_start3A_87 = arith.constant 0 : i32
      %dma_start3A_88 = tpu.memref_slice %arg6[%add3A_18, %dma_start3A_87] : memref<10240x16xf32, #tpu.memory_space<vmem_shared>> -> memref<128x16xf32, #tpu.memory_space<vmem_shared>>
      %dma_start3A_89 = arith.constant 0 : i32
      %dma_start3A_90 = tpu.memref_slice %arg6[%add3A_18, %dma_start3A_89] : memref<10240x16xf32, #tpu.memory_space<vmem_shared>> -> memref<128x16xf32, #tpu.memory_space<vmem_shared>>
      tpu.enqueue_dma source(%arg5 : memref<128x16xf32, #tpu.memory_space<vmem>>) target(%dma_start3A_90 : memref<128x16xf32, #tpu.memory_space<vmem_shared>>) target_semaphore(%run_scoped3A_86 : memref<!tpu.dma_semaphore, #tpu.memory_space<semaphore_mem>>)
      %dma_wait3A_91 = arith.constant 0 : i32
      %dma_wait3A_92 = tpu.memref_slice %arg6[%add3A_18, %dma_wait3A_91] : memref<10240x16xf32, #tpu.memory_space<vmem_shared>> -> memref<128x16xf32, #tpu.memory_space<vmem_shared>>
      %dma_wait3A_93 = arith.constant 0 : i32
      %dma_wait3A_94 = tpu.memref_slice %arg6[%add3A_18, %dma_wait3A_93] : memref<10240x16xf32, #tpu.memory_space<vmem_shared>> -> memref<128x16xf32, #tpu.memory_space<vmem_shared>>
      tpu.wait_dma2 semaphore(%run_scoped3A_86 : memref<!tpu.dma_semaphore, #tpu.memory_space<semaphore_mem>>) src(%arg5 : memref<128x16xf32, #tpu.memory_space<vmem>>) dst(%dma_wait3A_94 : memref<128x16xf32, #tpu.memory_space<vmem_shared>>)
      tpu.yield
    }) : () -> ()
    %scan3A_19 = arith.constant 0 : i32
    %scan3A_20 = arith.constant 128 : i32
    %scan3A_21 = arith.addi %scan3A_19, %scan3A_20 : i32
    %scan3A_22 = arith.constant 1 : i32
    scf.for %scan3A_86 = %scan3A_19 to %scan3A_21 step %scan3A_22  : i32 {
      %mul3A_87 = arith.constant 1 : i32
      %mul3A_88 = arith.muli %scan3A_86, %mul3A_87 : i32
      %add3A_89 = arith.constant 0 : i32
      %add3A_90 = arith.addi %add3A_89, %mul3A_88 : i32
      %broadcast_in_dim3A = arith.constant 1.000000e+00 : f32
      %broadcast_in_dim3A_91 = vector.broadcast %broadcast_in_dim3A : f32 to vector<16xf32>
      %swap3A = arith.index_cast %add3A_90 : i32 to index
      %swap3A_92 = arith.constant 0 : index
      %swap3A_93 = tpu.vector_load %arg5[%swap3A, %swap3A_92] {strides = array<i32>} : memref<128x16xf32, #tpu.memory_space<vmem>>, vector<1x16xf32>,
      %swap3A_94 = vector.shape_cast %swap3A_93 : vector<1x16xf32> to vector<16xf32>
      %swap3A_95 = vector.shape_cast %broadcast_in_dim3A_91 : vector<16xf32> to vector<1x16xf32>
      tpu.vector_store %arg5[%swap3A, %swap3A_92], %swap3A_95 {strides = array<i32>} : memref<128x16xf32, #tpu.memory_space<vmem>>, vector<1x16xf32>,
    }
    %scan3A_23 = arith.constant 128 : i32
    %mul3A_24 = arith.constant 80 : i32
    %mul3A_25 = arith.muli %add3A, %mul3A_24 : i32
    %run_scoped3A = arith.constant 1 : i32
    "tpu.region"() ({
      %run_scoped3A_86 = tpu.sem_alloc : memref<!tpu.dma_semaphore, #tpu.memory_space<semaphore_mem>>
      %dma_start3A_87 = arith.constant 0 : i32
      %dma_start3A_88 = tpu.memref_slice %arg2[%run_scoped3A, %mul3A_25, %dma_start3A_87] : memref<2x2560x128xi32, #tpu.memory_space<hbm>> -> memref<1x80x128xi32, #tpu.memory_space<hbm>>
      %dma_start3A_89 = tpu.memref_squeeze %dma_start3A_88 : memref<1x80x128xi32, #tpu.memory_space<hbm>> -> memref<80x128xi32, #tpu.memory_space<hbm>>
      %dma_start3A_90 = arith.constant 0 : i32
      %dma_start3A_91 = tpu.memref_slice %arg2[%run_scoped3A, %mul3A_25, %dma_start3A_90] : memref<2x2560x128xi32, #tpu.memory_space<hbm>> -> memref<1x80x128xi32, #tpu.memory_space<hbm>>
      %dma_start3A_92 = tpu.memref_squeeze %dma_start3A_91 : memref<1x80x128xi32, #tpu.memory_space<hbm>> -> memref<80x128xi32, #tpu.memory_space<hbm>>
      tpu.enqueue_dma source(%dma_start3A_92 : memref<80x128xi32, #tpu.memory_space<hbm>>) target(%arg4 : memref<80x128xi32, #tpu.memory_space<vmem>>) target_semaphore(%run_scoped3A_86 : memref<!tpu.dma_semaphore, #tpu.memory_space<semaphore_mem>>)
      %dma_wait3A_93 = arith.constant 0 : i32
      %dma_wait3A_94 = tpu.memref_slice %arg2[%run_scoped3A, %mul3A_25, %dma_wait3A_93] : memref<2x2560x128xi32, #tpu.memory_space<hbm>> -> memref<1x80x128xi32, #tpu.memory_space<hbm>>
      %dma_wait3A_95 = tpu.memref_squeeze %dma_wait3A_94 : memref<1x80x128xi32, #tpu.memory_space<hbm>> -> memref<80x128xi32, #tpu.memory_space<hbm>>
      %dma_wait3A_96 = arith.constant 0 : i32
      %dma_wait3A_97 = tpu.memref_slice %arg2[%run_scoped3A, %mul3A_25, %dma_wait3A_96] : memref<2x2560x128xi32, #tpu.memory_space<hbm>> -> memref<1x80x128xi32, #tpu.memory_space<hbm>>
      %dma_wait3A_98 = tpu.memref_squeeze %dma_wait3A_97 : memref<1x80x128xi32, #tpu.memory_space<hbm>> -> memref<80x128xi32, #tpu.memory_space<hbm>>
      tpu.wait_dma2 semaphore(%run_scoped3A_86 : memref<!tpu.dma_semaphore, #tpu.memory_space<semaphore_mem>>) src(%dma_wait3A_98 : memref<80x128xi32, #tpu.memory_space<hbm>>) dst(%arg4 : memref<80x128xi32, #tpu.memory_space<vmem>>)
      tpu.yield
    }) : () -> ()
    %barrier3A = arith.constant 0 : index
    tpu.barrier barrier_id(%barrier3A)
    %dma_start3A = arith.constant 0 : i32
    %dma_start3A_26 = arith.constant 0 : i32
    %dma_start3A_27 = tpu.memref_slice %arg4[%dma_start3A, %dma_start3A_26] : memref<80x128xi32, #tpu.memory_space<vmem>> -> memref<1x128xi32, #tpu.memory_space<vmem>>
    %dma_start3A_28 = tpu.memref_squeeze %dma_start3A_27 : memref<1x128xi32, #tpu.memory_space<vmem>> -> memref<128xi32, #tpu.memory_space<vmem>>
    %dma_start3A_29 = arith.constant 0 : i32
    %dma_start3A_30 = arith.constant 0 : i32
    %dma_start3A_31 = tpu.memref_slice %arg6[%dma_start3A_29, %dma_start3A_30] : memref<10240x16xf32, #tpu.memory_space<vmem_shared>> -> memref<10240x16xf32, #tpu.memory_space<vmem_shared>>
    tpu.enqueue_indirect_dma source(%arg5 : memref<128x16xf32, #tpu.memory_space<vmem>>) target(%dma_start3A_31 : memref<10240x16xf32, #tpu.memory_space<vmem_shared>>) offsets(%dma_start3A_28 : memref<128xi32, #tpu.memory_space<vmem>>) semaphore(%arg7 : memref<!tpu.dma_semaphore, #tpu.memory_space<semaphore_mem>>) {add = true}
    %dma_start3A_32 = arith.constant 1 : i32
    %dma_start3A_33 = arith.constant 0 : i32
    %dma_start3A_34 = tpu.memref_slice %arg4[%dma_start3A_32, %dma_start3A_33] : memref<80x128xi32, #tpu.memory_space<vmem>> -> memref<1x128xi32, #tpu.memory_space<vmem>>
    %dma_start3A_35 = tpu.memref_squeeze %dma_start3A_34 : memref<1x128xi32, #tpu.memory_space<vmem>> -> memref<128xi32, #tpu.memory_space<vmem>>
    %dma_start3A_36 = arith.constant 0 : i32
    %dma_start3A_37 = arith.constant 0 : i32
    %dma_start3A_38 = tpu.memref_slice %arg6[%dma_start3A_36, %dma_start3A_37] : memref<10240x16xf32, #tpu.memory_space<vmem_shared>> -> memref<10240x16xf32, #tpu.memory_space<vmem_shared>>
    tpu.enqueue_indirect_dma source(%arg5 : memref<128x16xf32, #tpu.memory_space<vmem>>) target(%dma_start3A_38 : memref<10240x16xf32, #tpu.memory_space<vmem_shared>>) offsets(%dma_start3A_35 : memref<128xi32, #tpu.memory_space<vmem>>) semaphore(%arg8 : memref<!tpu.dma_semaphore, #tpu.memory_space<semaphore_mem>>) {add = true}
    %dma_start3A_39 = arith.constant 2 : i32
    %dma_start3A_40 = arith.constant 0 : i32
    %dma_start3A_41 = tpu.memref_slice %arg4[%dma_start3A_39, %dma_start3A_40] : memref<80x128xi32, #tpu.memory_space<vmem>> -> memref<1x128xi32, #tpu.memory_space<vmem>>
    %dma_start3A_42 = tpu.memref_squeeze %dma_start3A_41 : memref<1x128xi32, #tpu.memory_space<vmem>> -> memref<128xi32, #tpu.memory_space<vmem>>
    %dma_start3A_43 = arith.constant 0 : i32
    %dma_start3A_44 = arith.constant 0 : i32
    %dma_start3A_45 = tpu.memref_slice %arg6[%dma_start3A_43, %dma_start3A_44] : memref<10240x16xf32, #tpu.memory_space<vmem_shared>> -> memref<10240x16xf32, #tpu.memory_space<vmem_shared>>
    tpu.enqueue_indirect_dma source(%arg5 : memref<128x16xf32, #tpu.memory_space<vmem>>) target(%dma_start3A_45 : memref<10240x16xf32, #tpu.memory_space<vmem_shared>>) offsets(%dma_start3A_42 : memref<128xi32, #tpu.memory_space<vmem>>) semaphore(%arg9 : memref<!tpu.dma_semaphore, #tpu.memory_space<semaphore_mem>>) {add = true}
    %dma_start3A_46 = arith.constant 3 : i32
    %dma_start3A_47 = arith.constant 0 : i32
    %dma_start3A_48 = tpu.memref_slice %arg4[%dma_start3A_46, %dma_start3A_47] : memref<80x128xi32, #tpu.memory_space<vmem>> -> memref<1x128xi32, #tpu.memory_space<vmem>>
    %dma_start3A_49 = tpu.memref_squeeze %dma_start3A_48 : memref<1x128xi32, #tpu.memory_space<vmem>> -> memref<128xi32, #tpu.memory_space<vmem>>
    %dma_start3A_50 = arith.constant 0 : i32
    %dma_start3A_51 = arith.constant 0 : i32
    %dma_start3A_52 = tpu.memref_slice %arg6[%dma_start3A_50, %dma_start3A_51] : memref<10240x16xf32, #tpu.memory_space<vmem_shared>> -> memref<10240x16xf32, #tpu.memory_space<vmem_shared>>
    tpu.enqueue_indirect_dma source(%arg5 : memref<128x16xf32, #tpu.memory_space<vmem>>) target(%dma_start3A_52 : memref<10240x16xf32, #tpu.memory_space<vmem_shared>>) offsets(%dma_start3A_49 : memref<128xi32, #tpu.memory_space<vmem>>) semaphore(%arg10 : memref<!tpu.dma_semaphore, #tpu.memory_space<semaphore_mem>>) {add = true}
    %scan3A_53 = arith.constant 0 : i32
    %scan3A_54 = arith.constant 19 : i32
    %scan3A_55 = arith.addi %scan3A_53, %scan3A_54 : i32
    %scan3A_56 = arith.constant 1 : i32
    scf.for %scan3A_86 = %scan3A_53 to %scan3A_55 step %scan3A_56  : i32 {
      %mul3A_87 = arith.constant 1 : i32
      %mul3A_88 = arith.muli %scan3A_86, %mul3A_87 : i32
      %add3A_89 = arith.constant 0 : i32
      %add3A_90 = arith.addi %add3A_89, %mul3A_88 : i32
      %mul3A_91 = arith.constant 4 : i32
      %mul3A_92 = arith.muli %add3A_90, %mul3A_91 : i32
      %add3A_93 = arith.constant 0 : i32
      %add3A_94 = arith.addi %mul3A_92, %add3A_93 : i32
      %dma_wait3A_95 = arith.constant 0 : i32
      %dma_wait3A_96 = tpu.memref_slice %arg4[%add3A_94, %dma_wait3A_95] : memref<80x128xi32, #tpu.memory_space<vmem>> -> memref<1x128xi32, #tpu.memory_space<vmem>>
      %dma_wait3A_97 = tpu.memref_squeeze %dma_wait3A_96 : memref<1x128xi32, #tpu.memory_space<vmem>> -> memref<128xi32, #tpu.memory_space<vmem>>
      %dma_wait3A_98 = arith.constant 0 : i32
      %dma_wait3A_99 = arith.constant 0 : i32
      %dma_wait3A_100 = tpu.memref_slice %arg6[%dma_wait3A_98, %dma_wait3A_99] : memref<10240x16xf32, #tpu.memory_space<vmem_shared>> -> memref<10240x16xf32, #tpu.memory_space<vmem_shared>>
      tpu.wait_indirect_dma semaphore(%arg7 : memref<!tpu.dma_semaphore, #tpu.memory_space<semaphore_mem>>) src(%arg5 : memref<128x16xf32, #tpu.memory_space<vmem>>) dst(%dma_wait3A_100 : memref<10240x16xf32, #tpu.memory_space<vmem_shared>>)
      %add3A_101 = arith.constant 4 : i32
      %add3A_102 = arith.addi %add3A_94, %add3A_101 : i32
      %dma_start3A_103 = arith.constant 0 : i32
      %dma_start3A_104 = tpu.memref_slice %arg4[%add3A_102, %dma_start3A_103] : memref<80x128xi32, #tpu.memory_space<vmem>> -> memref<1x128xi32, #tpu.memory_space<vmem>>
      %dma_start3A_105 = tpu.memref_squeeze %dma_start3A_104 : memref<1x128xi32, #tpu.memory_space<vmem>> -> memref<128xi32, #tpu.memory_space<vmem>>
      %dma_start3A_106 = arith.constant 0 : i32
      %dma_start3A_107 = arith.constant 0 : i32
      %dma_start3A_108 = tpu.memref_slice %arg6[%dma_start3A_106, %dma_start3A_107] : memref<10240x16xf32, #tpu.memory_space<vmem_shared>> -> memref<10240x16xf32, #tpu.memory_space<vmem_shared>>
      tpu.enqueue_indirect_dma source(%arg5 : memref<128x16xf32, #tpu.memory_space<vmem>>) target(%dma_start3A_108 : memref<10240x16xf32, #tpu.memory_space<vmem_shared>>) offsets(%dma_start3A_105 : memref<128xi32, #tpu.memory_space<vmem>>) semaphore(%arg7 : memref<!tpu.dma_semaphore, #tpu.memory_space<semaphore_mem>>) {add = true}
      %mul3A_109 = arith.constant 4 : i32
      %mul3A_110 = arith.muli %add3A_90, %mul3A_109 : i32
      %add3A_111 = arith.constant 1 : i32
      %add3A_112 = arith.addi %mul3A_110, %add3A_111 : i32
      %dma_wait3A_113 = arith.constant 0 : i32
      %dma_wait3A_114 = tpu.memref_slice %arg4[%add3A_112, %dma_wait3A_113] : memref<80x128xi32, #tpu.memory_space<vmem>> -> memref<1x128xi32, #tpu.memory_space<vmem>>
      %dma_wait3A_115 = tpu.memref_squeeze %dma_wait3A_114 : memref<1x128xi32, #tpu.memory_space<vmem>> -> memref<128xi32, #tpu.memory_space<vmem>>
      %dma_wait3A_116 = arith.constant 0 : i32
      %dma_wait3A_117 = arith.constant 0 : i32
      %dma_wait3A_118 = tpu.memref_slice %arg6[%dma_wait3A_116, %dma_wait3A_117] : memref<10240x16xf32, #tpu.memory_space<vmem_shared>> -> memref<10240x16xf32, #tpu.memory_space<vmem_shared>>
      tpu.wait_indirect_dma semaphore(%arg8 : memref<!tpu.dma_semaphore, #tpu.memory_space<semaphore_mem>>) src(%arg5 : memref<128x16xf32, #tpu.memory_space<vmem>>) dst(%dma_wait3A_118 : memref<10240x16xf32, #tpu.memory_space<vmem_shared>>)
      %add3A_119 = arith.constant 4 : i32
      %add3A_120 = arith.addi %add3A_112, %add3A_119 : i32
      %dma_start3A_121 = arith.constant 0 : i32
      %dma_start3A_122 = tpu.memref_slice %arg4[%add3A_120, %dma_start3A_121] : memref<80x128xi32, #tpu.memory_space<vmem>> -> memref<1x128xi32, #tpu.memory_space<vmem>>
      %dma_start3A_123 = tpu.memref_squeeze %dma_start3A_122 : memref<1x128xi32, #tpu.memory_space<vmem>> -> memref<128xi32, #tpu.memory_space<vmem>>
      %dma_start3A_124 = arith.constant 0 : i32
      %dma_start3A_125 = arith.constant 0 : i32
      %dma_start3A_126 = tpu.memref_slice %arg6[%dma_start3A_124, %dma_start3A_125] : memref<10240x16xf32, #tpu.memory_space<vmem_shared>> -> memref<10240x16xf32, #tpu.memory_space<vmem_shared>>
      tpu.enqueue_indirect_dma source(%arg5 : memref<128x16xf32, #tpu.memory_space<vmem>>) target(%dma_start3A_126 : memref<10240x16xf32, #tpu.memory_space<vmem_shared>>) offsets(%dma_start3A_123 : memref<128xi32, #tpu.memory_space<vmem>>) semaphore(%arg8 : memref<!tpu.dma_semaphore, #tpu.memory_space<semaphore_mem>>) {add = true}
      %mul3A_127 = arith.constant 4 : i32
      %mul3A_128 = arith.muli %add3A_90, %mul3A_127 : i32
      %add3A_129 = arith.constant 2 : i32
      %add3A_130 = arith.addi %mul3A_128, %add3A_129 : i32
      %dma_wait3A_131 = arith.constant 0 : i32
      %dma_wait3A_132 = tpu.memref_slice %arg4[%add3A_130, %dma_wait3A_131] : memref<80x128xi32, #tpu.memory_space<vmem>> -> memref<1x128xi32, #tpu.memory_space<vmem>>
      %dma_wait3A_133 = tpu.memref_squeeze %dma_wait3A_132 : memref<1x128xi32, #tpu.memory_space<vmem>> -> memref<128xi32, #tpu.memory_space<vmem>>
      %dma_wait3A_134 = arith.constant 0 : i32
      %dma_wait3A_135 = arith.constant 0 : i32
      %dma_wait3A_136 = tpu.memref_slice %arg6[%dma_wait3A_134, %dma_wait3A_135] : memref<10240x16xf32, #tpu.memory_space<vmem_shared>> -> memref<10240x16xf32, #tpu.memory_space<vmem_shared>>
      tpu.wait_indirect_dma semaphore(%arg9 : memref<!tpu.dma_semaphore, #tpu.memory_space<semaphore_mem>>) src(%arg5 : memref<128x16xf32, #tpu.memory_space<vmem>>) dst(%dma_wait3A_136 : memref<10240x16xf32, #tpu.memory_space<vmem_shared>>)
      %add3A_137 = arith.constant 4 : i32
      %add3A_138 = arith.addi %add3A_130, %add3A_137 : i32
      %dma_start3A_139 = arith.constant 0 : i32
      %dma_start3A_140 = tpu.memref_slice %arg4[%add3A_138, %dma_start3A_139] : memref<80x128xi32, #tpu.memory_space<vmem>> -> memref<1x128xi32, #tpu.memory_space<vmem>>
      %dma_start3A_141 = tpu.memref_squeeze %dma_start3A_140 : memref<1x128xi32, #tpu.memory_space<vmem>> -> memref<128xi32, #tpu.memory_space<vmem>>
      %dma_start3A_142 = arith.constant 0 : i32
      %dma_start3A_143 = arith.constant 0 : i32
      %dma_start3A_144 = tpu.memref_slice %arg6[%dma_start3A_142, %dma_start3A_143] : memref<10240x16xf32, #tpu.memory_space<vmem_shared>> -> memref<10240x16xf32, #tpu.memory_space<vmem_shared>>
      tpu.enqueue_indirect_dma source(%arg5 : memref<128x16xf32, #tpu.memory_space<vmem>>) target(%dma_start3A_144 : memref<10240x16xf32, #tpu.memory_space<vmem_shared>>) offsets(%dma_start3A_141 : memref<128xi32, #tpu.memory_space<vmem>>) semaphore(%arg9 : memref<!tpu.dma_semaphore, #tpu.memory_space<semaphore_mem>>) {add = true}
      %mul3A_145 = arith.constant 4 : i32
      %mul3A_146 = arith.muli %add3A_90, %mul3A_145 : i32
      %add3A_147 = arith.constant 3 : i32
      %add3A_148 = arith.addi %mul3A_146, %add3A_147 : i32
      %dma_wait3A_149 = arith.constant 0 : i32
      %dma_wait3A_150 = tpu.memref_slice %arg4[%add3A_148, %dma_wait3A_149] : memref<80x128xi32, #tpu.memory_space<vmem>> -> memref<1x128xi32, #tpu.memory_space<vmem>>
      %dma_wait3A_151 = tpu.memref_squeeze %dma_wait3A_150 : memref<1x128xi32, #tpu.memory_space<vmem>> -> memref<128xi32, #tpu.memory_space<vmem>>
      %dma_wait3A_152 = arith.constant 0 : i32
      %dma_wait3A_153 = arith.constant 0 : i32
      %dma_wait3A_154 = tpu.memref_slice %arg6[%dma_wait3A_152, %dma_wait3A_153] : memref<10240x16xf32, #tpu.memory_space<vmem_shared>> -> memref<10240x16xf32, #tpu.memory_space<vmem_shared>>
      tpu.wait_indirect_dma semaphore(%arg10 : memref<!tpu.dma_semaphore, #tpu.memory_space<semaphore_mem>>) src(%arg5 : memref<128x16xf32, #tpu.memory_space<vmem>>) dst(%dma_wait3A_154 : memref<10240x16xf32, #tpu.memory_space<vmem_shared>>)
      %add3A_155 = arith.constant 4 : i32
      %add3A_156 = arith.addi %add3A_148, %add3A_155 : i32
      %dma_start3A_157 = arith.constant 0 : i32
      %dma_start3A_158 = tpu.memref_slice %arg4[%add3A_156, %dma_start3A_157] : memref<80x128xi32, #tpu.memory_space<vmem>> -> memref<1x128xi32, #tpu.memory_space<vmem>>
      %dma_start3A_159 = tpu.memref_squeeze %dma_start3A_158 : memref<1x128xi32, #tpu.memory_space<vmem>> -> memref<128xi32, #tpu.memory_space<vmem>>
      %dma_start3A_160 = arith.constant 0 : i32
      %dma_start3A_161 = arith.constant 0 : i32
      %dma_start3A_162 = tpu.memref_slice %arg6[%dma_start3A_160, %dma_start3A_161] : memref<10240x16xf32, #tpu.memory_space<vmem_shared>> -> memref<10240x16xf32, #tpu.memory_space<vmem_shared>>
      tpu.enqueue_indirect_dma source(%arg5 : memref<128x16xf32, #tpu.memory_space<vmem>>) target(%dma_start3A_162 : memref<10240x16xf32, #tpu.memory_space<vmem_shared>>) offsets(%dma_start3A_159 : memref<128xi32, #tpu.memory_space<vmem>>) semaphore(%arg10 : memref<!tpu.dma_semaphore, #tpu.memory_space<semaphore_mem>>) {add = true}
    }
    %scan3A_57 = arith.constant 19 : i32
    %dma_wait3A = arith.constant 76 : i32
    %dma_wait3A_58 = arith.constant 0 : i32
    %dma_wait3A_59 = tpu.memref_slice %arg4[%dma_wait3A, %dma_wait3A_58] : memref<80x128xi32, #tpu.memory_space<vmem>> -> memref<1x128xi32, #tpu.memory_space<vmem>>
    %dma_wait3A_60 = tpu.memref_squeeze %dma_wait3A_59 : memref<1x128xi32, #tpu.memory_space<vmem>> -> memref<128xi32, #tpu.memory_space<vmem>>
    %dma_wait3A_61 = arith.constant 0 : i32
    %dma_wait3A_62 = arith.constant 0 : i32
    %dma_wait3A_63 = tpu.memref_slice %arg6[%dma_wait3A_61, %dma_wait3A_62] : memref<10240x16xf32, #tpu.memory_space<vmem_shared>> -> memref<10240x16xf32, #tpu.memory_space<vmem_shared>>
    tpu.wait_indirect_dma semaphore(%arg7 : memref<!tpu.dma_semaphore, #tpu.memory_space<semaphore_mem>>) src(%arg5 : memref<128x16xf32, #tpu.memory_space<vmem>>) dst(%dma_wait3A_63 : memref<10240x16xf32, #tpu.memory_space<vmem_shared>>)
    %dma_wait3A_64 = arith.constant 77 : i32
    %dma_wait3A_65 = arith.constant 0 : i32
    %dma_wait3A_66 = tpu.memref_slice %arg4[%dma_wait3A_64, %dma_wait3A_65] : memref<80x128xi32, #tpu.memory_space<vmem>> -> memref<1x128xi32, #tpu.memory_space<vmem>>
    %dma_wait3A_67 = tpu.memref_squeeze %dma_wait3A_66 : memref<1x128xi32, #tpu.memory_space<vmem>> -> memref<128xi32, #tpu.memory_space<vmem>>
    %dma_wait3A_68 = arith.constant 0 : i32
    %dma_wait3A_69 = arith.constant 0 : i32
    %dma_wait3A_70 = tpu.memref_slice %arg6[%dma_wait3A_68, %dma_wait3A_69] : memref<10240x16xf32, #tpu.memory_space<vmem_shared>> -> memref<10240x16xf32, #tpu.memory_space<vmem_shared>>
    tpu.wait_indirect_dma semaphore(%arg8 : memref<!tpu.dma_semaphore, #tpu.memory_space<semaphore_mem>>) src(%arg5 : memref<128x16xf32, #tpu.memory_space<vmem>>) dst(%dma_wait3A_70 : memref<10240x16xf32, #tpu.memory_space<vmem_shared>>)
    %dma_wait3A_71 = arith.constant 78 : i32
    %dma_wait3A_72 = arith.constant 0 : i32
    %dma_wait3A_73 = tpu.memref_slice %arg4[%dma_wait3A_71, %dma_wait3A_72] : memref<80x128xi32, #tpu.memory_space<vmem>> -> memref<1x128xi32, #tpu.memory_space<vmem>>
    %dma_wait3A_74 = tpu.memref_squeeze %dma_wait3A_73 : memref<1x128xi32, #tpu.memory_space<vmem>> -> memref<128xi32, #tpu.memory_space<vmem>>
    %dma_wait3A_75 = arith.constant 0 : i32
    %dma_wait3A_76 = arith.constant 0 : i32
    %dma_wait3A_77 = tpu.memref_slice %arg6[%dma_wait3A_75, %dma_wait3A_76] : memref<10240x16xf32, #tpu.memory_space<vmem_shared>> -> memref<10240x16xf32, #tpu.memory_space<vmem_shared>>
    tpu.wait_indirect_dma semaphore(%arg9 : memref<!tpu.dma_semaphore, #tpu.memory_space<semaphore_mem>>) src(%arg5 : memref<128x16xf32, #tpu.memory_space<vmem>>) dst(%dma_wait3A_77 : memref<10240x16xf32, #tpu.memory_space<vmem_shared>>)
    %dma_wait3A_78 = arith.constant 79 : i32
    %dma_wait3A_79 = arith.constant 0 : i32
    %dma_wait3A_80 = tpu.memref_slice %arg4[%dma_wait3A_78, %dma_wait3A_79] : memref<80x128xi32, #tpu.memory_space<vmem>> -> memref<1x128xi32, #tpu.memory_space<vmem>>
    %dma_wait3A_81 = tpu.memref_squeeze %dma_wait3A_80 : memref<1x128xi32, #tpu.memory_space<vmem>> -> memref<128xi32, #tpu.memory_space<vmem>>
    %dma_wait3A_82 = arith.constant 0 : i32
    %dma_wait3A_83 = arith.constant 0 : i32
    %dma_wait3A_84 = tpu.memref_slice %arg6[%dma_wait3A_82, %dma_wait3A_83] : memref<10240x16xf32, #tpu.memory_space<vmem_shared>> -> memref<10240x16xf32, #tpu.memory_space<vmem_shared>>
    tpu.wait_indirect_dma semaphore(%arg10 : memref<!tpu.dma_semaphore, #tpu.memory_space<semaphore_mem>>) src(%arg5 : memref<128x16xf32, #tpu.memory_space<vmem>>) dst(%dma_wait3A_84 : memref<10240x16xf32, #tpu.memory_space<vmem_shared>>)
    %barrier3A_85 = arith.constant 0 : index
    tpu.barrier barrier_id(%barrier3A_85)
    "tpu.region"() ({
      %run_scoped3A_86 = tpu.sem_alloc : memref<!tpu.dma_semaphore, #tpu.memory_space<semaphore_mem>>
      %dma_start3A_87 = arith.constant 0 : i32
      %dma_start3A_88 = tpu.memref_slice %arg3[%arg0, %mul3A_2, %dma_start3A_87] : memref<2x10240x16xf32, #tpu.memory_space<hbm>> -> memref<1x640x16xf32, #tpu.memory_space<hbm>>
      %dma_start3A_89 = tpu.memref_squeeze %dma_start3A_88 : memref<1x640x16xf32, #tpu.memory_space<hbm>> -> memref<640x16xf32, #tpu.memory_space<hbm>>
      %dma_start3A_90 = arith.constant 0 : i32
      %dma_start3A_91 = tpu.memref_slice %arg6[%mul3A_2, %dma_start3A_90] : memref<10240x16xf32, #tpu.memory_space<vmem_shared>> -> memref<640x16xf32, #tpu.memory_space<vmem_shared>>
      tpu.enqueue_dma source(%dma_start3A_91 : memref<640x16xf32, #tpu.memory_space<vmem_shared>>) target(%dma_start3A_89 : memref<640x16xf32, #tpu.memory_space<hbm>>) target_semaphore(%run_scoped3A_86 : memref<!tpu.dma_semaphore, #tpu.memory_space<semaphore_mem>>)
      %dma_wait3A_92 = arith.constant 0 : i32
      %dma_wait3A_93 = tpu.memref_slice %arg3[%arg0, %mul3A_2, %dma_wait3A_92] : memref<2x10240x16xf32, #tpu.memory_space<hbm>> -> memref<1x640x16xf32, #tpu.memory_space<hbm>>
      %dma_wait3A_94 = tpu.memref_squeeze %dma_wait3A_93 : memref<1x640x16xf32, #tpu.memory_space<hbm>> -> memref<640x16xf32, #tpu.memory_space<hbm>>
      %dma_wait3A_95 = arith.constant 0 : i32
      %dma_wait3A_96 = tpu.memref_slice %arg6[%mul3A_2, %dma_wait3A_95] : memref<10240x16xf32, #tpu.memory_space<vmem_shared>> -> memref<640x16xf32, #tpu.memory_space<vmem_shared>>
      tpu.wait_dma2 semaphore(%run_scoped3A_86 : memref<!tpu.dma_semaphore, #tpu.memory_space<semaphore_mem>>) src(%dma_wait3A_96 : memref<640x16xf32, #tpu.memory_space<vmem_shared>>) dst(%dma_wait3A_94 : memref<640x16xf32, #tpu.memory_space<hbm>>)
      tpu.yield
    }) : () -> ()
    return
  }
}

#map = affine_map<(d0, d1) -> (0, 0)>
#map1 = affine_map<(d0, d1) -> (0, 0, 0)>
module attributes {stable_mosaic.version = 14 : i64} {
  func.func @_agg16(%arg0: i32, %arg1: i32, %arg2: memref<10240x16xf32, #tpu.memory_space<hbm>>, %arg3: memref<2x2560x128xi32, #tpu.memory_space<hbm>>, %arg4: memref<2x10240x16xf32, #tpu.memory_space<hbm>>, %arg5: memref<80x128xi32, #tpu.memory_space<vmem>>, %arg6: memref<80x128xi32, #tpu.memory_space<vmem>>, %arg7: memref<10240x16xf32, #tpu.memory_space<vmem_shared>>, %arg8: memref<10240x16xf32, #tpu.memory_space<vmem_shared>>, %arg9: memref<128x16xf32, #tpu.memory_space<vmem>>, %arg10: memref<128x16xf32, #tpu.memory_space<vmem>>, %arg11: memref<128x16xf32, #tpu.memory_space<vmem>>, %arg12: memref<128x16xf32, #tpu.memory_space<vmem>>, %arg13: memref<!tpu.dma_semaphore, #tpu.memory_space<semaphore_mem>>, %arg14: memref<!tpu.dma_semaphore, #tpu.memory_space<semaphore_mem>>, %arg15: memref<!tpu.dma_semaphore, #tpu.memory_space<semaphore_mem>>, %arg16: memref<!tpu.dma_semaphore, #tpu.memory_space<semaphore_mem>>, %arg17: memref<!tpu.dma_semaphore, #tpu.memory_space<semaphore_mem>>, %arg18: memref<!tpu.dma_semaphore, #tpu.memory_space<semaphore_mem>>, %arg19: memref<!tpu.dma_semaphore, #tpu.memory_space<semaphore_mem>>, %arg20: memref<!tpu.dma_semaphore, #tpu.memory_space<semaphore_mem>>) attributes {dimension_semantics = [#tpu.dimension_semantics<core_parallel>, #tpu.dimension_semantics<subcore_parallel>], iteration_bounds = array<i64: 2, 16>, scalar_prefetch = 0 : i64, scratch_operands = 16 : i64, tpu.core_type = #tpu.core_type<sc_vector_subcore>, window_params = [{transform_indices = #map}, {transform_indices = #map1}, {transform_indices = #map1}]} {
    %mul3A = arith.constant 2 : i32
    %mul3A_0 = arith.muli %arg1, %mul3A : i32
    %add3A = arith.addi %mul3A_0, %arg0 : i32
    %mul3A_1 = arith.constant 640 : i32
    %mul3A_2 = arith.muli %arg1, %mul3A_1 : i32
    %mul3A_3 = arith.constant 640 : i32
    %mul3A_4 = arith.muli %arg1, %mul3A_3 : i32
    %scan3A = arith.constant 0 : i32
    %scan3A_5 = arith.constant 128 : i32
    %scan3A_6 = arith.addi %scan3A, %scan3A_5 : i32
    %scan3A_7 = arith.constant 1 : i32
    scf.for %scan3A_84 = %scan3A to %scan3A_6 step %scan3A_7  : i32 {
      %mul3A_85 = arith.constant 1 : i32
      %mul3A_86 = arith.muli %scan3A_84, %mul3A_85 : i32
      %add3A_87 = arith.constant 0 : i32
      %add3A_88 = arith.addi %add3A_87, %mul3A_86 : i32
      %broadcast_in_dim3A = arith.constant 0.000000e+00 : f32
      %broadcast_in_dim3A_89 = vector.broadcast %broadcast_in_dim3A : f32 to vector<16xf32>
      %swap3A = arith.index_cast %add3A_88 : i32 to index
      %swap3A_90 = arith.constant 0 : index
      %swap3A_91 = tpu.vector_load %arg9[%swap3A, %swap3A_90] {strides = array<i32>} : memref<128x16xf32, #tpu.memory_space<vmem>>, vector<1x16xf32>,
      %swap3A_92 = vector.shape_cast %swap3A_91 : vector<1x16xf32> to vector<16xf32>
      %swap3A_93 = vector.shape_cast %broadcast_in_dim3A_89 : vector<16xf32> to vector<1x16xf32>
      tpu.vector_store %arg9[%swap3A, %swap3A_90], %swap3A_93 {strides = array<i32>} : memref<128x16xf32, #tpu.memory_space<vmem>>, vector<1x16xf32>,
    }
    %scan3A_8 = arith.constant 128 : i32
    %add3A_9 = arith.constant 0 : i32
    %add3A_10 = arith.addi %mul3A_4, %add3A_9 : i32
    "tpu.region"() ({
      %run_scoped3A_84 = tpu.sem_alloc : memref<!tpu.dma_semaphore, #tpu.memory_space<semaphore_mem>>
      %dma_start3A_85 = arith.constant 0 : i32
      %dma_start3A_86 = tpu.memref_slice %arg8[%add3A_10, %dma_start3A_85] : memref<10240x16xf32, #tpu.memory_space<vmem_shared>> -> memref<128x16xf32, #tpu.memory_space<vmem_shared>>
      %dma_start3A_87 = arith.constant 0 : i32
      %dma_start3A_88 = tpu.memref_slice %arg8[%add3A_10, %dma_start3A_87] : memref<10240x16xf32, #tpu.memory_space<vmem_shared>> -> memref<128x16xf32, #tpu.memory_space<vmem_shared>>
      tpu.enqueue_dma source(%arg9 : memref<128x16xf32, #tpu.memory_space<vmem>>) target(%dma_start3A_88 : memref<128x16xf32, #tpu.memory_space<vmem_shared>>) target_semaphore(%run_scoped3A_84 : memref<!tpu.dma_semaphore, #tpu.memory_space<semaphore_mem>>)
      %dma_wait3A_89 = arith.constant 0 : i32
      %dma_wait3A_90 = tpu.memref_slice %arg8[%add3A_10, %dma_wait3A_89] : memref<10240x16xf32, #tpu.memory_space<vmem_shared>> -> memref<128x16xf32, #tpu.memory_space<vmem_shared>>
      %dma_wait3A_91 = arith.constant 0 : i32
      %dma_wait3A_92 = tpu.memref_slice %arg8[%add3A_10, %dma_wait3A_91] : memref<10240x16xf32, #tpu.memory_space<vmem_shared>> -> memref<128x16xf32, #tpu.memory_space<vmem_shared>>
      tpu.wait_dma2 semaphore(%run_scoped3A_84 : memref<!tpu.dma_semaphore, #tpu.memory_space<semaphore_mem>>) src(%arg9 : memref<128x16xf32, #tpu.memory_space<vmem>>) dst(%dma_wait3A_92 : memref<128x16xf32, #tpu.memory_space<vmem_shared>>)
      tpu.yield
    }) : () -> ()
    %add3A_11 = arith.constant 128 : i32
    %add3A_12 = arith.addi %mul3A_4, %add3A_11 : i32
    "tpu.region"() ({
      %run_scoped3A_84 = tpu.sem_alloc : memref<!tpu.dma_semaphore, #tpu.memory_space<semaphore_mem>>
      %dma_start3A_85 = arith.constant 0 : i32
      %dma_start3A_86 = tpu.memref_slice %arg8[%add3A_12, %dma_start3A_85] : memref<10240x16xf32, #tpu.memory_space<vmem_shared>> -> memref<128x16xf32, #tpu.memory_space<vmem_shared>>
      %dma_start3A_87 = arith.constant 0 : i32
      %dma_start3A_88 = tpu.memref_slice %arg8[%add3A_12, %dma_start3A_87] : memref<10240x16xf32, #tpu.memory_space<vmem_shared>> -> memref<128x16xf32, #tpu.memory_space<vmem_shared>>
      tpu.enqueue_dma source(%arg9 : memref<128x16xf32, #tpu.memory_space<vmem>>) target(%dma_start3A_88 : memref<128x16xf32, #tpu.memory_space<vmem_shared>>) target_semaphore(%run_scoped3A_84 : memref<!tpu.dma_semaphore, #tpu.memory_space<semaphore_mem>>)
      %dma_wait3A_89 = arith.constant 0 : i32
      %dma_wait3A_90 = tpu.memref_slice %arg8[%add3A_12, %dma_wait3A_89] : memref<10240x16xf32, #tpu.memory_space<vmem_shared>> -> memref<128x16xf32, #tpu.memory_space<vmem_shared>>
      %dma_wait3A_91 = arith.constant 0 : i32
      %dma_wait3A_92 = tpu.memref_slice %arg8[%add3A_12, %dma_wait3A_91] : memref<10240x16xf32, #tpu.memory_space<vmem_shared>> -> memref<128x16xf32, #tpu.memory_space<vmem_shared>>
      tpu.wait_dma2 semaphore(%run_scoped3A_84 : memref<!tpu.dma_semaphore, #tpu.memory_space<semaphore_mem>>) src(%arg9 : memref<128x16xf32, #tpu.memory_space<vmem>>) dst(%dma_wait3A_92 : memref<128x16xf32, #tpu.memory_space<vmem_shared>>)
      tpu.yield
    }) : () -> ()
    %add3A_13 = arith.constant 256 : i32
    %add3A_14 = arith.addi %mul3A_4, %add3A_13 : i32
    "tpu.region"() ({
      %run_scoped3A_84 = tpu.sem_alloc : memref<!tpu.dma_semaphore, #tpu.memory_space<semaphore_mem>>
      %dma_start3A_85 = arith.constant 0 : i32
      %dma_start3A_86 = tpu.memref_slice %arg8[%add3A_14, %dma_start3A_85] : memref<10240x16xf32, #tpu.memory_space<vmem_shared>> -> memref<128x16xf32, #tpu.memory_space<vmem_shared>>
      %dma_start3A_87 = arith.constant 0 : i32
      %dma_start3A_88 = tpu.memref_slice %arg8[%add3A_14, %dma_start3A_87] : memref<10240x16xf32, #tpu.memory_space<vmem_shared>> -> memref<128x16xf32, #tpu.memory_space<vmem_shared>>
      tpu.enqueue_dma source(%arg9 : memref<128x16xf32, #tpu.memory_space<vmem>>) target(%dma_start3A_88 : memref<128x16xf32, #tpu.memory_space<vmem_shared>>) target_semaphore(%run_scoped3A_84 : memref<!tpu.dma_semaphore, #tpu.memory_space<semaphore_mem>>)
      %dma_wait3A_89 = arith.constant 0 : i32
      %dma_wait3A_90 = tpu.memref_slice %arg8[%add3A_14, %dma_wait3A_89] : memref<10240x16xf32, #tpu.memory_space<vmem_shared>> -> memref<128x16xf32, #tpu.memory_space<vmem_shared>>
      %dma_wait3A_91 = arith.constant 0 : i32
      %dma_wait3A_92 = tpu.memref_slice %arg8[%add3A_14, %dma_wait3A_91] : memref<10240x16xf32, #tpu.memory_space<vmem_shared>> -> memref<128x16xf32, #tpu.memory_space<vmem_shared>>
      tpu.wait_dma2 semaphore(%run_scoped3A_84 : memref<!tpu.dma_semaphore, #tpu.memory_space<semaphore_mem>>) src(%arg9 : memref<128x16xf32, #tpu.memory_space<vmem>>) dst(%dma_wait3A_92 : memref<128x16xf32, #tpu.memory_space<vmem_shared>>)
      tpu.yield
    }) : () -> ()
    %add3A_15 = arith.constant 384 : i32
    %add3A_16 = arith.addi %mul3A_4, %add3A_15 : i32
    "tpu.region"() ({
      %run_scoped3A_84 = tpu.sem_alloc : memref<!tpu.dma_semaphore, #tpu.memory_space<semaphore_mem>>
      %dma_start3A_85 = arith.constant 0 : i32
      %dma_start3A_86 = tpu.memref_slice %arg8[%add3A_16, %dma_start3A_85] : memref<10240x16xf32, #tpu.memory_space<vmem_shared>> -> memref<128x16xf32, #tpu.memory_space<vmem_shared>>
      %dma_start3A_87 = arith.constant 0 : i32
      %dma_start3A_88 = tpu.memref_slice %arg8[%add3A_16, %dma_start3A_87] : memref<10240x16xf32, #tpu.memory_space<vmem_shared>> -> memref<128x16xf32, #tpu.memory_space<vmem_shared>>
      tpu.enqueue_dma source(%arg9 : memref<128x16xf32, #tpu.memory_space<vmem>>) target(%dma_start3A_88 : memref<128x16xf32, #tpu.memory_space<vmem_shared>>) target_semaphore(%run_scoped3A_84 : memref<!tpu.dma_semaphore, #tpu.memory_space<semaphore_mem>>)
      %dma_wait3A_89 = arith.constant 0 : i32
      %dma_wait3A_90 = tpu.memref_slice %arg8[%add3A_16, %dma_wait3A_89] : memref<10240x16xf32, #tpu.memory_space<vmem_shared>> -> memref<128x16xf32, #tpu.memory_space<vmem_shared>>
      %dma_wait3A_91 = arith.constant 0 : i32
      %dma_wait3A_92 = tpu.memref_slice %arg8[%add3A_16, %dma_wait3A_91] : memref<10240x16xf32, #tpu.memory_space<vmem_shared>> -> memref<128x16xf32, #tpu.memory_space<vmem_shared>>
      tpu.wait_dma2 semaphore(%run_scoped3A_84 : memref<!tpu.dma_semaphore, #tpu.memory_space<semaphore_mem>>) src(%arg9 : memref<128x16xf32, #tpu.memory_space<vmem>>) dst(%dma_wait3A_92 : memref<128x16xf32, #tpu.memory_space<vmem_shared>>)
      tpu.yield
    }) : () -> ()
    %add3A_17 = arith.constant 512 : i32
    %add3A_18 = arith.addi %mul3A_4, %add3A_17 : i32
    "tpu.region"() ({
      %run_scoped3A_84 = tpu.sem_alloc : memref<!tpu.dma_semaphore, #tpu.memory_space<semaphore_mem>>
      %dma_start3A_85 = arith.constant 0 : i32
      %dma_start3A_86 = tpu.memref_slice %arg8[%add3A_18, %dma_start3A_85] : memref<10240x16xf32, #tpu.memory_space<vmem_shared>> -> memref<128x16xf32, #tpu.memory_space<vmem_shared>>
      %dma_start3A_87 = arith.constant 0 : i32
      %dma_start3A_88 = tpu.memref_slice %arg8[%add3A_18, %dma_start3A_87] : memref<10240x16xf32, #tpu.memory_space<vmem_shared>> -> memref<128x16xf32, #tpu.memory_space<vmem_shared>>
      tpu.enqueue_dma source(%arg9 : memref<128x16xf32, #tpu.memory_space<vmem>>) target(%dma_start3A_88 : memref<128x16xf32, #tpu.memory_space<vmem_shared>>) target_semaphore(%run_scoped3A_84 : memref<!tpu.dma_semaphore, #tpu.memory_space<semaphore_mem>>)
      %dma_wait3A_89 = arith.constant 0 : i32
      %dma_wait3A_90 = tpu.memref_slice %arg8[%add3A_18, %dma_wait3A_89] : memref<10240x16xf32, #tpu.memory_space<vmem_shared>> -> memref<128x16xf32, #tpu.memory_space<vmem_shared>>
      %dma_wait3A_91 = arith.constant 0 : i32
      %dma_wait3A_92 = tpu.memref_slice %arg8[%add3A_18, %dma_wait3A_91] : memref<10240x16xf32, #tpu.memory_space<vmem_shared>> -> memref<128x16xf32, #tpu.memory_space<vmem_shared>>
      tpu.wait_dma2 semaphore(%run_scoped3A_84 : memref<!tpu.dma_semaphore, #tpu.memory_space<semaphore_mem>>) src(%arg9 : memref<128x16xf32, #tpu.memory_space<vmem>>) dst(%dma_wait3A_92 : memref<128x16xf32, #tpu.memory_space<vmem_shared>>)
      tpu.yield
    }) : () -> ()
    "tpu.region"() ({
      %run_scoped3A_84 = tpu.sem_alloc : memref<!tpu.dma_semaphore, #tpu.memory_space<semaphore_mem>>
      %dma_start3A_85 = arith.constant 0 : i32
      %dma_start3A_86 = tpu.memref_slice %arg7[%mul3A_2, %dma_start3A_85] : memref<10240x16xf32, #tpu.memory_space<vmem_shared>> -> memref<640x16xf32, #tpu.memory_space<vmem_shared>>
      %dma_start3A_87 = arith.constant 0 : i32
      %dma_start3A_88 = tpu.memref_slice %arg2[%mul3A_2, %dma_start3A_87] : memref<10240x16xf32, #tpu.memory_space<hbm>> -> memref<640x16xf32, #tpu.memory_space<hbm>>
      tpu.enqueue_dma source(%dma_start3A_88 : memref<640x16xf32, #tpu.memory_space<hbm>>) target(%dma_start3A_86 : memref<640x16xf32, #tpu.memory_space<vmem_shared>>) target_semaphore(%run_scoped3A_84 : memref<!tpu.dma_semaphore, #tpu.memory_space<semaphore_mem>>)
      %dma_wait3A_89 = arith.constant 0 : i32
      %dma_wait3A_90 = tpu.memref_slice %arg7[%mul3A_2, %dma_wait3A_89] : memref<10240x16xf32, #tpu.memory_space<vmem_shared>> -> memref<640x16xf32, #tpu.memory_space<vmem_shared>>
      %dma_wait3A_91 = arith.constant 0 : i32
      %dma_wait3A_92 = tpu.memref_slice %arg2[%mul3A_2, %dma_wait3A_91] : memref<10240x16xf32, #tpu.memory_space<hbm>> -> memref<640x16xf32, #tpu.memory_space<hbm>>
      tpu.wait_dma2 semaphore(%run_scoped3A_84 : memref<!tpu.dma_semaphore, #tpu.memory_space<semaphore_mem>>) src(%dma_wait3A_92 : memref<640x16xf32, #tpu.memory_space<hbm>>) dst(%dma_wait3A_90 : memref<640x16xf32, #tpu.memory_space<vmem_shared>>)
      tpu.yield
    }) : () -> ()
    %mul3A_19 = arith.constant 80 : i32
    %mul3A_20 = arith.muli %add3A, %mul3A_19 : i32
    %run_scoped3A = arith.constant 0 : i32
    "tpu.region"() ({
      %run_scoped3A_84 = tpu.sem_alloc : memref<!tpu.dma_semaphore, #tpu.memory_space<semaphore_mem>>
      %dma_start3A_85 = arith.constant 0 : i32
      %dma_start3A_86 = tpu.memref_slice %arg3[%run_scoped3A, %mul3A_20, %dma_start3A_85] : memref<2x2560x128xi32, #tpu.memory_space<hbm>> -> memref<1x80x128xi32, #tpu.memory_space<hbm>>
      %dma_start3A_87 = tpu.memref_squeeze %dma_start3A_86 : memref<1x80x128xi32, #tpu.memory_space<hbm>> -> memref<80x128xi32, #tpu.memory_space<hbm>>
      %dma_start3A_88 = arith.constant 0 : i32
      %dma_start3A_89 = tpu.memref_slice %arg3[%run_scoped3A, %mul3A_20, %dma_start3A_88] : memref<2x2560x128xi32, #tpu.memory_space<hbm>> -> memref<1x80x128xi32, #tpu.memory_space<hbm>>
      %dma_start3A_90 = tpu.memref_squeeze %dma_start3A_89 : memref<1x80x128xi32, #tpu.memory_space<hbm>> -> memref<80x128xi32, #tpu.memory_space<hbm>>
      tpu.enqueue_dma source(%dma_start3A_90 : memref<80x128xi32, #tpu.memory_space<hbm>>) target(%arg5 : memref<80x128xi32, #tpu.memory_space<vmem>>) target_semaphore(%run_scoped3A_84 : memref<!tpu.dma_semaphore, #tpu.memory_space<semaphore_mem>>)
      %dma_wait3A_91 = arith.constant 0 : i32
      %dma_wait3A_92 = tpu.memref_slice %arg3[%run_scoped3A, %mul3A_20, %dma_wait3A_91] : memref<2x2560x128xi32, #tpu.memory_space<hbm>> -> memref<1x80x128xi32, #tpu.memory_space<hbm>>
      %dma_wait3A_93 = tpu.memref_squeeze %dma_wait3A_92 : memref<1x80x128xi32, #tpu.memory_space<hbm>> -> memref<80x128xi32, #tpu.memory_space<hbm>>
      %dma_wait3A_94 = arith.constant 0 : i32
      %dma_wait3A_95 = tpu.memref_slice %arg3[%run_scoped3A, %mul3A_20, %dma_wait3A_94] : memref<2x2560x128xi32, #tpu.memory_space<hbm>> -> memref<1x80x128xi32, #tpu.memory_space<hbm>>
      %dma_wait3A_96 = tpu.memref_squeeze %dma_wait3A_95 : memref<1x80x128xi32, #tpu.memory_space<hbm>> -> memref<80x128xi32, #tpu.memory_space<hbm>>
      tpu.wait_dma2 semaphore(%run_scoped3A_84 : memref<!tpu.dma_semaphore, #tpu.memory_space<semaphore_mem>>) src(%dma_wait3A_96 : memref<80x128xi32, #tpu.memory_space<hbm>>) dst(%arg5 : memref<80x128xi32, #tpu.memory_space<vmem>>)
      tpu.yield
    }) : () -> ()
    %mul3A_21 = arith.constant 80 : i32
    %mul3A_22 = arith.muli %add3A, %mul3A_21 : i32
    %run_scoped3A_23 = arith.constant 1 : i32
    "tpu.region"() ({
      %run_scoped3A_84 = tpu.sem_alloc : memref<!tpu.dma_semaphore, #tpu.memory_space<semaphore_mem>>
      %dma_start3A_85 = arith.constant 0 : i32
      %dma_start3A_86 = tpu.memref_slice %arg3[%run_scoped3A_23, %mul3A_22, %dma_start3A_85] : memref<2x2560x128xi32, #tpu.memory_space<hbm>> -> memref<1x80x128xi32, #tpu.memory_space<hbm>>
      %dma_start3A_87 = tpu.memref_squeeze %dma_start3A_86 : memref<1x80x128xi32, #tpu.memory_space<hbm>> -> memref<80x128xi32, #tpu.memory_space<hbm>>
      %dma_start3A_88 = arith.constant 0 : i32
      %dma_start3A_89 = tpu.memref_slice %arg3[%run_scoped3A_23, %mul3A_22, %dma_start3A_88] : memref<2x2560x128xi32, #tpu.memory_space<hbm>> -> memref<1x80x128xi32, #tpu.memory_space<hbm>>
      %dma_start3A_90 = tpu.memref_squeeze %dma_start3A_89 : memref<1x80x128xi32, #tpu.memory_space<hbm>> -> memref<80x128xi32, #tpu.memory_space<hbm>>
      tpu.enqueue_dma source(%dma_start3A_90 : memref<80x128xi32, #tpu.memory_space<hbm>>) target(%arg6 : memref<80x128xi32, #tpu.memory_space<vmem>>) target_semaphore(%run_scoped3A_84 : memref<!tpu.dma_semaphore, #tpu.memory_space<semaphore_mem>>)
      %dma_wait3A_91 = arith.constant 0 : i32
      %dma_wait3A_92 = tpu.memref_slice %arg3[%run_scoped3A_23, %mul3A_22, %dma_wait3A_91] : memref<2x2560x128xi32, #tpu.memory_space<hbm>> -> memref<1x80x128xi32, #tpu.memory_space<hbm>>
      %dma_wait3A_93 = tpu.memref_squeeze %dma_wait3A_92 : memref<1x80x128xi32, #tpu.memory_space<hbm>> -> memref<80x128xi32, #tpu.memory_space<hbm>>
      %dma_wait3A_94 = arith.constant 0 : i32
      %dma_wait3A_95 = tpu.memref_slice %arg3[%run_scoped3A_23, %mul3A_22, %dma_wait3A_94] : memref<2x2560x128xi32, #tpu.memory_space<hbm>> -> memref<1x80x128xi32, #tpu.memory_space<hbm>>
      %dma_wait3A_96 = tpu.memref_squeeze %dma_wait3A_95 : memref<1x80x128xi32, #tpu.memory_space<hbm>> -> memref<80x128xi32, #tpu.memory_space<hbm>>
      tpu.wait_dma2 semaphore(%run_scoped3A_84 : memref<!tpu.dma_semaphore, #tpu.memory_space<semaphore_mem>>) src(%dma_wait3A_96 : memref<80x128xi32, #tpu.memory_space<hbm>>) dst(%arg6 : memref<80x128xi32, #tpu.memory_space<vmem>>)
      tpu.yield
    }) : () -> ()
    %barrier3A = arith.constant 0 : index
    tpu.barrier barrier_id(%barrier3A)
    %dma_start3A = arith.constant 0 : i32
    %dma_start3A_24 = arith.constant 0 : i32
    %dma_start3A_25 = tpu.memref_slice %arg5[%dma_start3A, %dma_start3A_24] : memref<80x128xi32, #tpu.memory_space<vmem>> -> memref<1x128xi32, #tpu.memory_space<vmem>>
    %dma_start3A_26 = tpu.memref_squeeze %dma_start3A_25 : memref<1x128xi32, #tpu.memory_space<vmem>> -> memref<128xi32, #tpu.memory_space<vmem>>
    %dma_start3A_27 = arith.constant 0 : i32
    %dma_start3A_28 = arith.constant 0 : i32
    %dma_start3A_29 = tpu.memref_slice %arg7[%dma_start3A_27, %dma_start3A_28] : memref<10240x16xf32, #tpu.memory_space<vmem_shared>> -> memref<10240x16xf32, #tpu.memory_space<vmem_shared>>
    tpu.enqueue_indirect_dma source(%dma_start3A_29 : memref<10240x16xf32, #tpu.memory_space<vmem_shared>>) target(%arg9 : memref<128x16xf32, #tpu.memory_space<vmem>>) offsets(%dma_start3A_26 : memref<128xi32, #tpu.memory_space<vmem>>) semaphore(%arg13 : memref<!tpu.dma_semaphore, #tpu.memory_space<semaphore_mem>>)
    %dma_start3A_30 = arith.constant 1 : i32
    %dma_start3A_31 = arith.constant 0 : i32
    %dma_start3A_32 = tpu.memref_slice %arg5[%dma_start3A_30, %dma_start3A_31] : memref<80x128xi32, #tpu.memory_space<vmem>> -> memref<1x128xi32, #tpu.memory_space<vmem>>
    %dma_start3A_33 = tpu.memref_squeeze %dma_start3A_32 : memref<1x128xi32, #tpu.memory_space<vmem>> -> memref<128xi32, #tpu.memory_space<vmem>>
    %dma_start3A_34 = arith.constant 0 : i32
    %dma_start3A_35 = arith.constant 0 : i32
    %dma_start3A_36 = tpu.memref_slice %arg7[%dma_start3A_34, %dma_start3A_35] : memref<10240x16xf32, #tpu.memory_space<vmem_shared>> -> memref<10240x16xf32, #tpu.memory_space<vmem_shared>>
    tpu.enqueue_indirect_dma source(%dma_start3A_36 : memref<10240x16xf32, #tpu.memory_space<vmem_shared>>) target(%arg10 : memref<128x16xf32, #tpu.memory_space<vmem>>) offsets(%dma_start3A_33 : memref<128xi32, #tpu.memory_space<vmem>>) semaphore(%arg14 : memref<!tpu.dma_semaphore, #tpu.memory_space<semaphore_mem>>)
    %dma_start3A_37 = arith.constant 2 : i32
    %dma_start3A_38 = arith.constant 0 : i32
    %dma_start3A_39 = tpu.memref_slice %arg5[%dma_start3A_37, %dma_start3A_38] : memref<80x128xi32, #tpu.memory_space<vmem>> -> memref<1x128xi32, #tpu.memory_space<vmem>>
    %dma_start3A_40 = tpu.memref_squeeze %dma_start3A_39 : memref<1x128xi32, #tpu.memory_space<vmem>> -> memref<128xi32, #tpu.memory_space<vmem>>
    %dma_start3A_41 = arith.constant 0 : i32
    %dma_start3A_42 = arith.constant 0 : i32
    %dma_start3A_43 = tpu.memref_slice %arg7[%dma_start3A_41, %dma_start3A_42] : memref<10240x16xf32, #tpu.memory_space<vmem_shared>> -> memref<10240x16xf32, #tpu.memory_space<vmem_shared>>
    tpu.enqueue_indirect_dma source(%dma_start3A_43 : memref<10240x16xf32, #tpu.memory_space<vmem_shared>>) target(%arg11 : memref<128x16xf32, #tpu.memory_space<vmem>>) offsets(%dma_start3A_40 : memref<128xi32, #tpu.memory_space<vmem>>) semaphore(%arg15 : memref<!tpu.dma_semaphore, #tpu.memory_space<semaphore_mem>>)
    %dma_start3A_44 = arith.constant 3 : i32
    %dma_start3A_45 = arith.constant 0 : i32
    %dma_start3A_46 = tpu.memref_slice %arg5[%dma_start3A_44, %dma_start3A_45] : memref<80x128xi32, #tpu.memory_space<vmem>> -> memref<1x128xi32, #tpu.memory_space<vmem>>
    %dma_start3A_47 = tpu.memref_squeeze %dma_start3A_46 : memref<1x128xi32, #tpu.memory_space<vmem>> -> memref<128xi32, #tpu.memory_space<vmem>>
    %dma_start3A_48 = arith.constant 0 : i32
    %dma_start3A_49 = arith.constant 0 : i32
    %dma_start3A_50 = tpu.memref_slice %arg7[%dma_start3A_48, %dma_start3A_49] : memref<10240x16xf32, #tpu.memory_space<vmem_shared>> -> memref<10240x16xf32, #tpu.memory_space<vmem_shared>>
    tpu.enqueue_indirect_dma source(%dma_start3A_50 : memref<10240x16xf32, #tpu.memory_space<vmem_shared>>) target(%arg12 : memref<128x16xf32, #tpu.memory_space<vmem>>) offsets(%dma_start3A_47 : memref<128xi32, #tpu.memory_space<vmem>>) semaphore(%arg16 : memref<!tpu.dma_semaphore, #tpu.memory_space<semaphore_mem>>)
    %scan3A_51 = arith.constant 0 : i32
    %scan3A_52 = arith.constant 20 : i32
    %scan3A_53 = arith.addi %scan3A_51, %scan3A_52 : i32
    %scan3A_54 = arith.constant 1 : i32
    scf.for %scan3A_84 = %scan3A_51 to %scan3A_53 step %scan3A_54  : i32 {
      %mul3A_85 = arith.constant 1 : i32
      %mul3A_86 = arith.muli %scan3A_84, %mul3A_85 : i32
      %add3A_87 = arith.constant 0 : i32
      %add3A_88 = arith.addi %add3A_87, %mul3A_86 : i32
      %mul3A_89 = arith.constant 4 : i32
      %mul3A_90 = arith.muli %add3A_88, %mul3A_89 : i32
      %add3A_91 = arith.constant 0 : i32
      %add3A_92 = arith.addi %mul3A_90, %add3A_91 : i32
      %dma_wait3A_93 = arith.constant 0 : i32
      %dma_wait3A_94 = tpu.memref_slice %arg5[%add3A_92, %dma_wait3A_93] : memref<80x128xi32, #tpu.memory_space<vmem>> -> memref<1x128xi32, #tpu.memory_space<vmem>>
      %dma_wait3A_95 = tpu.memref_squeeze %dma_wait3A_94 : memref<1x128xi32, #tpu.memory_space<vmem>> -> memref<128xi32, #tpu.memory_space<vmem>>
      %dma_wait3A_96 = arith.constant 0 : i32
      %dma_wait3A_97 = arith.constant 0 : i32
      %dma_wait3A_98 = tpu.memref_slice %arg7[%dma_wait3A_96, %dma_wait3A_97] : memref<10240x16xf32, #tpu.memory_space<vmem_shared>> -> memref<10240x16xf32, #tpu.memory_space<vmem_shared>>
      tpu.wait_indirect_dma semaphore(%arg13 : memref<!tpu.dma_semaphore, #tpu.memory_space<semaphore_mem>>) src(%dma_wait3A_98 : memref<10240x16xf32, #tpu.memory_space<vmem_shared>>) dst(%arg9 : memref<128x16xf32, #tpu.memory_space<vmem>>)
      %dma_start3A_99 = arith.constant 0 : i32
      %dma_start3A_100 = tpu.memref_slice %arg6[%add3A_92, %dma_start3A_99] : memref<80x128xi32, #tpu.memory_space<vmem>> -> memref<1x128xi32, #tpu.memory_space<vmem>>
      %dma_start3A_101 = tpu.memref_squeeze %dma_start3A_100 : memref<1x128xi32, #tpu.memory_space<vmem>> -> memref<128xi32, #tpu.memory_space<vmem>>
      %dma_start3A_102 = arith.constant 0 : i32
      %dma_start3A_103 = arith.constant 0 : i32
      %dma_start3A_104 = tpu.memref_slice %arg8[%dma_start3A_102, %dma_start3A_103] : memref<10240x16xf32, #tpu.memory_space<vmem_shared>> -> memref<10240x16xf32, #tpu.memory_space<vmem_shared>>
      tpu.enqueue_indirect_dma source(%arg9 : memref<128x16xf32, #tpu.memory_space<vmem>>) target(%dma_start3A_104 : memref<10240x16xf32, #tpu.memory_space<vmem_shared>>) offsets(%dma_start3A_101 : memref<128xi32, #tpu.memory_space<vmem>>) semaphore(%arg17 : memref<!tpu.dma_semaphore, #tpu.memory_space<semaphore_mem>>) {add = true}
      %lt3A = arith.constant 19 : i32
      %lt3A_105 = arith.cmpi slt, %add3A_88, %lt3A : i32
      %convert_element_type3A = arith.extui %lt3A_105 : i1 to i32
      %cond3A = arith.constant 0 : i32
      %cond3A_106 = arith.cmpi ne, %convert_element_type3A, %cond3A : i32
      scf.if %cond3A_106 {
        %dma_wait3A_170 = arith.constant 0 : i32
        %dma_wait3A_171 = tpu.memref_slice %arg6[%add3A_92, %dma_wait3A_170] : memref<80x128xi32, #tpu.memory_space<vmem>> -> memref<1x128xi32, #tpu.memory_space<vmem>>
        %dma_wait3A_172 = tpu.memref_squeeze %dma_wait3A_171 : memref<1x128xi32, #tpu.memory_space<vmem>> -> memref<128xi32, #tpu.memory_space<vmem>>
        %dma_wait3A_173 = arith.constant 0 : i32
        %dma_wait3A_174 = arith.constant 0 : i32
        %dma_wait3A_175 = tpu.memref_slice %arg8[%dma_wait3A_173, %dma_wait3A_174] : memref<10240x16xf32, #tpu.memory_space<vmem_shared>> -> memref<10240x16xf32, #tpu.memory_space<vmem_shared>>
        tpu.wait_indirect_dma semaphore(%arg17 : memref<!tpu.dma_semaphore, #tpu.memory_space<semaphore_mem>>) src(%arg9 : memref<128x16xf32, #tpu.memory_space<vmem>>) dst(%dma_wait3A_175 : memref<10240x16xf32, #tpu.memory_space<vmem_shared>>)
        %add3A_176 = arith.constant 4 : i32
        %add3A_177 = arith.addi %add3A_92, %add3A_176 : i32
        %dma_start3A_178 = arith.constant 0 : i32
        %dma_start3A_179 = tpu.memref_slice %arg5[%add3A_177, %dma_start3A_178] : memref<80x128xi32, #tpu.memory_space<vmem>> -> memref<1x128xi32, #tpu.memory_space<vmem>>
        %dma_start3A_180 = tpu.memref_squeeze %dma_start3A_179 : memref<1x128xi32, #tpu.memory_space<vmem>> -> memref<128xi32, #tpu.memory_space<vmem>>
        %dma_start3A_181 = arith.constant 0 : i32
        %dma_start3A_182 = arith.constant 0 : i32
        %dma_start3A_183 = tpu.memref_slice %arg7[%dma_start3A_181, %dma_start3A_182] : memref<10240x16xf32, #tpu.memory_space<vmem_shared>> -> memref<10240x16xf32, #tpu.memory_space<vmem_shared>>
        tpu.enqueue_indirect_dma source(%dma_start3A_183 : memref<10240x16xf32, #tpu.memory_space<vmem_shared>>) target(%arg9 : memref<128x16xf32, #tpu.memory_space<vmem>>) offsets(%dma_start3A_180 : memref<128xi32, #tpu.memory_space<vmem>>) semaphore(%arg13 : memref<!tpu.dma_semaphore, #tpu.memory_space<semaphore_mem>>)
      } else {
      }
      %mul3A_107 = arith.constant 4 : i32
      %mul3A_108 = arith.muli %add3A_88, %mul3A_107 : i32
      %add3A_109 = arith.constant 1 : i32
      %add3A_110 = arith.addi %mul3A_108, %add3A_109 : i32
      %dma_wait3A_111 = arith.constant 0 : i32
      %dma_wait3A_112 = tpu.memref_slice %arg5[%add3A_110, %dma_wait3A_111] : memref<80x128xi32, #tpu.memory_space<vmem>> -> memref<1x128xi32, #tpu.memory_space<vmem>>
      %dma_wait3A_113 = tpu.memref_squeeze %dma_wait3A_112 : memref<1x128xi32, #tpu.memory_space<vmem>> -> memref<128xi32, #tpu.memory_space<vmem>>
      %dma_wait3A_114 = arith.constant 0 : i32
      %dma_wait3A_115 = arith.constant 0 : i32
      %dma_wait3A_116 = tpu.memref_slice %arg7[%dma_wait3A_114, %dma_wait3A_115] : memref<10240x16xf32, #tpu.memory_space<vmem_shared>> -> memref<10240x16xf32, #tpu.memory_space<vmem_shared>>
      tpu.wait_indirect_dma semaphore(%arg14 : memref<!tpu.dma_semaphore, #tpu.memory_space<semaphore_mem>>) src(%dma_wait3A_116 : memref<10240x16xf32, #tpu.memory_space<vmem_shared>>) dst(%arg10 : memref<128x16xf32, #tpu.memory_space<vmem>>)
      %dma_start3A_117 = arith.constant 0 : i32
      %dma_start3A_118 = tpu.memref_slice %arg6[%add3A_110, %dma_start3A_117] : memref<80x128xi32, #tpu.memory_space<vmem>> -> memref<1x128xi32, #tpu.memory_space<vmem>>
      %dma_start3A_119 = tpu.memref_squeeze %dma_start3A_118 : memref<1x128xi32, #tpu.memory_space<vmem>> -> memref<128xi32, #tpu.memory_space<vmem>>
      %dma_start3A_120 = arith.constant 0 : i32
      %dma_start3A_121 = arith.constant 0 : i32
      %dma_start3A_122 = tpu.memref_slice %arg8[%dma_start3A_120, %dma_start3A_121] : memref<10240x16xf32, #tpu.memory_space<vmem_shared>> -> memref<10240x16xf32, #tpu.memory_space<vmem_shared>>
      tpu.enqueue_indirect_dma source(%arg10 : memref<128x16xf32, #tpu.memory_space<vmem>>) target(%dma_start3A_122 : memref<10240x16xf32, #tpu.memory_space<vmem_shared>>) offsets(%dma_start3A_119 : memref<128xi32, #tpu.memory_space<vmem>>) semaphore(%arg18 : memref<!tpu.dma_semaphore, #tpu.memory_space<semaphore_mem>>) {add = true}
      %lt3A_123 = arith.constant 19 : i32
      %lt3A_124 = arith.cmpi slt, %add3A_88, %lt3A_123 : i32
      %convert_element_type3A_125 = arith.extui %lt3A_124 : i1 to i32
      %cond3A_126 = arith.constant 0 : i32
      %cond3A_127 = arith.cmpi ne, %convert_element_type3A_125, %cond3A_126 : i32
      scf.if %cond3A_127 {
        %dma_wait3A_170 = arith.constant 0 : i32
        %dma_wait3A_171 = tpu.memref_slice %arg6[%add3A_110, %dma_wait3A_170] : memref<80x128xi32, #tpu.memory_space<vmem>> -> memref<1x128xi32, #tpu.memory_space<vmem>>
        %dma_wait3A_172 = tpu.memref_squeeze %dma_wait3A_171 : memref<1x128xi32, #tpu.memory_space<vmem>> -> memref<128xi32, #tpu.memory_space<vmem>>
        %dma_wait3A_173 = arith.constant 0 : i32
        %dma_wait3A_174 = arith.constant 0 : i32
        %dma_wait3A_175 = tpu.memref_slice %arg8[%dma_wait3A_173, %dma_wait3A_174] : memref<10240x16xf32, #tpu.memory_space<vmem_shared>> -> memref<10240x16xf32, #tpu.memory_space<vmem_shared>>
        tpu.wait_indirect_dma semaphore(%arg18 : memref<!tpu.dma_semaphore, #tpu.memory_space<semaphore_mem>>) src(%arg10 : memref<128x16xf32, #tpu.memory_space<vmem>>) dst(%dma_wait3A_175 : memref<10240x16xf32, #tpu.memory_space<vmem_shared>>)
        %add3A_176 = arith.constant 4 : i32
        %add3A_177 = arith.addi %add3A_110, %add3A_176 : i32
        %dma_start3A_178 = arith.constant 0 : i32
        %dma_start3A_179 = tpu.memref_slice %arg5[%add3A_177, %dma_start3A_178] : memref<80x128xi32, #tpu.memory_space<vmem>> -> memref<1x128xi32, #tpu.memory_space<vmem>>
        %dma_start3A_180 = tpu.memref_squeeze %dma_start3A_179 : memref<1x128xi32, #tpu.memory_space<vmem>> -> memref<128xi32, #tpu.memory_space<vmem>>
        %dma_start3A_181 = arith.constant 0 : i32
        %dma_start3A_182 = arith.constant 0 : i32
        %dma_start3A_183 = tpu.memref_slice %arg7[%dma_start3A_181, %dma_start3A_182] : memref<10240x16xf32, #tpu.memory_space<vmem_shared>> -> memref<10240x16xf32, #tpu.memory_space<vmem_shared>>
        tpu.enqueue_indirect_dma source(%dma_start3A_183 : memref<10240x16xf32, #tpu.memory_space<vmem_shared>>) target(%arg10 : memref<128x16xf32, #tpu.memory_space<vmem>>) offsets(%dma_start3A_180 : memref<128xi32, #tpu.memory_space<vmem>>) semaphore(%arg14 : memref<!tpu.dma_semaphore, #tpu.memory_space<semaphore_mem>>)
      } else {
      }
      %mul3A_128 = arith.constant 4 : i32
      %mul3A_129 = arith.muli %add3A_88, %mul3A_128 : i32
      %add3A_130 = arith.constant 2 : i32
      %add3A_131 = arith.addi %mul3A_129, %add3A_130 : i32
      %dma_wait3A_132 = arith.constant 0 : i32
      %dma_wait3A_133 = tpu.memref_slice %arg5[%add3A_131, %dma_wait3A_132] : memref<80x128xi32, #tpu.memory_space<vmem>> -> memref<1x128xi32, #tpu.memory_space<vmem>>
      %dma_wait3A_134 = tpu.memref_squeeze %dma_wait3A_133 : memref<1x128xi32, #tpu.memory_space<vmem>> -> memref<128xi32, #tpu.memory_space<vmem>>
      %dma_wait3A_135 = arith.constant 0 : i32
      %dma_wait3A_136 = arith.constant 0 : i32
      %dma_wait3A_137 = tpu.memref_slice %arg7[%dma_wait3A_135, %dma_wait3A_136] : memref<10240x16xf32, #tpu.memory_space<vmem_shared>> -> memref<10240x16xf32, #tpu.memory_space<vmem_shared>>
      tpu.wait_indirect_dma semaphore(%arg15 : memref<!tpu.dma_semaphore, #tpu.memory_space<semaphore_mem>>) src(%dma_wait3A_137 : memref<10240x16xf32, #tpu.memory_space<vmem_shared>>) dst(%arg11 : memref<128x16xf32, #tpu.memory_space<vmem>>)
      %dma_start3A_138 = arith.constant 0 : i32
      %dma_start3A_139 = tpu.memref_slice %arg6[%add3A_131, %dma_start3A_138] : memref<80x128xi32, #tpu.memory_space<vmem>> -> memref<1x128xi32, #tpu.memory_space<vmem>>
      %dma_start3A_140 = tpu.memref_squeeze %dma_start3A_139 : memref<1x128xi32, #tpu.memory_space<vmem>> -> memref<128xi32, #tpu.memory_space<vmem>>
      %dma_start3A_141 = arith.constant 0 : i32
      %dma_start3A_142 = arith.constant 0 : i32
      %dma_start3A_143 = tpu.memref_slice %arg8[%dma_start3A_141, %dma_start3A_142] : memref<10240x16xf32, #tpu.memory_space<vmem_shared>> -> memref<10240x16xf32, #tpu.memory_space<vmem_shared>>
      tpu.enqueue_indirect_dma source(%arg11 : memref<128x16xf32, #tpu.memory_space<vmem>>) target(%dma_start3A_143 : memref<10240x16xf32, #tpu.memory_space<vmem_shared>>) offsets(%dma_start3A_140 : memref<128xi32, #tpu.memory_space<vmem>>) semaphore(%arg19 : memref<!tpu.dma_semaphore, #tpu.memory_space<semaphore_mem>>) {add = true}
      %lt3A_144 = arith.constant 19 : i32
      %lt3A_145 = arith.cmpi slt, %add3A_88, %lt3A_144 : i32
      %convert_element_type3A_146 = arith.extui %lt3A_145 : i1 to i32
      %cond3A_147 = arith.constant 0 : i32
      %cond3A_148 = arith.cmpi ne, %convert_element_type3A_146, %cond3A_147 : i32
      scf.if %cond3A_148 {
        %dma_wait3A_170 = arith.constant 0 : i32
        %dma_wait3A_171 = tpu.memref_slice %arg6[%add3A_131, %dma_wait3A_170] : memref<80x128xi32, #tpu.memory_space<vmem>> -> memref<1x128xi32, #tpu.memory_space<vmem>>
        %dma_wait3A_172 = tpu.memref_squeeze %dma_wait3A_171 : memref<1x128xi32, #tpu.memory_space<vmem>> -> memref<128xi32, #tpu.memory_space<vmem>>
        %dma_wait3A_173 = arith.constant 0 : i32
        %dma_wait3A_174 = arith.constant 0 : i32
        %dma_wait3A_175 = tpu.memref_slice %arg8[%dma_wait3A_173, %dma_wait3A_174] : memref<10240x16xf32, #tpu.memory_space<vmem_shared>> -> memref<10240x16xf32, #tpu.memory_space<vmem_shared>>
        tpu.wait_indirect_dma semaphore(%arg19 : memref<!tpu.dma_semaphore, #tpu.memory_space<semaphore_mem>>) src(%arg11 : memref<128x16xf32, #tpu.memory_space<vmem>>) dst(%dma_wait3A_175 : memref<10240x16xf32, #tpu.memory_space<vmem_shared>>)
        %add3A_176 = arith.constant 4 : i32
        %add3A_177 = arith.addi %add3A_131, %add3A_176 : i32
        %dma_start3A_178 = arith.constant 0 : i32
        %dma_start3A_179 = tpu.memref_slice %arg5[%add3A_177, %dma_start3A_178] : memref<80x128xi32, #tpu.memory_space<vmem>> -> memref<1x128xi32, #tpu.memory_space<vmem>>
        %dma_start3A_180 = tpu.memref_squeeze %dma_start3A_179 : memref<1x128xi32, #tpu.memory_space<vmem>> -> memref<128xi32, #tpu.memory_space<vmem>>
        %dma_start3A_181 = arith.constant 0 : i32
        %dma_start3A_182 = arith.constant 0 : i32
        %dma_start3A_183 = tpu.memref_slice %arg7[%dma_start3A_181, %dma_start3A_182] : memref<10240x16xf32, #tpu.memory_space<vmem_shared>> -> memref<10240x16xf32, #tpu.memory_space<vmem_shared>>
        tpu.enqueue_indirect_dma source(%dma_start3A_183 : memref<10240x16xf32, #tpu.memory_space<vmem_shared>>) target(%arg11 : memref<128x16xf32, #tpu.memory_space<vmem>>) offsets(%dma_start3A_180 : memref<128xi32, #tpu.memory_space<vmem>>) semaphore(%arg15 : memref<!tpu.dma_semaphore, #tpu.memory_space<semaphore_mem>>)
      } else {
      }
      %mul3A_149 = arith.constant 4 : i32
      %mul3A_150 = arith.muli %add3A_88, %mul3A_149 : i32
      %add3A_151 = arith.constant 3 : i32
      %add3A_152 = arith.addi %mul3A_150, %add3A_151 : i32
      %dma_wait3A_153 = arith.constant 0 : i32
      %dma_wait3A_154 = tpu.memref_slice %arg5[%add3A_152, %dma_wait3A_153] : memref<80x128xi32, #tpu.memory_space<vmem>> -> memref<1x128xi32, #tpu.memory_space<vmem>>
      %dma_wait3A_155 = tpu.memref_squeeze %dma_wait3A_154 : memref<1x128xi32, #tpu.memory_space<vmem>> -> memref<128xi32, #tpu.memory_space<vmem>>
      %dma_wait3A_156 = arith.constant 0 : i32
      %dma_wait3A_157 = arith.constant 0 : i32
      %dma_wait3A_158 = tpu.memref_slice %arg7[%dma_wait3A_156, %dma_wait3A_157] : memref<10240x16xf32, #tpu.memory_space<vmem_shared>> -> memref<10240x16xf32, #tpu.memory_space<vmem_shared>>
      tpu.wait_indirect_dma semaphore(%arg16 : memref<!tpu.dma_semaphore, #tpu.memory_space<semaphore_mem>>) src(%dma_wait3A_158 : memref<10240x16xf32, #tpu.memory_space<vmem_shared>>) dst(%arg12 : memref<128x16xf32, #tpu.memory_space<vmem>>)
      %dma_start3A_159 = arith.constant 0 : i32
      %dma_start3A_160 = tpu.memref_slice %arg6[%add3A_152, %dma_start3A_159] : memref<80x128xi32, #tpu.memory_space<vmem>> -> memref<1x128xi32, #tpu.memory_space<vmem>>
      %dma_start3A_161 = tpu.memref_squeeze %dma_start3A_160 : memref<1x128xi32, #tpu.memory_space<vmem>> -> memref<128xi32, #tpu.memory_space<vmem>>
      %dma_start3A_162 = arith.constant 0 : i32
      %dma_start3A_163 = arith.constant 0 : i32
      %dma_start3A_164 = tpu.memref_slice %arg8[%dma_start3A_162, %dma_start3A_163] : memref<10240x16xf32, #tpu.memory_space<vmem_shared>> -> memref<10240x16xf32, #tpu.memory_space<vmem_shared>>
      tpu.enqueue_indirect_dma source(%arg12 : memref<128x16xf32, #tpu.memory_space<vmem>>) target(%dma_start3A_164 : memref<10240x16xf32, #tpu.memory_space<vmem_shared>>) offsets(%dma_start3A_161 : memref<128xi32, #tpu.memory_space<vmem>>) semaphore(%arg20 : memref<!tpu.dma_semaphore, #tpu.memory_space<semaphore_mem>>) {add = true}
      %lt3A_165 = arith.constant 19 : i32
      %lt3A_166 = arith.cmpi slt, %add3A_88, %lt3A_165 : i32
      %convert_element_type3A_167 = arith.extui %lt3A_166 : i1 to i32
      %cond3A_168 = arith.constant 0 : i32
      %cond3A_169 = arith.cmpi ne, %convert_element_type3A_167, %cond3A_168 : i32
      scf.if %cond3A_169 {
        %dma_wait3A_170 = arith.constant 0 : i32
        %dma_wait3A_171 = tpu.memref_slice %arg6[%add3A_152, %dma_wait3A_170] : memref<80x128xi32, #tpu.memory_space<vmem>> -> memref<1x128xi32, #tpu.memory_space<vmem>>
        %dma_wait3A_172 = tpu.memref_squeeze %dma_wait3A_171 : memref<1x128xi32, #tpu.memory_space<vmem>> -> memref<128xi32, #tpu.memory_space<vmem>>
        %dma_wait3A_173 = arith.constant 0 : i32
        %dma_wait3A_174 = arith.constant 0 : i32
        %dma_wait3A_175 = tpu.memref_slice %arg8[%dma_wait3A_173, %dma_wait3A_174] : memref<10240x16xf32, #tpu.memory_space<vmem_shared>> -> memref<10240x16xf32, #tpu.memory_space<vmem_shared>>
        tpu.wait_indirect_dma semaphore(%arg20 : memref<!tpu.dma_semaphore, #tpu.memory_space<semaphore_mem>>) src(%arg12 : memref<128x16xf32, #tpu.memory_space<vmem>>) dst(%dma_wait3A_175 : memref<10240x16xf32, #tpu.memory_space<vmem_shared>>)
        %add3A_176 = arith.constant 4 : i32
        %add3A_177 = arith.addi %add3A_152, %add3A_176 : i32
        %dma_start3A_178 = arith.constant 0 : i32
        %dma_start3A_179 = tpu.memref_slice %arg5[%add3A_177, %dma_start3A_178] : memref<80x128xi32, #tpu.memory_space<vmem>> -> memref<1x128xi32, #tpu.memory_space<vmem>>
        %dma_start3A_180 = tpu.memref_squeeze %dma_start3A_179 : memref<1x128xi32, #tpu.memory_space<vmem>> -> memref<128xi32, #tpu.memory_space<vmem>>
        %dma_start3A_181 = arith.constant 0 : i32
        %dma_start3A_182 = arith.constant 0 : i32
        %dma_start3A_183 = tpu.memref_slice %arg7[%dma_start3A_181, %dma_start3A_182] : memref<10240x16xf32, #tpu.memory_space<vmem_shared>> -> memref<10240x16xf32, #tpu.memory_space<vmem_shared>>
        tpu.enqueue_indirect_dma source(%dma_start3A_183 : memref<10240x16xf32, #tpu.memory_space<vmem_shared>>) target(%arg12 : memref<128x16xf32, #tpu.memory_space<vmem>>) offsets(%dma_start3A_180 : memref<128xi32, #tpu.memory_space<vmem>>) semaphore(%arg16 : memref<!tpu.dma_semaphore, #tpu.memory_space<semaphore_mem>>)
      } else {
      }
    }
    %scan3A_55 = arith.constant 20 : i32
    %dma_wait3A = arith.constant 76 : i32
    %dma_wait3A_56 = arith.constant 0 : i32
    %dma_wait3A_57 = tpu.memref_slice %arg6[%dma_wait3A, %dma_wait3A_56] : memref<80x128xi32, #tpu.memory_space<vmem>> -> memref<1x128xi32, #tpu.memory_space<vmem>>
    %dma_wait3A_58 = tpu.memref_squeeze %dma_wait3A_57 : memref<1x128xi32, #tpu.memory_space<vmem>> -> memref<128xi32, #tpu.memory_space<vmem>>
    %dma_wait3A_59 = arith.constant 0 : i32
    %dma_wait3A_60 = arith.constant 0 : i32
    %dma_wait3A_61 = tpu.memref_slice %arg8[%dma_wait3A_59, %dma_wait3A_60] : memref<10240x16xf32, #tpu.memory_space<vmem_shared>> -> memref<10240x16xf32, #tpu.memory_space<vmem_shared>>
    tpu.wait_indirect_dma semaphore(%arg17 : memref<!tpu.dma_semaphore, #tpu.memory_space<semaphore_mem>>) src(%arg9 : memref<128x16xf32, #tpu.memory_space<vmem>>) dst(%dma_wait3A_61 : memref<10240x16xf32, #tpu.memory_space<vmem_shared>>)
    %dma_wait3A_62 = arith.constant 77 : i32
    %dma_wait3A_63 = arith.constant 0 : i32
    %dma_wait3A_64 = tpu.memref_slice %arg6[%dma_wait3A_62, %dma_wait3A_63] : memref<80x128xi32, #tpu.memory_space<vmem>> -> memref<1x128xi32, #tpu.memory_space<vmem>>
    %dma_wait3A_65 = tpu.memref_squeeze %dma_wait3A_64 : memref<1x128xi32, #tpu.memory_space<vmem>> -> memref<128xi32, #tpu.memory_space<vmem>>
    %dma_wait3A_66 = arith.constant 0 : i32
    %dma_wait3A_67 = arith.constant 0 : i32
    %dma_wait3A_68 = tpu.memref_slice %arg8[%dma_wait3A_66, %dma_wait3A_67] : memref<10240x16xf32, #tpu.memory_space<vmem_shared>> -> memref<10240x16xf32, #tpu.memory_space<vmem_shared>>
    tpu.wait_indirect_dma semaphore(%arg18 : memref<!tpu.dma_semaphore, #tpu.memory_space<semaphore_mem>>) src(%arg10 : memref<128x16xf32, #tpu.memory_space<vmem>>) dst(%dma_wait3A_68 : memref<10240x16xf32, #tpu.memory_space<vmem_shared>>)
    %dma_wait3A_69 = arith.constant 78 : i32
    %dma_wait3A_70 = arith.constant 0 : i32
    %dma_wait3A_71 = tpu.memref_slice %arg6[%dma_wait3A_69, %dma_wait3A_70] : memref<80x128xi32, #tpu.memory_space<vmem>> -> memref<1x128xi32, #tpu.memory_space<vmem>>
    %dma_wait3A_72 = tpu.memref_squeeze %dma_wait3A_71 : memref<1x128xi32, #tpu.memory_space<vmem>> -> memref<128xi32, #tpu.memory_space<vmem>>
    %dma_wait3A_73 = arith.constant 0 : i32
    %dma_wait3A_74 = arith.constant 0 : i32
    %dma_wait3A_75 = tpu.memref_slice %arg8[%dma_wait3A_73, %dma_wait3A_74] : memref<10240x16xf32, #tpu.memory_space<vmem_shared>> -> memref<10240x16xf32, #tpu.memory_space<vmem_shared>>
    tpu.wait_indirect_dma semaphore(%arg19 : memref<!tpu.dma_semaphore, #tpu.memory_space<semaphore_mem>>) src(%arg11 : memref<128x16xf32, #tpu.memory_space<vmem>>) dst(%dma_wait3A_75 : memref<10240x16xf32, #tpu.memory_space<vmem_shared>>)
    %dma_wait3A_76 = arith.constant 79 : i32
    %dma_wait3A_77 = arith.constant 0 : i32
    %dma_wait3A_78 = tpu.memref_slice %arg6[%dma_wait3A_76, %dma_wait3A_77] : memref<80x128xi32, #tpu.memory_space<vmem>> -> memref<1x128xi32, #tpu.memory_space<vmem>>
    %dma_wait3A_79 = tpu.memref_squeeze %dma_wait3A_78 : memref<1x128xi32, #tpu.memory_space<vmem>> -> memref<128xi32, #tpu.memory_space<vmem>>
    %dma_wait3A_80 = arith.constant 0 : i32
    %dma_wait3A_81 = arith.constant 0 : i32
    %dma_wait3A_82 = tpu.memref_slice %arg8[%dma_wait3A_80, %dma_wait3A_81] : memref<10240x16xf32, #tpu.memory_space<vmem_shared>> -> memref<10240x16xf32, #tpu.memory_space<vmem_shared>>
    tpu.wait_indirect_dma semaphore(%arg20 : memref<!tpu.dma_semaphore, #tpu.memory_space<semaphore_mem>>) src(%arg12 : memref<128x16xf32, #tpu.memory_space<vmem>>) dst(%dma_wait3A_82 : memref<10240x16xf32, #tpu.memory_space<vmem_shared>>)
    %barrier3A_83 = arith.constant 0 : index
    tpu.barrier barrier_id(%barrier3A_83)
    "tpu.region"() ({
      %run_scoped3A_84 = tpu.sem_alloc : memref<!tpu.dma_semaphore, #tpu.memory_space<semaphore_mem>>
      %dma_start3A_85 = arith.constant 0 : i32
      %dma_start3A_86 = tpu.memref_slice %arg4[%arg0, %mul3A_2, %dma_start3A_85] : memref<2x10240x16xf32, #tpu.memory_space<hbm>> -> memref<1x640x16xf32, #tpu.memory_space<hbm>>
      %dma_start3A_87 = tpu.memref_squeeze %dma_start3A_86 : memref<1x640x16xf32, #tpu.memory_space<hbm>> -> memref<640x16xf32, #tpu.memory_space<hbm>>
      %dma_start3A_88 = arith.constant 0 : i32
      %dma_start3A_89 = tpu.memref_slice %arg8[%mul3A_2, %dma_start3A_88] : memref<10240x16xf32, #tpu.memory_space<vmem_shared>> -> memref<640x16xf32, #tpu.memory_space<vmem_shared>>
      tpu.enqueue_dma source(%dma_start3A_89 : memref<640x16xf32, #tpu.memory_space<vmem_shared>>) target(%dma_start3A_87 : memref<640x16xf32, #tpu.memory_space<hbm>>) target_semaphore(%run_scoped3A_84 : memref<!tpu.dma_semaphore, #tpu.memory_space<semaphore_mem>>)
      %dma_wait3A_90 = arith.constant 0 : i32
      %dma_wait3A_91 = tpu.memref_slice %arg4[%arg0, %mul3A_2, %dma_wait3A_90] : memref<2x10240x16xf32, #tpu.memory_space<hbm>> -> memref<1x640x16xf32, #tpu.memory_space<hbm>>
      %dma_wait3A_92 = tpu.memref_squeeze %dma_wait3A_91 : memref<1x640x16xf32, #tpu.memory_space<hbm>> -> memref<640x16xf32, #tpu.memory_space<hbm>>
      %dma_wait3A_93 = arith.constant 0 : i32
      %dma_wait3A_94 = tpu.memref_slice %arg8[%mul3A_2, %dma_wait3A_93] : memref<10240x16xf32, #tpu.memory_space<vmem_shared>> -> memref<640x16xf32, #tpu.memory_space<vmem_shared>>
      tpu.wait_dma2 semaphore(%run_scoped3A_84 : memref<!tpu.dma_semaphore, #tpu.memory_space<semaphore_mem>>) src(%dma_wait3A_94 : memref<640x16xf32, #tpu.memory_space<vmem_shared>>) dst(%dma_wait3A_92 : memref<640x16xf32, #tpu.memory_space<hbm>>)
      tpu.yield
    }) : () -> ()
    return
  }
}

module attributes {stable_mosaic.version = 14 : i64} {
  func.func @_tc1_body(%arg0: i32, %arg1: memref<2x2000x16xf32, #tpu.memory_space<vmem>>, %arg2: memref<2000x128xf32, #tpu.memory_space<vmem>>, %arg3: memref<128x128xf32, #tpu.memory_space<vmem>>, %arg4: memref<2000x128xf32, #tpu.memory_space<vmem>>, %arg5: memref<2000x16xf32, #tpu.memory_space<vmem>>) attributes {dimension_semantics = [#tpu.dimension_semantics<arbitrary>], iteration_bounds = array<i64: 5>, scalar_prefetch = 0 : i64, scratch_operands = 0 : i64, tpu.core_type = #tpu.core_type<tc>, window_params = [{transform_indices = @transform_0, window_bounds = array<i64: 2, 2000, 16>}, {transform_indices = @transform_1, window_bounds = array<i64: 2000, 128>}, {pipeline_mode = #tpu.pipeline_mode<synchronous>, transform_indices = @transform_2, window_bounds = array<i64: 128, 128>}, {transform_indices = @transform_3, window_bounds = array<i64: 2000, 128>}, {transform_indices = @transform_4, window_bounds = array<i64: 2000, 16>}]} {
    %get3A = arith.constant 0 : index
    %get3A_0 = arith.constant 0 : index
    %get3A_1 = arith.constant 0 : index
    %get3A_2 = vector.load %arg1[%get3A, %get3A_0, %get3A_1] : memref<2x2000x16xf32, #tpu.memory_space<vmem>>, vector<1x2000x1xf32>
    %get3A_3 = vector.shape_cast %get3A_2 : vector<1x2000x1xf32> to vector<2000x1xf32>
    %get3A_4 = arith.constant 1 : index
    %get3A_5 = arith.constant 0 : index
    %get3A_6 = arith.constant 0 : index
    %get3A_7 = vector.load %arg1[%get3A_4, %get3A_5, %get3A_6] : memref<2x2000x16xf32, #tpu.memory_space<vmem>>, vector<1x2000x1xf32>
    %get3A_8 = vector.shape_cast %get3A_7 : vector<1x2000x1xf32> to vector<2000x1xf32>
    %add3A = arith.addf %get3A_3, %get3A_8 : vector<2000x1xf32>
    %add3A_9 = arith.constant 1.000000e+00 : f32
    %add3A_10 = vector.broadcast %add3A_9 : f32 to vector<2000x1xf32>
    %add3A_11 = arith.addf %add3A, %add3A_10 : vector<2000x1xf32>
    %rsqrt3A = math.rsqrt %add3A_11 : vector<2000x1xf32>
    %get3A_12 = arith.constant 0 : index
    %get3A_13 = arith.constant 0 : index
    %get3A_14 = vector.load %arg2[%get3A_12, %get3A_13] : memref<2000x128xf32, #tpu.memory_space<vmem>>, vector<2000x128xf32>
    %convert_element_type3A = arith.truncf %get3A_14 : vector<2000x128xf32> to vector<2000x128xbf16>
    %get3A_15 = arith.constant 0 : index
    %get3A_16 = arith.constant 0 : index
    %get3A_17 = vector.load %arg3[%get3A_15, %get3A_16] : memref<128x128xf32, #tpu.memory_space<vmem>>, vector<128x128xf32>
    %convert_element_type3A_18 = arith.truncf %get3A_17 : vector<128x128xf32> to vector<128x128xbf16>
    %dot_general3A = arith.constant dense<0.000000e+00> : vector<2000x128xf32>
    %dot_general3A_19 = tpu.matmul %convert_element_type3A, %convert_element_type3A_18, %dot_general3A {dimension_numbers = #tpu.dot_dimension_numbers<[1], [0], [0], [1], [0, 0, 1, 1], [], []>, transpose_lhs_hint = false} : vector<2000x128xbf16>, vector<128x128xbf16>, vector<2000x128xf32> -> vector<2000x128xf32>
    %mul3A = vector.broadcast %rsqrt3A : vector<2000x1xf32> to vector<2000x128xf32>
    %mul3A_20 = arith.mulf %dot_general3A_19, %mul3A : vector<2000x128xf32>
    %swap3A = arith.constant 0 : index
    %swap3A_21 = arith.constant 0 : index
    %swap3A_22 = vector.load %arg4[%swap3A, %swap3A_21] : memref<2000x128xf32, #tpu.memory_space<vmem>>, vector<2000x128xf32>
    tpu.vector_store %arg4[%swap3A, %swap3A_21], %mul3A_20 {strides = array<i32>} : memref<2000x128xf32, #tpu.memory_space<vmem>>, vector<2000x128xf32>,
    %broadcast_in_dim3A = vector.shape_cast %rsqrt3A : vector<2000x1xf32> to vector<2000x1xf32>
    %broadcast_in_dim3A_23 = vector.broadcast %broadcast_in_dim3A : vector<2000x1xf32> to vector<2000x16xf32>
    %swap3A_24 = arith.constant 0 : index
    %swap3A_25 = arith.constant 0 : index
    %swap3A_26 = vector.load %arg5[%swap3A_24, %swap3A_25] : memref<2000x16xf32, #tpu.memory_space<vmem>>, vector<2000x16xf32>
    tpu.vector_store %arg5[%swap3A_24, %swap3A_25], %broadcast_in_dim3A_23 {strides = array<i32>} : memref<2000x16xf32, #tpu.memory_space<vmem>>, vector<2000x16xf32>,
    return
  }
  func.func @transform_0(%arg0: i32) -> (i32, i32, i32) {
    %c0_i32 = arith.constant 0 : i32
    %c0_i32_0 = arith.constant 0 : i32
    %c0_i32_1 = arith.constant 0 : i32
    return %c0_i32, %arg0, %c0_i32_0 : i32, i32, i32
  }
  func.func @transform_1(%arg0: i32) -> (i32, i32) {
    %c0_i32 = arith.constant 0 : i32
    %c0_i32_0 = arith.constant 0 : i32
    return %arg0, %c0_i32 : i32, i32
  }
  func.func @transform_2(%arg0: i32) -> (i32, i32) {
    %c0_i32 = arith.constant 0 : i32
    %c0_i32_0 = arith.constant 0 : i32
    %c0_i32_1 = arith.constant 0 : i32
    return %c0_i32, %c0_i32_0 : i32, i32
  }
  func.func @transform_3(%arg0: i32) -> (i32, i32) {
    %c0_i32 = arith.constant 0 : i32
    %c0_i32_0 = arith.constant 0 : i32
    return %arg0, %c0_i32 : i32, i32
  }
  func.func @transform_4(%arg0: i32) -> (i32, i32) {
    %c0_i32 = arith.constant 0 : i32
    %c0_i32_0 = arith.constant 0 : i32
    return %arg0, %c0_i32 : i32, i32
  }
}

module attributes {stable_mosaic.version = 14 : i64} {
  func.func @_tc2_body(%arg0: i32, %arg1: memref<2x2000x128xf32, #tpu.memory_space<vmem>>, %arg2: memref<2000x128xf32, #tpu.memory_space<vmem>>, %arg3: memref<2000x16xf32, #tpu.memory_space<vmem>>, %arg4: memref<1x128xf32, #tpu.memory_space<vmem>>, %arg5: memref<128x16xf32, #tpu.memory_space<vmem>>, %arg6: memref<2000x16xf32, #tpu.memory_space<vmem>>) attributes {dimension_semantics = [#tpu.dimension_semantics<arbitrary>], iteration_bounds = array<i64: 5>, scalar_prefetch = 0 : i64, scratch_operands = 0 : i64, tpu.core_type = #tpu.core_type<tc>, window_params = [{transform_indices = @transform_0, window_bounds = array<i64: 2, 2000, 128>}, {transform_indices = @transform_1, window_bounds = array<i64: 2000, 128>}, {transform_indices = @transform_2, window_bounds = array<i64: 2000, 16>}, {pipeline_mode = #tpu.pipeline_mode<synchronous>, transform_indices = @transform_3, window_bounds = array<i64: 1, 128>}, {pipeline_mode = #tpu.pipeline_mode<synchronous>, transform_indices = @transform_4, window_bounds = array<i64: 128, 16>}, {transform_indices = @transform_5, window_bounds = array<i64: 2000, 16>}]} {
    %get3A = arith.constant 0 : index
    %get3A_0 = arith.constant 0 : index
    %get3A_1 = vector.load %arg3[%get3A, %get3A_0] : memref<2000x16xf32, #tpu.memory_space<vmem>>, vector<2000x1xf32>
    %get3A_2 = arith.constant 0 : index
    %get3A_3 = arith.constant 0 : index
    %get3A_4 = arith.constant 0 : index
    %get3A_5 = vector.load %arg1[%get3A_2, %get3A_3, %get3A_4] : memref<2x2000x128xf32, #tpu.memory_space<vmem>>, vector<1x2000x128xf32>
    %get3A_6 = vector.shape_cast %get3A_5 : vector<1x2000x128xf32> to vector<2000x128xf32>
    %get3A_7 = arith.constant 1 : index
    %get3A_8 = arith.constant 0 : index
    %get3A_9 = arith.constant 0 : index
    %get3A_10 = vector.load %arg1[%get3A_7, %get3A_8, %get3A_9] : memref<2x2000x128xf32, #tpu.memory_space<vmem>>, vector<1x2000x128xf32>
    %get3A_11 = vector.shape_cast %get3A_10 : vector<1x2000x128xf32> to vector<2000x128xf32>
    %add3A = arith.addf %get3A_6, %get3A_11 : vector<2000x128xf32>
    %get3A_12 = arith.constant 0 : index
    %get3A_13 = arith.constant 0 : index
    %get3A_14 = vector.load %arg2[%get3A_12, %get3A_13] : memref<2000x128xf32, #tpu.memory_space<vmem>>, vector<2000x128xf32>
    %add3A_15 = arith.addf %add3A, %get3A_14 : vector<2000x128xf32>
    %mul3A = vector.broadcast %get3A_1 : vector<2000x1xf32> to vector<2000x128xf32>
    %mul3A_16 = arith.mulf %mul3A, %add3A_15 : vector<2000x128xf32>
    %get3A_17 = arith.constant 0 : index
    %get3A_18 = arith.constant 0 : index
    %get3A_19 = vector.load %arg4[%get3A_17, %get3A_18] : memref<1x128xf32, #tpu.memory_space<vmem>>, vector<1x128xf32>
    %add3A_20 = vector.broadcast %get3A_19 : vector<1x128xf32> to vector<2000x128xf32>
    %add3A_21 = arith.addf %mul3A_16, %add3A_20 : vector<2000x128xf32>
    %max3A = arith.constant 0.000000e+00 : f32
    %max3A_22 = vector.broadcast %max3A : f32 to vector<2000x128xf32>
    %max3A_23 = arith.maximumf %add3A_21, %max3A_22 : vector<2000x128xf32>
    %convert_element_type3A = arith.truncf %max3A_23 : vector<2000x128xf32> to vector<2000x128xbf16>
    %get3A_24 = arith.constant 0 : index
    %get3A_25 = arith.constant 0 : index
    %get3A_26 = vector.load %arg5[%get3A_24, %get3A_25] : memref<128x16xf32, #tpu.memory_space<vmem>>, vector<128x16xf32>
    %convert_element_type3A_27 = arith.truncf %get3A_26 : vector<128x16xf32> to vector<128x16xbf16>
    %dot_general3A = arith.constant dense<0.000000e+00> : vector<2000x16xf32>
    %dot_general3A_28 = tpu.matmul %convert_element_type3A, %convert_element_type3A_27, %dot_general3A {dimension_numbers = #tpu.dot_dimension_numbers<[1], [0], [0], [1], [0, 0, 1, 1], [], []>, transpose_lhs_hint = false} : vector<2000x128xbf16>, vector<128x16xbf16>, vector<2000x16xf32> -> vector<2000x16xf32>
    %mul3A_29 = vector.broadcast %get3A_1 : vector<2000x1xf32> to vector<2000x16xf32>
    %mul3A_30 = arith.mulf %mul3A_29, %dot_general3A_28 : vector<2000x16xf32>
    %swap3A = arith.constant 0 : index
    %swap3A_31 = arith.constant 0 : index
    %swap3A_32 = vector.load %arg6[%swap3A, %swap3A_31] : memref<2000x16xf32, #tpu.memory_space<vmem>>, vector<2000x16xf32>
    tpu.vector_store %arg6[%swap3A, %swap3A_31], %mul3A_30 {strides = array<i32>} : memref<2000x16xf32, #tpu.memory_space<vmem>>, vector<2000x16xf32>,
    return
  }
  func.func @transform_0(%arg0: i32) -> (i32, i32, i32) {
    %c0_i32 = arith.constant 0 : i32
    %c0_i32_0 = arith.constant 0 : i32
    %c0_i32_1 = arith.constant 0 : i32
    return %c0_i32, %arg0, %c0_i32_0 : i32, i32, i32
  }
  func.func @transform_1(%arg0: i32) -> (i32, i32) {
    %c0_i32 = arith.constant 0 : i32
    %c0_i32_0 = arith.constant 0 : i32
    return %arg0, %c0_i32 : i32, i32
  }
  func.func @transform_2(%arg0: i32) -> (i32, i32) {
    %c0_i32 = arith.constant 0 : i32
    %c0_i32_0 = arith.constant 0 : i32
    return %arg0, %c0_i32 : i32, i32
  }
  func.func @transform_3(%arg0: i32) -> (i32, i32) {
    %c0_i32 = arith.constant 0 : i32
    %c0_i32_0 = arith.constant 0 : i32
    %c0_i32_1 = arith.constant 0 : i32
    return %c0_i32, %c0_i32_0 : i32, i32
  }
  func.func @transform_4(%arg0: i32) -> (i32, i32) {
    %c0_i32 = arith.constant 0 : i32
    %c0_i32_0 = arith.constant 0 : i32
    %c0_i32_1 = arith.constant 0 : i32
    return %c0_i32, %c0_i32_0 : i32, i32
  }
  func.func @transform_5(%arg0: i32) -> (i32, i32) {
    %c0_i32 = arith.constant 0 : i32
    %c0_i32_0 = arith.constant 0 : i32
    return %arg0, %c0_i32 : i32, i32
  }
}

module attributes {stable_mosaic.version = 14 : i64} {
  func.func @_tc3_body(%arg0: i32, %arg1: memref<2x2000x16xf32, #tpu.memory_space<vmem>>, %arg2: memref<2000x16xf32, #tpu.memory_space<vmem>>, %arg3: memref<2000x16xf32, #tpu.memory_space<vmem>>, %arg4: memref<1x16xf32, #tpu.memory_space<vmem>>, %arg5: memref<2000x16xf32, #tpu.memory_space<vmem>>) attributes {dimension_semantics = [#tpu.dimension_semantics<arbitrary>], iteration_bounds = array<i64: 5>, scalar_prefetch = 0 : i64, scratch_operands = 0 : i64, tpu.core_type = #tpu.core_type<tc>, window_params = [{transform_indices = @transform_0, window_bounds = array<i64: 2, 2000, 16>}, {transform_indices = @transform_1, window_bounds = array<i64: 2000, 16>}, {transform_indices = @transform_2, window_bounds = array<i64: 2000, 16>}, {pipeline_mode = #tpu.pipeline_mode<synchronous>, transform_indices = @transform_3, window_bounds = array<i64: 1, 16>}, {transform_indices = @transform_4, window_bounds = array<i64: 2000, 16>}]} {
    %get3A = arith.constant 0 : index
    %get3A_0 = arith.constant 0 : index
    %get3A_1 = vector.load %arg3[%get3A, %get3A_0] : memref<2000x16xf32, #tpu.memory_space<vmem>>, vector<2000x1xf32>
    %get3A_2 = arith.constant 0 : index
    %get3A_3 = arith.constant 0 : index
    %get3A_4 = arith.constant 0 : index
    %get3A_5 = vector.load %arg1[%get3A_2, %get3A_3, %get3A_4] : memref<2x2000x16xf32, #tpu.memory_space<vmem>>, vector<1x2000x16xf32>
    %get3A_6 = vector.shape_cast %get3A_5 : vector<1x2000x16xf32> to vector<2000x16xf32>
    %get3A_7 = arith.constant 1 : index
    %get3A_8 = arith.constant 0 : index
    %get3A_9 = arith.constant 0 : index
    %get3A_10 = vector.load %arg1[%get3A_7, %get3A_8, %get3A_9] : memref<2x2000x16xf32, #tpu.memory_space<vmem>>, vector<1x2000x16xf32>
    %get3A_11 = vector.shape_cast %get3A_10 : vector<1x2000x16xf32> to vector<2000x16xf32>
    %add3A = arith.addf %get3A_6, %get3A_11 : vector<2000x16xf32>
    %get3A_12 = arith.constant 0 : index
    %get3A_13 = arith.constant 0 : index
    %get3A_14 = vector.load %arg2[%get3A_12, %get3A_13] : memref<2000x16xf32, #tpu.memory_space<vmem>>, vector<2000x16xf32>
    %add3A_15 = arith.addf %add3A, %get3A_14 : vector<2000x16xf32>
    %mul3A = vector.broadcast %get3A_1 : vector<2000x1xf32> to vector<2000x16xf32>
    %mul3A_16 = arith.mulf %mul3A, %add3A_15 : vector<2000x16xf32>
    %get3A_17 = arith.constant 0 : index
    %get3A_18 = arith.constant 0 : index
    %get3A_19 = vector.load %arg4[%get3A_17, %get3A_18] : memref<1x16xf32, #tpu.memory_space<vmem>>, vector<1x16xf32>
    %add3A_20 = vector.broadcast %get3A_19 : vector<1x16xf32> to vector<2000x16xf32>
    %add3A_21 = arith.addf %mul3A_16, %add3A_20 : vector<2000x16xf32>
    %swap3A = arith.constant 0 : index
    %swap3A_22 = arith.constant 0 : index
    %swap3A_23 = vector.load %arg5[%swap3A, %swap3A_22] : memref<2000x16xf32, #tpu.memory_space<vmem>>, vector<2000x16xf32>
    tpu.vector_store %arg5[%swap3A, %swap3A_22], %add3A_21 {strides = array<i32>} : memref<2000x16xf32, #tpu.memory_space<vmem>>, vector<2000x16xf32>,
    return
  }
  func.func @transform_0(%arg0: i32) -> (i32, i32, i32) {
    %c0_i32 = arith.constant 0 : i32
    %c0_i32_0 = arith.constant 0 : i32
    %c0_i32_1 = arith.constant 0 : i32
    return %c0_i32, %arg0, %c0_i32_0 : i32, i32, i32
  }
  func.func @transform_1(%arg0: i32) -> (i32, i32) {
    %c0_i32 = arith.constant 0 : i32
    %c0_i32_0 = arith.constant 0 : i32
    return %arg0, %c0_i32 : i32, i32
  }
  func.func @transform_2(%arg0: i32) -> (i32, i32) {
    %c0_i32 = arith.constant 0 : i32
    %c0_i32_0 = arith.constant 0 : i32
    return %arg0, %c0_i32 : i32, i32
  }
  func.func @transform_3(%arg0: i32) -> (i32, i32) {
    %c0_i32 = arith.constant 0 : i32
    %c0_i32_0 = arith.constant 0 : i32
    %c0_i32_1 = arith.constant 0 : i32
    return %c0_i32, %c0_i32_0 : i32, i32
  }
  func.func @transform_4(%arg0: i32) -> (i32, i32) {
    %c0_i32 = arith.constant 0 : i32
    %c0_i32_0 = arith.constant 0 : i32
    return %arg0, %c0_i32 : i32, i32
  }
}

</mosaic_0001>

<sc_bundles>
// kernel: kernel.11.cloned.1.call-start
scs
__scs_entry_jumppad:
0x0: {  	(pc) =	sbr.rel $0x88, $3  }
0x1: {  	(tag) =	ssettag $0x0;
	lr =	simm.s32 $0x1  }
0x2: {  	[smem:$0x3F9B] =	sst lr;
	_ =	strace $0xD0000000  }
0x3: {  	_ = 	snop  }
0x4: {  	_ = 	snop  }
0x5: {  	_ = 	snop  }
0x6: {  	_ = 	snop  }
0x7: {  	_ = 	snop  }
__scs_overlays_trampoline_lowered:
0x8: {  	[smem:$0x3FAA] =	sst s0  }
0x9: {  	[smem:$0x3FAB] =	sst s1  }
0xa: {  	[smem:$0x3FAC] =	sst s2  }
0xb: {  	[smem:$0x3FAD] =	sst s3  }
0xc: {  	[smem:$0x3FAE] =	sst s4  }
0xd: {  	[smem:$0x3FAF] =	sst s5  }
0xe: {  	[smem:$0x3FB0] =	sst s6  }
0xf: {  	[smem:$0x3FB1] =	sst s7  }
0x10: {  	[smem:$0x3FB2] =	sst s8  }
0x11: {  	[smem:$0x3FB3] =	sst s9;
	s0 =	simm.s32 @!p0 $0x0  }
0x12: {  	s1 =	sld [smem:$0x3F99];
	s0 =	simm.s32 @p0 $0x1  }
0x13: {  	[smem:$0x3FB4] =	sst s0;
	s0 =	simm.s32 @!p1 $0x0  }
0x14: {  	s2 =	sld [smem:$0x3F98];
	s0 =	simm.s32 @p1 $0x1  }
0x15: {  	[smem:$0x3FB5] =	sst s0;
	s0 =	simm.s32 @!p2 $0x0  }
0x16: {  	s3 =	sld [smem:$0x3FDB];
	s0 =	simm.s32 @p2 $0x1  }
0x17: {  	s4 =	simm.s32 $0x1BF5;
	[smem:$0x3FB7] =	sst s0  }
0x18: {  	s0 =	sld [smem:$0x3F9A];
	_ =	swait.ge [sflag:s4], $0x0  }
0x19: {  	s7 =	sld [smem:$0x3F9B]  }
0x1a: {  	s8 =	sadd.s32 $0xFFFFE003, lr  }
0x1b: {  	s9 =	sadd.s32 $0xFFFFFEF7, lr;
	s5 =	simm.s32 $0xFFFFFFFF;
	p2 =	slt.u32 s8, $0xFFFFF086  }
0x1c: {  	p1 =	slt.u32 s9, $0xF7A;
	s5 =	simm.s32 @!p2 $0x0  }
0x1d: {  	s5 =	simm.s32 @p1 $0x1;
	p0 =	seq.s32 s7, s2  }
0x1e: {  	s7 =	smul.u32 @!p0 $0xF7A, s2;
	p2 =	seq.s32 @!p0 s5, $0x0  }
0x1f: {  	s9 =	smul.u32 $0xF7A, s1;
	s8 =	simm.s32 @!p0 $0x1BF5;
	p2 =	por !p2, p0  }
0x20: {  	[sflag:s8] =	ssyncset.s32 @!p0 $0xFFFFF086;
	s6 =	sadd.s32 @!p0 s3, s7;
	s7 =	simm.s32 @!p0 $0x108  }
0x21: {  	s3 =	sadd.s32 s3, s9;
	s6 =	sadd.s32 @!p0 $0x88, s6;
	s7 =	simm.s32 @p2 $0x1082  }
0x22: {  	[simem:s7], [sflag:s8] =	dma.local @!p0 [hbm:s6], $0xF7A  }
0x23: {  	s9 =	sor.u32 $0xD0000000, s2;
	s6 =	simm.s32 $0x108;
	_ =	swait.ge @!p0 [sflag:s8], $0x0  }
0x24: {  	s3 =	sadd.s32 $0x88, s3;
	s6 =	simm.s32 @!p1 $0x1082;
	[sflag:s4] =	ssyncset.s32 $0xFFFFF086  }
0x25: {  	[simem:s6], [sflag:s4] =	dma.local [hbm:s3], $0xF7A  }
0x26: {  	[smem:$0x3F9B] =	sst s1;
	(tag) =	ssettag s2;
	_ =	strace s9  }
0x27: {  	s1 =	sld [smem:$0x3FAB]  }
0x28: {  	s2 =	sld [smem:$0x3FAC]  }
0x29: {  	s4 =	sld [smem:$0x3FAE]  }
0x2a: {  	p0 =	seq.s32 s5, $0x0;
	s5 =	sld [smem:$0x3FAF]  }
0x2b: {  	s6 =	sld [smem:$0x3FB0]  }
0x2c: {  	s7 =	sld [smem:$0x3FB1]  }
0x2d: {  	s3 =	simm.s32 $0x108;
	s8 =	sld [smem:$0x3FB2]  }
0x2e: {  	s3 =	simm.s32 @!p0 $0x1082;
	s9 =	sld [smem:$0x3FB3]  }
0x2f: {  	lr =	sadd.s32 s0, s3;
	s0 =	sld [smem:$0x3FAA]  }
0x30: {  	s3 =	sld [smem:$0x3FAD]  }
0x31: {  	[smem:$0x3FB6] =	sst s10  }
0x32: {  	s10 =	sld [smem:$0x3FB4];
	_ =	sdelay $0x3  }
0x33: {  	p0 =	seq.s32 s10, $0x1;
	s10 =	sld [smem:$0x3FB6];
	_ =	sdelay $0x3  }
0x34: {  	[smem:$0x3FB6] =	sst s10  }
0x35: {  	s10 =	sld [smem:$0x3FB5];
	_ =	sdelay $0x3  }
0x36: {  	p1 =	seq.s32 s10, $0x1;
	s10 =	sld [smem:$0x3FB6];
	_ =	sdelay $0x3  }
0x37: {  	[smem:$0x3FB6] =	sst s10  }
0x38: {  	s10 =	sld [smem:$0x3FB7]  }
0x39: {  	_ = 	snop;
	(pc) =	sbr.ind lr, $3  }
0x3a: {  	_ = 	snop  }
0x3b: {  	_ = 	snop  }
0x3c: {  	p2 =	seq.s32 s10, $0x1;
	s10 =	sld [smem:$0x3FB6]  }
0x3d: {  	_ =	shalt  }
0x3e: {  	_ =	shalt  }
0x3f: {  	_ =	shalt  }
0x40: {  	_ =	shalt  }
0x41: {  	_ =	shalt  }
0x42: {  	_ =	shalt  }
0x43: {  	_ =	shalt  }
0x44: {  	_ =	shalt  }
0x45: {  	_ =	shalt  }
0x46: {  	_ =	shalt  }
0x47: {  	_ =	shalt  }
0x48: {  	_ =	shalt  }
0x49: {  	_ =	shalt  }
0x4a: {  	_ =	shalt  }
0x4b: {  	_ =	shalt  }
0x4c: {  	_ =	shalt  }
0x4d: {  	_ =	shalt  }
0x4e: {  	_ =	shalt  }
0x4f: {  	_ =	shalt  }
0x50: {  	_ =	shalt  }
0x51: {  	_ =	shalt  }
0x52: {  	_ =	shalt  }
0x53: {  	_ =	shalt  }
0x54: {  	_ =	shalt  }
0x55: {  	_ =	shalt  }
0x56: {  	_ =	shalt  }
0x57: {  	_ =	shalt  }
0x58: {  	_ =	shalt  }
0x59: {  	_ =	shalt  }
0x5a: {  	_ =	shalt  }
0x5b: {  	_ =	shalt  }
0x5c: {  	_ =	shalt  }
0x5d: {  	_ =	shalt  }
0x5e: {  	_ =	shalt  }
0x5f: {  	_ =	shalt  }
0x60: {  	_ =	shalt  }
0x61: {  	_ =	shalt  }
0x62: {  	_ =	shalt  }
0x63: {  	_ =	shalt  }
0x64: {  	_ =	shalt  }
0x65: {  	_ =	shalt  }
0x66: {  	_ =	shalt  }
0x67: {  	_ =	shalt  }
0x68: {  	_ =	shalt  }
0x69: {  	_ =	shalt  }
0x6a: {  	_ =	shalt  }
0x6b: {  	_ =	shalt  }
0x6c: {  	_ =	shalt  }
0x6d: {  	_ =	shalt  }
0x6e: {  	_ =	shalt  }
0x6f: {  	_ =	shalt  }
0x70: {  	_ =	shalt  }
0x71: {  	_ =	shalt  }
0x72: {  	_ =	shalt  }
0x73: {  	_ =	shalt  }
0x74: {  	_ =	shalt  }
0x75: {  	_ =	shalt  }
0x76: {  	_ =	shalt  }
0x77: {  	_ =	shalt  }
0x78: {  	_ =	shalt  }
0x79: {  	_ =	shalt  }
0x7a: {  	_ =	shalt  }
0x7b: {  	_ =	shalt  }
0x7c: {  	_ =	shalt  }
0x7d: {  	_ =	shalt  }
0x7e: {  	_ =	shalt  }
0x7f: {  	_ =	shalt  }
0x80: {  	_ =	shalt  }
0x81: {  	_ =	shalt  }
0x82: {  	_ =	shalt  }
0x83: {  	_ =	shalt  }
0x84: {  	_ =	shalt  }
0x85: {  	_ =	shalt  }
0x86: {  	_ =	shalt  }
0x87: {  	_ =	shalt  }
.Lfunc_end0:
.L_simem_size_0:
called_computation.1_lowered:
.L_overlay_start_0:
0x88: {  	s2 =	sld [smem:$0x3FD9]  }
0x89: {  	s3 =	sld [smem:$0x3FFE];
	_ =	sdelay $0x1  }
0x8a: {  	s1 =	srdreg.scid  }
0x8b: {  	s0 =	sand.u32 $0x1, s1  }
0x8c: {  	s16 =	sshll.u32 s0, $0xA;
	s2 =	sadd.s32 s3, s2  }
0x8d: {  	s2 =	sadd.s32 s2, s16  }
0x8e: {  	[smem:$0x3FC2] =	sst s2  }
0x8f: {  	_ = 	snop  }
0x90: {  	(tm) =	ssettm $0x1  }
0x91: {  	s17 =	sld [smem:$0x3FFB];
	_ =	sdelay $0x3  }
0x92: {  	_ =	strace s17  }
0x93: {  	s2 =	sld [smem:$0x3FFC];
	_ =	sdelay $0x3  }
0x94: {  	_ =	strace s2  }
0x95: {  	s2 =	sld [smem:$0x3FFD];
	_ =	sdelay $0x3  }
0x96: {  	_ =	strace s2  }
0x97: {  	_ =	strace $0x8FFFFFFF  }
0x98: {  	s18 =	sld [smem:$0x3FDB];
	_ =	sdelay $0x1  }
0x99: {  	s19 =	simm.s32 $_scs_section_size  }
0x9a: {  	s4 =	simm.s32 $_size__tile_overlayer_lowered;
	s5 =	simm.s32 $_tile_overlayer_lowered  }
0x9b: {  	s22 =	simm.s32 $0x1BFF;
	s21 =	sshll.u32 s5, $0x1;
	s2 =	sadd.s32 s19, s18  }
0x9c: {  	s6 =	simm.s32 $0x0;
	s20 =	sshll.u32 s4, $0x1;
	s4 =	sadd.s32 s21, s2  }
0x9d: {  	[timem:s6], [sflag:s22] =	dma.local [hbm:s4], s20  }
0x9e: {  	_ =	swait.ge [sflag:s22], s20  }
0x9f: {  	s3 =	ssub.s32 $0x0, s20;
	[sflag:s22] =	ssyncset.done $0x0  }
0xa0: {  	[sflag:s22] =	ssyncadd.s32 s3;
	_ =	sdelay $0x1  }
0xa1: {  	s23 =	simm.s32 $0x1B8B  }
0xa2: {  	_ =	swait.ge [sflag:s23], $0x1  }
0xa3: {  	[sflag:s23] =	ssyncset.done $0x0  }
0xa4: {  	s25 =	simm.s32 $0x1B8E;
	s24 =	sld [smem:$0x3FFE];
	[sflag:s23] =	ssyncadd.s32 $0xFFFFFFFF  }
0xa5: {  	s26 =	simm.s32 $execute0_lowered;
	[smem:$0x3FD2] =	sst s25  }
0xa6: {  	s4 =	sshll.u32 s26, $0x1;
	_ =	strace $0x80000049;
	[dreg:$0x1] =	wrdreg $0xFFFFFFFF  }
0xa7: {  	s28 =	simm.s32 $_size_execute0_lowered;
	s2 =	sadd.s32 s2, s4;
	[dreg:$0x0] =	wrdreg $0x0  }
0xa8: {  	s4 =	sshll.u32 s28, $0x1;
	[dreg:$0x2] =	wrdreg s2  }
0xa9: {  	[dreg:$0x3] =	wrdreg s4  }
0xaa: {  	[dreg:$0x4] =	wrdreg $0xC0  }
0xab: {  	_ =	task [dreg:s6], $0x5FFFF  }
0xac: {  	[dreg:$0x1] =	wrdreg $0xFFFFFFFF  }
0xad: {  	[dreg:$0x0] =	wrdreg $0x60  }
0xae: {  	[dreg:$0x2] =	wrdreg s24  }
0xaf: {  	[dreg:$0x3] =	wrdreg $0x28000  }
0xb0: {  	[dreg:$0x4] =	wrdreg $0x9  }
0xb1: {  	_ =	task.clear_ibuf [dreg:s6], $0x5FFFF;
	_ =	strace $0x90000049  }
0xb2: {  	s29 =	simm.s32 $0x9;
	_ =	strace $0x8000004B  }
0xb3: {  	_ =	swait.ge [sflag:s29], $0x1  }
0xb4: {  	[sflag:s29] =	ssyncadd.s32 $0xFFFFFFFF  }
0xb5: {  	_ =	strace $0x9000004B  }
0xb6: {  	_ =	sfence  }
0xb7: {  	s30 =	sld [smem:$0x0];
	_ =	sdelay $0x2  }
0xb8: {  	s31 =	sshll.u32 s1, $0xD;
	s1 =	sshrl.u32 s1, $0x2  }
0xb9: {  	s3 =	sand.u32 $0x4000, s31;
	s1 =	sadd.s32 s1, s30  }
0xba: {  	s0 =	sor.u32 s3, s0;
	s1 =	sshll.u32 s1, $0x11  }
0xbb: {  	s0 =	sor.u32 s1, s0  }
0xbc: {  	s0 =	sadd.s32 $0x8F2B, s0  }
0xbd: {  	[sflag:s0] =	ssyncadd.remote.s32 $0x1  }
0xbe: {  	_ =	sfence.sel $0xFFFF  }
0xbf: {  	[dreg:$0x0] =	wrdreg $0xFFFFFFFF;
	(pc) =	sbr.abs _section_cstart, $3  }
0xc0: {  	[dreg:$0x1] =	wrdreg $0xFFFFFFFF  }
0xc1: {  	_ =	task.clear_ibuf [dreg:s6], $0x2FFFF;
	_ =	strace $0x9FFFFFFF  }
0xc2: {  	(tm) =	ssettm $0x7FFFFFFF  }
0xc3: {  	_ =	shalt  }
tec
execute0_lowered:
.L_overlay_start_1:
0x0: {  	(tag) =	ssettag $0x1  }
0x1: {  	s1 =	srdreg.scid;
	s5 =	rddreg [dreg:$0x0]  }
0x2: {  	s0 =	stileid.u32;
	s2 =	rddreg [dreg:$0x1];
	s3 =	simm.s32 $0x0  }
0x3: {  	s16 =	simm.s32 $0x16800;
	s17 =	simm.s32 $0x5;
	s18 =	simm.s32 $0x1400  }
0x4: {  	s19 =	simm.s32 $0x80;
	s20 =	simm.s32 $0x1A800;
	s21 =	simm.s32 $0x1  }
0x5: {  	s22 =	simm.s32 $0x3;
	s23 =	simm.s32 $0x2;
	s24 =	simm.s32 $0x4  }
0x6: {  	s25 =	simm.s32 $0x2700;
	s26 =	simm.s32 $0x2780;
	s9 =	smul.u32 $0x14000, s0  }
0x7: {  	s6 =	sand.u32 $0x1, s1;
	s28 =	sshll.u32 s0, $0x1;
	s10 =	smul.u32 $0x50000, s0  }
0x8: {  	s1 =	rddreg [dreg:$0x2];
	s4 =	sor.u32 s6, s28;
	s8 =	smul.u32 $0x140000, s6  }
0x9: {  	[smem:$0x7FF] =	sst s3;
	s6 =	ssub.s32 $0x2, s6;
	s7 =	smul.u32 $0x2800, s4  }
0xa: {  	_ =	strace $0x8000004A;
	s4 =	sadd.s32 $0x16A00, s5;
	s30 =	sshrl.u32 s6, $0x1  }
0xb: {  	s31 =	sshrl.u32 s10, $0x2;
	s29 =	sadd.s32 s9, s8;
	s7 =	sshrl.u32 s7, $0x3  }
0xc: {  	s15 =	ssub.s32 s6, s30;
	s13 =	sadd.s32 s7, s5;
	s7 =	sshrl.u32 s29, $0x3  }
0xd: {  	s15 =	smax.u32 s15, $0x1;
	s14 =	sadd.s32 s7, s5;
	s5 =	sadd.s32 s31, s2  }
0xe: {  	s10 =	sadd.s32 $0x2A00, s13;
	s11 =	sadd.s32 $0xCA00, s13;
	s12 =	sadd.s32 $0x2C80, s13  }
0xf: {  	s13 =	sadd.s32 $0xCC80, s13;
	s6 =	sadd.s32 $0x4000, s5;
	s7 =	sadd.s32 $0x8000, s5  }
0x10: {  	v0 =	vimm.f32 $0.0e+00;
	s8 =	sadd.s32 $0xC000, s5;
	s9 =	sadd.s32 $0x10000, s5;
	s14 =	sadd.s32 $0x3DC00, s14  }
.LBB2_1:
0x11: {  	s28 =	simm.s32 $0x0;
	s29 =	simm.s32 $0x200  }
.LBB2_2:
0x12: {  	p0 =	sne.s32 s29, $0xFE00;
	[tilespmem:s28+$0x16870] =	vst v0  }
0x13: {  	[tilespmem:s28+$0x16800] =	vst v0  }
0x14: {  	[tilespmem:s28+$0x16810] =	vst v0  }
.Ltmp0:
0x15: {  	[tilespmem:s28+$0x16820] =	vst v0;
	(pc) =	sbr.rel @p0 .LBB2_2-.Ltmp0, $4  }
0x16: {  	[tilespmem:s28+$0x16830] =	vst v0  }
0x17: {  	[tilespmem:s28+$0x16840] =	vst v0  }
0x18: {  	[tilespmem:s28+$0x16850] =	vst v0  }
0x19: {  	[tilespmem:s28+$0x16860] =	vst v0;
	s28 =	sshra.s32 s29, $0x2;
	s29 =	sadd.s32 $0x200, s29  }
0x1a: {  	[tilespmem:s28+$0x16870] =	vst v0  }
0x1b: {  	[tilespmem:s28+$0x16800] =	vst v0  }
0x1c: {  	[tilespmem:s28+$0x16810] =	vst v0  }
0x1d: {  	[tilespmem:s28+$0x16820] =	vst v0  }
0x1e: {  	[tilespmem:s28+$0x16830] =	vst v0  }
0x1f: {  	[tilespmem:s28+$0x16840] =	vst v0  }
0x20: {  	[tilespmem:s28+$0x16850] =	vst v0  }
0x21: {  	[tilespmem:s28+$0x16860] =	vst v0  }
0x22: {  	[spmem:s5] =	stream.linear.scatter [tilespmem:s16], [sflag:$0x5], $0x4000, $0x38;
	[tilespmem:$0x1E800] =	vst v63  }
0x23: {  	_ =	swait.ge [sflag:s17], $0x4000  }
0x24: {  	[sflag:s17] =	ssyncset.done $0x0  }
0x25: {  	[sflag:s17] =	ssyncadd.s32 $0xFFFFC000  }
0x26: {  	[spmem:s6] =	stream.linear.scatter [tilespmem:s16], [sflag:$0x5], $0x4000, $0x38;
	[tilespmem:$0x1E800] =	vst v63  }
0x27: {  	_ =	swait.ge [sflag:s17], $0x4000  }
0x28: {  	[sflag:s17] =	ssyncset.done $0x0  }
0x29: {  	[sflag:s17] =	ssyncadd.s32 $0xFFFFC000  }
0x2a: {  	[spmem:s7] =	stream.linear.scatter [tilespmem:s16], [sflag:$0x5], $0x4000, $0x38;
	[tilespmem:$0x1E800] =	vst v63  }
0x2b: {  	_ =	swait.ge [sflag:s17], $0x4000  }
0x2c: {  	[sflag:s17] =	ssyncset.done $0x0  }
0x2d: {  	[sflag:s17] =	ssyncadd.s32 $0xFFFFC000  }
0x2e: {  	[spmem:s8] =	stream.linear.scatter [tilespmem:s16], [sflag:$0x5], $0x4000, $0x38;
	[tilespmem:$0x1E800] =	vst v63  }
0x2f: {  	_ =	swait.ge [sflag:s17], $0x4000  }
0x30: {  	[sflag:s17] =	ssyncset.done $0x0  }
0x31: {  	[sflag:s17] =	ssyncadd.s32 $0xFFFFC000  }
0x32: {  	[spmem:s9] =	stream.linear.scatter [tilespmem:s16], [sflag:$0x5], $0x4000, $0x38;
	[tilespmem:$0x1E800] =	vst v63  }
0x33: {  	_ =	swait.ge [sflag:s17], $0x4000  }
0x34: {  	[sflag:s17] =	ssyncset.done $0x0  }
0x35: {  	s28 =	simm.s32 $0x0;
	[sflag:s17] =	ssyncadd.s32 $0xFFFFC000  }
0x36: {  	[tilespmem:s28], [sflag:$0x5] =	stream.linear.gather [hbm4b:s10+s28], $0x1400, $0x38;
	[tilespmem:$0x1E800] =	vst v63  }
0x37: {  	_ =	swait.ge [sflag:s17], $0x1400  }
0x38: {  	[sflag:s17] =	ssyncset.done $0x0  }
0x39: {  	[sflag:s17] =	ssyncadd.s32 $0xFFFFEC00  }
0x3a: {  	[tilespmem:s18], [sflag:$0x5] =	stream.linear.gather [hbm4b:s11+s28], $0x1400, $0x38;
	[tilespmem:$0x1E800] =	vst v63  }
0x3b: {  	_ =	swait.ge [sflag:s17], $0x1400  }
0x3c: {  	[sflag:s17] =	ssyncset.done $0x0  }
0x3d: {  	[sflag:s17] =	ssyncadd.s32 $0xFFFFEC00  }
0x3e: {  	[bflag:$0x0] =	sbarrier.arrive $0xFFFF  }
0x3f: {  	[tilespmem:s16], [sflag:$0x1] =	stream.indirect.gather [hbm4b:s4+s19], $0x80, s28, s19, $0xb8;
	[tilespmem:$0x1E800] =	vst v63  }
0x40: {  	_ = 	snop  }
0x41: {  	[tilespmem:s20], [sflag:$0x2] =	stream.indirect.gather [hbm4b:s4+s19], $0x80, s19, s19, $0xb8;
	[tilespmem:$0x1E800] =	vst v63  }
0x42: {  	_ =	swait.ge [sflag:s21], $0x4000  }
0x43: {  	[sflag:s21] =	ssyncset.done $0x0  }
0x44: {  	s28 =	simm.s32 $0x1400;
	[sflag:s21] =	ssyncadd.s32 $0xFFFFC000  }
0x45: {  	[spmem:s2] =	stream.indirect.scatter.add.f32 [tilespmem:s16], [sflag:$0x3], $0x80, s28, s19, $0xb8;
	[tilespmem:$0x1E800] =	vst v63  }
0x46: {  	_ =	swait.ge [sflag:s22], $0x4000  }
0x47: {  	[sflag:s22] =	ssyncset.done $0x0  }
0x48: {  	s28 =	simm.s32 $0x100;
	[sflag:s22] =	ssyncadd.s32 $0xFFFFC000  }
0x49: {  	[tilespmem:s16], [sflag:$0x1] =	stream.indirect.gather [hbm4b:s4+s19], $0x80, s28, s19, $0xb8;
	[tilespmem:$0x1E800] =	vst v63  }
0x4a: {  	_ =	swait.ge [sflag:s23], $0x4000  }
0x4b: {  	[sflag:s23] =	ssyncset.done $0x0  }
0x4c: {  	s28 =	simm.s32 $0x1480;
	[sflag:s23] =	ssyncadd.s32 $0xFFFFC000  }
0x4d: {  	[spmem:s2] =	stream.indirect.scatter.add.f32 [tilespmem:s20], [sflag:$0x4], $0x80, s28, s19, $0xb8;
	[tilespmem:$0x1E800] =	vst v63  }
0x4e: {  	_ =	swait.ge [sflag:s24], $0x4000  }
0x4f: {  	[sflag:s24] =	ssyncset.done $0x0  }
0x50: {  	s29 =	simm.s32 $0x180;
	s28 =	simm.s32 $0x400;
	[sflag:s24] =	ssyncadd.s32 $0xFFFFC000  }
.LBB2_4:
0x51: {  	[tilespmem:s20], [sflag:$0x2] =	stream.indirect.gather [hbm4b:s4+s19], $0x80, s29, s19, $0xb8;
	[tilespmem:$0x1E800] =	vst v63  }
0x52: {  	s29 =	smov.u32 s28  }
0x53: {  	p0 =	sne.s32 s28, $0x4800;
	s28 =	sadd.s32 $0x400, s28;
	_ =	swait.ge [sflag:s21], $0x4000  }
0x54: {  	s29 =	sshra.s32 s29, $0x2;
	[sflag:s21] =	ssyncset.done $0x0  }
0x55: {  	s30 =	sadd.s32 $0x1400, s29;
	[sflag:s21] =	ssyncadd.s32 $0xFFFFC000  }
0x56: {  	[spmem:s2] =	stream.indirect.scatter.add.f32 [tilespmem:s16], [sflag:$0x3], $0x80, s30, s19, $0xb8;
	[tilespmem:$0x1E800] =	vst v63  }
0x57: {  	_ =	swait.ge [sflag:s22], $0x4000  }
0x58: {  	[sflag:s22] =	ssyncset.done $0x0  }
0x59: {  	s30 =	sadd.s32 $0x100, s29;
	[sflag:s22] =	ssyncadd.s32 $0xFFFFC000  }
0x5a: {  	[tilespmem:s16], [sflag:$0x1] =	stream.indirect.gather [hbm4b:s4+s19], $0x80, s30, s19, $0xb8;
	[tilespmem:$0x1E800] =	vst v63  }
0x5b: {  	_ =	swait.ge [sflag:s23], $0x4000  }
0x5c: {  	[sflag:s23] =	ssyncset.done $0x0  }
.Ltmp1:
0x5d: {  	s30 =	sadd.s32 $0x1480, s29;
	[sflag:s23] =	ssyncadd.s32 $0xFFFFC000;
	(pc) =	sbr.rel @p0 .LBB2_4-.Ltmp1, $4  }
0x5e: {  	[spmem:s2] =	stream.indirect.scatter.add.f32 [tilespmem:s20], [sflag:$0x4], $0x80, s30, s19, $0xb8;
	[tilespmem:$0x1E800] =	vst v63  }
0x5f: {  	_ =	swait.ge [sflag:s24], $0x4000  }
0x60: {  	[sflag:s24] =	ssyncset.done $0x0  }
0x61: {  	s29 =	sadd.s32 $0x180, s29;
	[sflag:s24] =	ssyncadd.s32 $0xFFFFC000  }
0x62: {  	[tilespmem:s20], [sflag:$0x2] =	stream.indirect.gather [hbm4b:s4+s19], $0x80, s29, s19, $0xb8;
	[tilespmem:$0x1E800] =	vst v63  }
0x63: {  	_ =	swait.ge [sflag:s21], $0x4000  }
0x64: {  	[sflag:s21] =	ssyncset.done $0x0  }
0x65: {  	[sflag:s21] =	ssyncadd.s32 $0xFFFFC000  }
0x66: {  	[spmem:s2] =	stream.indirect.scatter.add.f32 [tilespmem:s16], [sflag:$0x3], $0x80, s25, s19, $0xb8;
	[tilespmem:$0x1E800] =	vst v63  }
0x67: {  	_ =	swait.ge [sflag:s23], $0x4000  }
0x68: {  	[sflag:s23] =	ssyncset.done $0x0  }
0x69: {  	[sflag:s23] =	ssyncadd.s32 $0xFFFFC000  }
0x6a: {  	[spmem:s2] =	stream.indirect.scatter.add.f32 [tilespmem:s20], [sflag:$0x4], $0x80, s26, s19, $0xb8;
	[tilespmem:$0x1E800] =	vst v63  }
0x6b: {  	_ =	swait.ge [sflag:s22], $0x4000  }
0x6c: {  	[sflag:s22] =	ssyncset.done $0x0  }
0x6d: {  	[sflag:s22] =	ssyncadd.s32 $0xFFFFC000  }
0x6e: {  	_ =	swait.ge [sflag:s24], $0x4000  }
0x6f: {  	[sflag:s24] =	ssyncset.done $0x0  }
0x70: {  	s28 =	simm.s32 $0x0;
	[sflag:s24] =	ssyncadd.s32 $0xFFFFC000  }
0x71: {  	[tilespmem:s28], [sflag:$0x5] =	stream.linear.gather [hbm4b:s12+s28], $0x1400, $0x38;
	[tilespmem:$0x1E800] =	vst v63  }
0x72: {  	_ =	swait.ge [sflag:s17], $0x1400  }
0x73: {  	[sflag:s17] =	ssyncset.done $0x0  }
0x74: {  	[sflag:s17] =	ssyncadd.s32 $0xFFFFEC00  }
0x75: {  	[tilespmem:s18], [sflag:$0x5] =	stream.linear.gather [hbm4b:s13+s28], $0x1400, $0x38;
	[tilespmem:$0x1E800] =	vst v63  }
0x76: {  	_ =	swait.ge [sflag:s17], $0x1400  }
0x77: {  	[sflag:s17] =	ssyncset.done $0x0  }
0x78: {  	[sflag:s17] =	ssyncadd.s32 $0xFFFFEC00  }
0x79: {  	[tilespmem:s16], [sflag:$0x1] =	stream.indirect.gather [hbm4b:s4+s19], $0x80, s28, s19, $0xb8;
	[tilespmem:$0x1E800] =	vst v63  }
0x7a: {  	_ = 	snop  }
0x7b: {  	[tilespmem:s20], [sflag:$0x2] =	stream.indirect.gather [hbm4b:s4+s19], $0x80, s19, s19, $0xb8;
	[tilespmem:$0x1E800] =	vst v63  }
0x7c: {  	_ =	swait.ge [sflag:s21], $0x4000  }
0x7d: {  	[sflag:s21] =	ssyncset.done $0x0  }
0x7e: {  	s28 =	simm.s32 $0x1400;
	[sflag:s21] =	ssyncadd.s32 $0xFFFFC000  }
0x7f: {  	[spmem:s2] =	stream.indirect.scatter.add.f32 [tilespmem:s16], [sflag:$0x3], $0x80, s28, s19, $0xb8;
	[tilespmem:$0x1E800] =	vst v63  }
0x80: {  	_ =	swait.ge [sflag:s22], $0x4000  }
0x81: {  	[sflag:s22] =	ssyncset.done $0x0  }
0x82: {  	s28 =	simm.s32 $0x100;
	[sflag:s22] =	ssyncadd.s32 $0xFFFFC000  }
0x83: {  	[tilespmem:s16], [sflag:$0x1] =	stream.indirect.gather [hbm4b:s4+s19], $0x80, s28, s19, $0xb8;
	[tilespmem:$0x1E800] =	vst v63  }
0x84: {  	_ =	swait.ge [sflag:s23], $0x4000  }
0x85: {  	[sflag:s23] =	ssyncset.done $0x0  }
0x86: {  	s28 =	simm.s32 $0x1480;
	[sflag:s23] =	ssyncadd.s32 $0xFFFFC000  }
0x87: {  	[spmem:s2] =	stream.indirect.scatter.add.f32 [tilespmem:s20], [sflag:$0x4], $0x80, s28, s19, $0xb8;
	[tilespmem:$0x1E800] =	vst v63  }
0x88: {  	_ =	swait.ge [sflag:s24], $0x4000  }
0x89: {  	[sflag:s24] =	ssyncset.done $0x0  }
0x8a: {  	s29 =	simm.s32 $0x180;
	s28 =	simm.s32 $0x400;
	[sflag:s24] =	ssyncadd.s32 $0xFFFFC000  }
.LBB2_6:
0x8b: {  	[tilespmem:s20], [sflag:$0x2] =	stream.indirect.gather [hbm4b:s4+s19], $0x80, s29, s19, $0xb8;
	[tilespmem:$0x1E800] =	vst v63  }
0x8c: {  	s29 =	smov.u32 s28  }
0x8d: {  	p0 =	sne.s32 s28, $0x4800;
	s28 =	sadd.s32 $0x400, s28;
	_ =	swait.ge [sflag:s21], $0x4000  }
0x8e: {  	s29 =	sshra.s32 s29, $0x2;
	[sflag:s21] =	ssyncset.done $0x0  }
0x8f: {  	s30 =	sadd.s32 $0x1400, s29;
	[sflag:s21] =	ssyncadd.s32 $0xFFFFC000  }
0x90: {  	[spmem:s2] =	stream.indirect.scatter.add.f32 [tilespmem:s16], [sflag:$0x3], $0x80, s30, s19, $0xb8;
	[tilespmem:$0x1E800] =	vst v63  }
0x91: {  	_ =	swait.ge [sflag:s22], $0x4000  }
0x92: {  	[sflag:s22] =	ssyncset.done $0x0  }
0x93: {  	s30 =	sadd.s32 $0x100, s29;
	[sflag:s22] =	ssyncadd.s32 $0xFFFFC000  }
0x94: {  	[tilespmem:s16], [sflag:$0x1] =	stream.indirect.gather [hbm4b:s4+s19], $0x80, s30, s19, $0xb8;
	[tilespmem:$0x1E800] =	vst v63  }
0x95: {  	_ =	swait.ge [sflag:s23], $0x4000  }
0x96: {  	[sflag:s23] =	ssyncset.done $0x0  }
.Ltmp2:
0x97: {  	s30 =	sadd.s32 $0x1480, s29;
	[sflag:s23] =	ssyncadd.s32 $0xFFFFC000;
	(pc) =	sbr.rel @p0 .LBB2_6-.Ltmp2, $4  }
0x98: {  	[spmem:s2] =	stream.indirect.scatter.add.f32 [tilespmem:s20], [sflag:$0x4], $0x80, s30, s19, $0xb8;
	[tilespmem:$0x1E800] =	vst v63  }
0x99: {  	_ =	swait.ge [sflag:s24], $0x4000  }
0x9a: {  	[sflag:s24] =	ssyncset.done $0x0  }
0x9b: {  	s29 =	sadd.s32 $0x180, s29;
	[sflag:s24] =	ssyncadd.s32 $0xFFFFC000  }
0x9c: {  	[tilespmem:s20], [sflag:$0x2] =	stream.indirect.gather [hbm4b:s4+s19], $0x80, s29, s19, $0xb8;
	[tilespmem:$0x1E800] =	vst v63  }
0x9d: {  	_ =	swait.ge [sflag:s21], $0x4000  }
0x9e: {  	[sflag:s21] =	ssyncset.done $0x0  }
0x9f: {  	[sflag:s21] =	ssyncadd.s32 $0xFFFFC000  }
0xa0: {  	[spmem:s2] =	stream.indirect.scatter.add.f32 [tilespmem:s16], [sflag:$0x3], $0x80, s25, s19, $0xb8;
	[tilespmem:$0x1E800] =	vst v63  }
0xa1: {  	_ =	swait.ge [sflag:s23], $0x4000  }
0xa2: {  	[sflag:s23] =	ssyncset.done $0x0  }
0xa3: {  	[sflag:s23] =	ssyncadd.s32 $0xFFFFC000  }
0xa4: {  	[spmem:s2] =	stream.indirect.scatter.add.f32 [tilespmem:s20], [sflag:$0x4], $0x80, s26, s19, $0xb8;
	[tilespmem:$0x1E800] =	vst v63  }
0xa5: {  	_ =	swait.ge [sflag:s22], $0x4000  }
0xa6: {  	[sflag:s22] =	ssyncset.done $0x0  }
0xa7: {  	[sflag:s22] =	ssyncadd.s32 $0xFFFFC000  }
0xa8: {  	_ =	swait.ge [sflag:s24], $0x4000  }
0xa9: {  	s28 =	sshll.u32 s0, $0x6;
	s3 =	sadd.s32 $0x1, s3;
	[sflag:s24] =	ssyncset.done $0x0  }
0xaa: {  	s31 =	sshrl.u32 s5, $0x3;
	p0 =	sne.s32 s3, s15;
	[sflag:s24] =	ssyncadd.s32 $0xFFFFC000  }
.Ltmp3:
0xab: {  	s28 =	sor.u32 $0x1C05, s28;
	[bflag:$0x0] =	sbarrier.arrive $0xFFFF;
	(pc) =	sbr.rel @p0 .LBB2_1-.Ltmp3, $4  }
0xac: {  	[hbm:s14], [sflag:s28] =	dma.local [spmem:s31], $0x2800  }
0xad: {  	_ =	swait.ge [sflag:s17], $0x2800  }
0xae: {  	[sflag:s17] =	ssyncset.done $0x0  }
0xaf: {  	[sflag:s17] =	ssyncadd.s32 $0xFFFFD800  }
0xb0: {  	_ =	sfence.sel $0x180000  }
0xb1: {  	[bflag:$0x0] =	sbarrier.arrive $0xFFFF  }
0xb2: {  	p0 =	sne.s32 s0, $0x0;
	_ =	strace $0x9000004A  }
0xb3: {  	s0 =	sadd.s32 @!p0 $0x100000, s1;
	[bflag:$0x2] =	sbarrier.arrive $0xFFFF  }
0xb4: {  	[sflag:s0] =	ssyncadd.tile.s32 @!p0 $0x1;
	_ =	shalt  }
.Lfunc_end2:
_tile_overlayer_lowered:
.L_overlay_start_2:
0xb5: {  	(tag) =	ssettag $0x2  }
0xb6: {  	s0 =	rddreg [dreg:$0x0];
	s2 =	stileid.u32  }
0xb7: {  	s1 =	rddreg [dreg:$0x1];
	p0 =	sne.s32 s2, $0x0  }
0xb8: {  	s3 =	rddreg [dreg:$0x2];
	[bflag:$0x3] =	sbarrier.arrive $0xFFFF;
	s2 =	simm.s32 @!p0 $0x1C05  }
0xb9: {  	[timem:s3], [sflag:s2] =	dma.local @!p0 [hbm:s0], s1  }
0xba: {  	s0 =	simm.s32 @!p0 $0x5  }
0xbb: {  	_ =	swait.ge @!p0 [sflag:s0], s1  }
0xbc: {  	s1 =	ssub.s32 @!p0 $0x0, s1;
	[sflag:s0] =	ssyncset.done @!p0 $0x0  }
0xbd: {  	[sflag:s0] =	ssyncadd.s32 @!p0 s1  }
0xbe: {  	[bflag:$0x3] =	sbarrier.arrive $0xFFFF  }
0xbf: {  	_ =	shalt  }

// kernel: kernel.14.cloned.1.call-start
scs
__scs_entry_jumppad:
0x0: {  	(pc) =	sbr.rel $0x88, $3  }
0x1: {  	(tag) =	ssettag $0x0;
	lr =	simm.s32 $0x1  }
0x2: {  	[smem:$0x3F9B] =	sst lr;
	_ =	strace $0xD0000000  }
0x3: {  	_ = 	snop  }
0x4: {  	_ = 	snop  }
0x5: {  	_ = 	snop  }
0x6: {  	_ = 	snop  }
0x7: {  	_ = 	snop  }
__scs_overlays_trampoline_lowered:
0x8: {  	[smem:$0x3FAA] =	sst s0  }
0x9: {  	[smem:$0x3FAB] =	sst s1  }
0xa: {  	[smem:$0x3FAC] =	sst s2  }
0xb: {  	[smem:$0x3FAD] =	sst s3  }
0xc: {  	[smem:$0x3FAE] =	sst s4  }
0xd: {  	[smem:$0x3FAF] =	sst s5  }
0xe: {  	[smem:$0x3FB0] =	sst s6  }
0xf: {  	[smem:$0x3FB1] =	sst s7  }
0x10: {  	[smem:$0x3FB2] =	sst s8  }
0x11: {  	[smem:$0x3FB3] =	sst s9;
	s0 =	simm.s32 @!p0 $0x0  }
0x12: {  	s1 =	sld [smem:$0x3F99];
	s0 =	simm.s32 @p0 $0x1  }
0x13: {  	[smem:$0x3FB4] =	sst s0;
	s0 =	simm.s32 @!p1 $0x0  }
0x14: {  	s2 =	sld [smem:$0x3F98];
	s0 =	simm.s32 @p1 $0x1  }
0x15: {  	[smem:$0x3FB5] =	sst s0;
	s0 =	simm.s32 @!p2 $0x0  }
0x16: {  	s3 =	sld [smem:$0x3FDB];
	s0 =	simm.s32 @p2 $0x1  }
0x17: {  	s4 =	simm.s32 $0x1BF5;
	[smem:$0x3FB7] =	sst s0  }
0x18: {  	s0 =	sld [smem:$0x3F9A];
	_ =	swait.ge [sflag:s4], $0x0  }
0x19: {  	s7 =	sld [smem:$0x3F9B]  }
0x1a: {  	s8 =	sadd.s32 $0xFFFFE003, lr  }
0x1b: {  	s9 =	sadd.s32 $0xFFFFFEF7, lr;
	s5 =	simm.s32 $0xFFFFFFFF;
	p2 =	slt.u32 s8, $0xFFFFF086  }
0x1c: {  	p1 =	slt.u32 s9, $0xF7A;
	s5 =	simm.s32 @!p2 $0x0  }
0x1d: {  	s5 =	simm.s32 @p1 $0x1;
	p0 =	seq.s32 s7, s2  }
0x1e: {  	s7 =	smul.u32 @!p0 $0xF7A, s2;
	p2 =	seq.s32 @!p0 s5, $0x0  }
0x1f: {  	s9 =	smul.u32 $0xF7A, s1;
	s8 =	simm.s32 @!p0 $0x1BF5;
	p2 =	por !p2, p0  }
0x20: {  	[sflag:s8] =	ssyncset.s32 @!p0 $0xFFFFF086;
	s6 =	sadd.s32 @!p0 s3, s7;
	s7 =	simm.s32 @!p0 $0x108  }
0x21: {  	s3 =	sadd.s32 s3, s9;
	s6 =	sadd.s32 @!p0 $0x88, s6;
	s7 =	simm.s32 @p2 $0x1082  }
0x22: {  	[simem:s7], [sflag:s8] =	dma.local @!p0 [hbm:s6], $0xF7A  }
0x23: {  	s9 =	sor.u32 $0xD0000000, s2;
	s6 =	simm.s32 $0x108;
	_ =	swait.ge @!p0 [sflag:s8], $0x0  }
0x24: {  	s3 =	sadd.s32 $0x88, s3;
	s6 =	simm.s32 @!p1 $0x1082;
	[sflag:s4] =	ssyncset.s32 $0xFFFFF086  }
0x25: {  	[simem:s6], [sflag:s4] =	dma.local [hbm:s3], $0xF7A  }
0x26: {  	[smem:$0x3F9B] =	sst s1;
	(tag) =	ssettag s2;
	_ =	strace s9  }
0x27: {  	s1 =	sld [smem:$0x3FAB]  }
0x28: {  	s2 =	sld [smem:$0x3FAC]  }
0x29: {  	s4 =	sld [smem:$0x3FAE]  }
0x2a: {  	p0 =	seq.s32 s5, $0x0;
	s5 =	sld [smem:$0x3FAF]  }
0x2b: {  	s6 =	sld [smem:$0x3FB0]  }
0x2c: {  	s7 =	sld [smem:$0x3FB1]  }
0x2d: {  	s3 =	simm.s32 $0x108;
	s8 =	sld [smem:$0x3FB2]  }
0x2e: {  	s3 =	simm.s32 @!p0 $0x1082;
	s9 =	sld [smem:$0x3FB3]  }
0x2f: {  	lr =	sadd.s32 s0, s3;
	s0 =	sld [smem:$0x3FAA]  }
0x30: {  	s3 =	sld [smem:$0x3FAD]  }
0x31: {  	[smem:$0x3FB6] =	sst s10  }
0x32: {  	s10 =	sld [smem:$0x3FB4];
	_ =	sdelay $0x3  }
0x33: {  	p0 =	seq.s32 s10, $0x1;
	s10 =	sld [smem:$0x3FB6];
	_ =	sdelay $0x3  }
0x34: {  	[smem:$0x3FB6] =	sst s10  }
0x35: {  	s10 =	sld [smem:$0x3FB5];
	_ =	sdelay $0x3  }
0x36: {  	p1 =	seq.s32 s10, $0x1;
	s10 =	sld [smem:$0x3FB6];
	_ =	sdelay $0x3  }
0x37: {  	[smem:$0x3FB6] =	sst s10  }
0x38: {  	s10 =	sld [smem:$0x3FB7]  }
0x39: {  	_ = 	snop;
	(pc) =	sbr.ind lr, $3  }
0x3a: {  	_ = 	snop  }
0x3b: {  	_ = 	snop  }
0x3c: {  	p2 =	seq.s32 s10, $0x1;
	s10 =	sld [smem:$0x3FB6]  }
0x3d: {  	_ =	shalt  }
0x3e: {  	_ =	shalt  }
0x3f: {  	_ =	shalt  }
0x40: {  	_ =	shalt  }
0x41: {  	_ =	shalt  }
0x42: {  	_ =	shalt  }
0x43: {  	_ =	shalt  }
0x44: {  	_ =	shalt  }
0x45: {  	_ =	shalt  }
0x46: {  	_ =	shalt  }
0x47: {  	_ =	shalt  }
0x48: {  	_ =	shalt  }
0x49: {  	_ =	shalt  }
0x4a: {  	_ =	shalt  }
0x4b: {  	_ =	shalt  }
0x4c: {  	_ =	shalt  }
0x4d: {  	_ =	shalt  }
0x4e: {  	_ =	shalt  }
0x4f: {  	_ =	shalt  }
0x50: {  	_ =	shalt  }
0x51: {  	_ =	shalt  }
0x52: {  	_ =	shalt  }
0x53: {  	_ =	shalt  }
0x54: {  	_ =	shalt  }
0x55: {  	_ =	shalt  }
0x56: {  	_ =	shalt  }
0x57: {  	_ =	shalt  }
0x58: {  	_ =	shalt  }
0x59: {  	_ =	shalt  }
0x5a: {  	_ =	shalt  }
0x5b: {  	_ =	shalt  }
0x5c: {  	_ =	shalt  }
0x5d: {  	_ =	shalt  }
0x5e: {  	_ =	shalt  }
0x5f: {  	_ =	shalt  }
0x60: {  	_ =	shalt  }
0x61: {  	_ =	shalt  }
0x62: {  	_ =	shalt  }
0x63: {  	_ =	shalt  }
0x64: {  	_ =	shalt  }
0x65: {  	_ =	shalt  }
0x66: {  	_ =	shalt  }
0x67: {  	_ =	shalt  }
0x68: {  	_ =	shalt  }
0x69: {  	_ =	shalt  }
0x6a: {  	_ =	shalt  }
0x6b: {  	_ =	shalt  }
0x6c: {  	_ =	shalt  }
0x6d: {  	_ =	shalt  }
0x6e: {  	_ =	shalt  }
0x6f: {  	_ =	shalt  }
0x70: {  	_ =	shalt  }
0x71: {  	_ =	shalt  }
0x72: {  	_ =	shalt  }
0x73: {  	_ =	shalt  }
0x74: {  	_ =	shalt  }
0x75: {  	_ =	shalt  }
0x76: {  	_ =	shalt  }
0x77: {  	_ =	shalt  }
0x78: {  	_ =	shalt  }
0x79: {  	_ =	shalt  }
0x7a: {  	_ =	shalt  }
0x7b: {  	_ =	shalt  }
0x7c: {  	_ =	shalt  }
0x7d: {  	_ =	shalt  }
0x7e: {  	_ =	shalt  }
0x7f: {  	_ =	shalt  }
0x80: {  	_ =	shalt  }
0x81: {  	_ =	shalt  }
0x82: {  	_ =	shalt  }
0x83: {  	_ =	shalt  }
0x84: {  	_ =	shalt  }
0x85: {  	_ =	shalt  }
0x86: {  	_ =	shalt  }
0x87: {  	_ =	shalt  }
.Lfunc_end0:
.L_simem_size_0:
called_computation.2_lowered:
.L_overlay_start_0:
0x88: {  	s2 =	sld [smem:$0x3FD9]  }
0x89: {  	s3 =	sld [smem:$0x3FFE];
	_ =	sdelay $0x1  }
0x8a: {  	s1 =	srdreg.scid  }
0x8b: {  	s0 =	sand.u32 $0x1, s1  }
0x8c: {  	s16 =	sshll.u32 s0, $0xA;
	s2 =	sadd.s32 s3, s2  }
0x8d: {  	s2 =	sadd.s32 s2, s16  }
0x8e: {  	[smem:$0x3FC2] =	sst s2  }
0x8f: {  	_ = 	snop  }
0x90: {  	(tm) =	ssettm $0x1  }
0x91: {  	s17 =	sld [smem:$0x3FFB];
	_ =	sdelay $0x3  }
0x92: {  	_ =	strace s17  }
0x93: {  	s2 =	sld [smem:$0x3FFC];
	_ =	sdelay $0x3  }
0x94: {  	_ =	strace s2  }
0x95: {  	s2 =	sld [smem:$0x3FFD];
	_ =	sdelay $0x3  }
0x96: {  	_ =	strace s2  }
0x97: {  	_ =	strace $0x8FFFFFFF  }
0x98: {  	s18 =	sld [smem:$0x3FDB];
	_ =	sdelay $0x1  }
0x99: {  	s19 =	simm.s32 $_scs_section_size  }
0x9a: {  	s4 =	simm.s32 $_size__tile_overlayer_lowered;
	s5 =	simm.s32 $_tile_overlayer_lowered  }
0x9b: {  	s22 =	simm.s32 $0x1BFF;
	s21 =	sshll.u32 s5, $0x1;
	s2 =	sadd.s32 s19, s18  }
0x9c: {  	s6 =	simm.s32 $0x0;
	s20 =	sshll.u32 s4, $0x1;
	s4 =	sadd.s32 s21, s2  }
0x9d: {  	[timem:s6], [sflag:s22] =	dma.local [hbm:s4], s20  }
0x9e: {  	_ =	swait.ge [sflag:s22], s20  }
0x9f: {  	s3 =	ssub.s32 $0x0, s20;
	[sflag:s22] =	ssyncset.done $0x0  }
0xa0: {  	[sflag:s22] =	ssyncadd.s32 s3;
	_ =	sdelay $0x1  }
0xa1: {  	s23 =	simm.s32 $0x1B8B  }
0xa2: {  	_ =	swait.ge [sflag:s23], $0x1  }
0xa3: {  	[sflag:s23] =	ssyncset.done $0x0  }
0xa4: {  	s25 =	simm.s32 $0x1B8E;
	s24 =	sld [smem:$0x3FFE];
	[sflag:s23] =	ssyncadd.s32 $0xFFFFFFFF  }
0xa5: {  	s26 =	simm.s32 $execute0_lowered;
	[smem:$0x3FD2] =	sst s25  }
0xa6: {  	s4 =	sshll.u32 s26, $0x1;
	_ =	strace $0x8000004C;
	[dreg:$0x1] =	wrdreg $0xFFFFFFFF  }
0xa7: {  	s28 =	simm.s32 $_size_execute0_lowered;
	s2 =	sadd.s32 s2, s4;
	[dreg:$0x0] =	wrdreg $0x0  }
0xa8: {  	s4 =	sshll.u32 s28, $0x1;
	[dreg:$0x2] =	wrdreg s2  }
0xa9: {  	[dreg:$0x3] =	wrdreg s4  }
0xaa: {  	[dreg:$0x4] =	wrdreg $0xC0  }
0xab: {  	_ =	task [dreg:s6], $0x5FFFF  }
0xac: {  	[dreg:$0x1] =	wrdreg $0xFFFFFFFF  }
0xad: {  	[dreg:$0x0] =	wrdreg $0x60  }
0xae: {  	[dreg:$0x2] =	wrdreg s24  }
0xaf: {  	[dreg:$0x3] =	wrdreg $0x50000  }
0xb0: {  	[dreg:$0x4] =	wrdreg $0x78000  }
0xb1: {  	[dreg:$0x5] =	wrdreg $0x9  }
0xb2: {  	_ =	task.clear_ibuf [dreg:s6], $0x6FFFF;
	_ =	strace $0x9000004C  }
0xb3: {  	s29 =	simm.s32 $0x9;
	_ =	strace $0x8000004E  }
0xb4: {  	_ =	swait.ge [sflag:s29], $0x1  }
0xb5: {  	[sflag:s29] =	ssyncadd.s32 $0xFFFFFFFF  }
0xb6: {  	_ =	strace $0x9000004E  }
0xb7: {  	_ =	sfence  }
0xb8: {  	s30 =	sld [smem:$0x0];
	_ =	sdelay $0x2  }
0xb9: {  	s31 =	sshll.u32 s1, $0xD;
	s1 =	sshrl.u32 s1, $0x2  }
0xba: {  	s3 =	sand.u32 $0x4000, s31;
	s1 =	sadd.s32 s1, s30  }
0xbb: {  	s0 =	sor.u32 s3, s0;
	s1 =	sshll.u32 s1, $0x11  }
0xbc: {  	s0 =	sor.u32 s1, s0  }
0xbd: {  	s0 =	sadd.s32 $0x8F2B, s0  }
0xbe: {  	[sflag:s0] =	ssyncadd.remote.s32 $0x1  }
0xbf: {  	_ =	sfence.sel $0xFFFF  }
0xc0: {  	[dreg:$0x0] =	wrdreg $0xFFFFFFFF;
	(pc) =	sbr.abs _section_cstart, $3  }
0xc1: {  	[dreg:$0x1] =	wrdreg $0xFFFFFFFF  }
0xc2: {  	_ =	task.clear_ibuf [dreg:s6], $0x2FFFF;
	_ =	strace $0x9FFFFFFF  }
0xc3: {  	(tm) =	ssettm $0x7FFFFFFF  }
tec
execute0_lowered:
.L_overlay_start_1:
0x0: {  	(tag) =	ssettag $0x1  }
0x1: {  	s0 =	rddreg [dreg:$0x0]  }
0x2: {  	s2 =	rddreg [dreg:$0x1]  }
0x3: {  	s3 =	rddreg [dreg:$0x2]  }
0x4: {  	s17 =	stileid.u32;
	s1 =	srdreg.scid  }
0x5: {  	s4 =	simm.s32 $0x0;
	s15 =	simm.s32 $0xA000;
	s16 =	simm.s32 $0x9  }
0x6: {  	s20 =	simm.s32 $0x80;
	s21 =	simm.s32 $0xE000;
	s28 =	simm.s32 $0x5  }
0x7: {  	s29 =	simm.s32 $0x2;
	s30 =	simm.s32 $0x6;
	s31 =	simm.s32 $0x3  }
0x8: {  	s19 =	simm.s32 $0x8;
	s1 =	sand.u32 $0x1, s1;
	s10 =	smul.u32 $0x14000, s17  }
0x9: {  	s5 =	sshll.u32 s17, $0x1;
	[smem:$0x7FF] =	sst s4;
	s8 =	smul.u32 $0x50000, s17  }
0xa: {  	s26 =	sshll.u32 s17, $0x6;
	s5 =	sor.u32 s1, s5;
	_ =	strace $0x8000004D  }
0xb: {  	s6 =	smul.u32 $0x140000, s1;
	s1 =	ssub.s32 $0x2, s1;
	s17 =	sor.u32 $0x1C09, s26  }
0xc: {  	s26 =	simm.s32 $0x1;
	s5 =	smul.u32 $0x2800, s5;
	s7 =	sshrl.u32 s10, $0x3  }
0xd: {  	s24 =	sshrl.u32 s8, $0x2;
	s25 =	sshrl.u32 s1, $0x1;
	s18 =	sadd.s32 s10, s2  }
0xe: {  	s11 =	sadd.s32 s7, s0;
	s23 =	sadd.s32 s10, s6;
	s9 =	sadd.s32 s24, s3  }
0xf: {  	s1 =	ssub.s32 s1, s25;
	s18 =	sshrl.u32 s18, $0x3;
	s25 =	simm.s32 $0x16000  }
0x10: {  	s5 =	sshrl.u32 s5, $0x3;
	s6 =	sadd.s32 $0x4000, s9;
	s7 =	sadd.s32 $0x8000, s9  }
0x11: {  	s8 =	sadd.s32 $0xC000, s9;
	s9 =	sadd.s32 $0x10000, s9;
	s14 =	smax.u32 s1, $0x1  }
0x12: {  	s1 =	simm.s32 $0x4;
	s12 =	sadd.s32 s5, s0;
	s5 =	sshrl.u32 s23, $0x3  }
0x13: {  	[dreg:$0x4] =	wrdreg s6;
	s23 =	simm.s32 $0x12000;
	s0 =	sadd.s32 s5, s0  }
0x14: {  	s5 =	sadd.s32 s10, s3;
	s10 =	sadd.s32 $0x16A00, s11;
	s11 =	sadd.s32 $0x2A00, s12  }
0x15: {  	v0 =	vimm.f32 $0.0e+00;
	s12 =	sadd.s32 $0xCA00, s12;
	s13 =	sadd.s32 $0x3EA00, s0;
	s0 =	simm.s32 $0x7  }
.LBB2_1:
0x16: {  	s22 =	simm.s32 $0x200;
	s24 =	simm.s32 $0x0  }
.LBB2_2:
0x17: {  	p0 =	sne.s32 s22, $0xFE00;
	[tilespmem:s24+$0xA000] =	vst v0;
	s24 =	smov.u32 s22;
	s22 =	sadd.s32 $0x200, s22  }
.Ltmp0:
0x18: {  	(pc) =	sbr.rel @p0 .LBB2_2-.Ltmp0, $2  }
0x19: {  	_ =	sdelay $0x2  }
0x1a: {  	s24 =	sshra.s32 s24, $0x2  }
0x1b: {  	[tilespmem:s24+$0xA000] =	vst v0  }
0x1c: {  	[spmem:s5] =	stream.linear.scatter [tilespmem:s15], [sflag:$0x9], $0x4000, $0x38;
	[tilespmem:$0x1A000] =	vst v63  }
0x1d: {  	_ =	swait.ge [sflag:s16], $0x4000  }
0x1e: {  	[sflag:s16] =	ssyncset.done $0x0  }
0x1f: {  	s6 =	rddreg [dreg:$0x4];
	[sflag:s16] =	ssyncadd.s32 $0xFFFFC000  }
0x20: {  	[spmem:s6] =	stream.linear.scatter [tilespmem:s15], [sflag:$0x9], $0x4000, $0x38;
	[tilespmem:$0x1A000] =	vst v63  }
0x21: {  	_ =	swait.ge [sflag:s16], $0x4000  }
0x22: {  	[sflag:s16] =	ssyncset.done $0x0  }
0x23: {  	[sflag:s16] =	ssyncadd.s32 $0xFFFFC000  }
0x24: {  	[spmem:s7] =	stream.linear.scatter [tilespmem:s15], [sflag:$0x9], $0x4000, $0x38;
	[tilespmem:$0x1A000] =	vst v63  }
0x25: {  	_ =	swait.ge [sflag:s16], $0x4000  }
0x26: {  	[sflag:s16] =	ssyncset.done $0x0  }
0x27: {  	[sflag:s16] =	ssyncadd.s32 $0xFFFFC000  }
0x28: {  	[spmem:s8] =	stream.linear.scatter [tilespmem:s15], [sflag:$0x9], $0x4000, $0x38;
	[tilespmem:$0x1A000] =	vst v63  }
0x29: {  	_ =	swait.ge [sflag:s16], $0x4000  }
0x2a: {  	[sflag:s16] =	ssyncset.done $0x0  }
0x2b: {  	[sflag:s16] =	ssyncadd.s32 $0xFFFFC000  }
0x2c: {  	[spmem:s9] =	stream.linear.scatter [tilespmem:s15], [sflag:$0x9], $0x4000, $0x38;
	[tilespmem:$0x1A000] =	vst v63  }
0x2d: {  	_ =	swait.ge [sflag:s16], $0x4000  }
0x2e: {  	[sflag:s16] =	ssyncset.done $0x0  }
0x2f: {  	[sflag:s16] =	ssyncadd.s32 $0xFFFFC000  }
0x30: {  	[spmem:s18], [sflag:s17] =	dma.local [hbm:s10], $0x2800  }
0x31: {  	_ =	swait.ge [sflag:s16], $0x2800  }
0x32: {  	[sflag:s16] =	ssyncset.done $0x0  }
0x33: {  	s22 =	simm.s32 $0x0;
	[sflag:s16] =	ssyncadd.s32 $0xFFFFD800  }
0x34: {  	[tilespmem:s22], [sflag:$0x9] =	stream.linear.gather [hbm4b:s11+s22], $0x2800, $0x38;
	[tilespmem:$0x1A000] =	vst v63  }
0x35: {  	_ =	swait.ge [sflag:s16], $0x2800  }
0x36: {  	[sflag:s16] =	ssyncset.done $0x0  }
0x37: {  	s24 =	simm.s32 $0x2800;
	[sflag:s16] =	ssyncadd.s32 $0xFFFFD800  }
0x38: {  	[tilespmem:s24], [sflag:$0x9] =	stream.linear.gather [hbm4b:s12+s22], $0x2800, $0x38;
	[tilespmem:$0x1A000] =	vst v63  }
0x39: {  	_ =	swait.ge [sflag:s16], $0x2800  }
0x3a: {  	[sflag:s16] =	ssyncset.done $0x0  }
0x3b: {  	[sflag:s16] =	ssyncadd.s32 $0xFFFFD800  }
0x3c: {  	[bflag:$0x0] =	sbarrier.arrive $0xFFFF  }
0x3d: {  	[tilespmem:s15], [sflag:$0x1] =	stream.indirect.gather [spmem:s2], $0x10, s22, s20, $0xb8;
	[tilespmem:$0x1A000] =	vst v63  }
0x3e: {  	_ = 	snop  }
0x3f: {  	[tilespmem:s21], [sflag:$0x2] =	stream.indirect.gather [spmem:s2], $0x10, s20, s20, $0xb8;
	[tilespmem:$0x1A000] =	vst v63  }
0x40: {  	s24 =	simm.s32 $0x100  }
0x41: {  	[tilespmem:s23], [sflag:$0x3] =	stream.indirect.gather [spmem:s2], $0x10, s24, s20, $0xb8;
	[tilespmem:$0x1A000] =	vst v63  }
0x42: {  	s22 =	simm.s32 $0x180  }
0x43: {  	[tilespmem:s25], [sflag:$0x4] =	stream.indirect.gather [spmem:s2], $0x10, s22, s20, $0xb8;
	[tilespmem:$0x1A000] =	vst v63  }
0x44: {  	_ =	swait.ge [sflag:s26], $0x800  }
0x45: {  	[sflag:s26] =	ssyncset.done $0x0  }
0x46: {  	s24 =	simm.s32 $0x2800;
	[sflag:s26] =	ssyncadd.s32 $0xFFFFF800  }
0x47: {  	[spmem:s3] =	stream.indirect.scatter.add.f32 [tilespmem:s15], [sflag:$0x5], $0x10, s24, s20, $0xb8;
	[tilespmem:$0x1A000] =	vst v63  }
0x48: {  	_ =	swait.ge [sflag:s28], $0x800  }
0x49: {  	[sflag:s28] =	ssyncset.done $0x0  }
0x4a: {  	s6 =	simm.s32 $0x200;
	[sflag:s28] =	ssyncadd.s32 $0xFFFFF800  }
0x4b: {  	[tilespmem:s15], [sflag:$0x1] =	stream.indirect.gather [spmem:s2], $0x10, s6, s20, $0xb8;
	[tilespmem:$0x1A000] =	vst v63  }
0x4c: {  	_ =	swait.ge [sflag:s29], $0x800  }
0x4d: {  	[sflag:s29] =	ssyncset.done $0x0  }
0x4e: {  	s24 =	simm.s32 $0x2880;
	[sflag:s29] =	ssyncadd.s32 $0xFFFFF800  }
0x4f: {  	[spmem:s3] =	stream.indirect.scatter.add.f32 [tilespmem:s21], [sflag:$0x6], $0x10, s24, s20, $0xb8;
	[tilespmem:$0x1A000] =	vst v63  }
0x50: {  	_ =	swait.ge [sflag:s30], $0x800  }
0x51: {  	[sflag:s30] =	ssyncset.done $0x0  }
0x52: {  	s6 =	simm.s32 $0x280;
	[sflag:s30] =	ssyncadd.s32 $0xFFFFF800  }
0x53: {  	[tilespmem:s21], [sflag:$0x2] =	stream.indirect.gather [spmem:s2], $0x10, s6, s20, $0xb8;
	[tilespmem:$0x1A000] =	vst v63  }
0x54: {  	_ =	swait.ge [sflag:s31], $0x800  }
0x55: {  	[sflag:s31] =	ssyncset.done $0x0  }
0x56: {  	s24 =	simm.s32 $0x2900;
	[sflag:s31] =	ssyncadd.s32 $0xFFFFF800  }
0x57: {  	[spmem:s3] =	stream.indirect.scatter.add.f32 [tilespmem:s23], [sflag:$0x7], $0x10, s24, s20, $0xb8;
	[tilespmem:$0x1A000] =	vst v63  }
0x58: {  	_ =	swait.ge [sflag:s0], $0x800  }
0x59: {  	[sflag:s0] =	ssyncset.done $0x0  }
0x5a: {  	s6 =	simm.s32 $0x300;
	[sflag:s0] =	ssyncadd.s32 $0xFFFFF800  }
0x5b: {  	[tilespmem:s23], [sflag:$0x3] =	stream.indirect.gather [spmem:s2], $0x10, s6, s20, $0xb8;
	[tilespmem:$0x1A000] =	vst v63  }
0x5c: {  	_ =	swait.ge [sflag:s1], $0x800  }
0x5d: {  	[sflag:s1] =	ssyncset.done $0x0  }
0x5e: {  	s24 =	simm.s32 $0x2980;
	[sflag:s1] =	ssyncadd.s32 $0xFFFFF800  }
0x5f: {  	[spmem:s3] =	stream.indirect.scatter.add.f32 [tilespmem:s25], [sflag:$0x8], $0x10, s24, s20, $0xb8;
	[tilespmem:$0x1A000] =	vst v63  }
0x60: {  	_ =	swait.ge [sflag:s19], $0x800  }
0x61: {  	[sflag:s19] =	ssyncset.done $0x0  }
0x62: {  	s22 =	simm.s32 $0x800;
	s24 =	simm.s32 $0x380;
	[sflag:s19] =	ssyncadd.s32 $0xFFFFF800  }
.LBB2_4:
0x63: {  	[tilespmem:s25], [sflag:$0x4] =	stream.indirect.gather [spmem:s2], $0x10, s24, s20, $0xb8;
	[tilespmem:$0x1A000] =	vst v63  }
0x64: {  	s24 =	smov.u32 s22  }
0x65: {  	p0 =	sne.s32 s22, $0x9000;
	s22 =	sadd.s32 $0x800, s22;
	_ =	swait.ge [sflag:s26], $0x800  }
0x66: {  	s24 =	sshra.s32 s24, $0x2;
	[sflag:s26] =	ssyncset.done $0x0  }
0x67: {  	s6 =	sadd.s32 $0x2800, s24;
	[sflag:s26] =	ssyncadd.s32 $0xFFFFF800  }
0x68: {  	[spmem:s3] =	stream.indirect.scatter.add.f32 [tilespmem:s15], [sflag:$0x5], $0x10, s6, s20, $0xb8;
	[tilespmem:$0x1A000] =	vst v63  }
0x69: {  	_ =	swait.ge [sflag:s28], $0x800  }
0x6a: {  	[sflag:s28] =	ssyncset.done $0x0  }
0x6b: {  	s6 =	sadd.s32 $0x200, s24;
	[sflag:s28] =	ssyncadd.s32 $0xFFFFF800  }
0x6c: {  	[tilespmem:s15], [sflag:$0x1] =	stream.indirect.gather [spmem:s2], $0x10, s6, s20, $0xb8;
	[tilespmem:$0x1A000] =	vst v63  }
0x6d: {  	_ =	swait.ge [sflag:s29], $0x800  }
0x6e: {  	[sflag:s29] =	ssyncset.done $0x0  }
0x6f: {  	s6 =	sadd.s32 $0x2880, s24;
	[sflag:s29] =	ssyncadd.s32 $0xFFFFF800  }
0x70: {  	[spmem:s3] =	stream.indirect.scatter.add.f32 [tilespmem:s21], [sflag:$0x6], $0x10, s6, s20, $0xb8;
	[tilespmem:$0x1A000] =	vst v63  }
0x71: {  	_ =	swait.ge [sflag:s30], $0x800  }
0x72: {  	[sflag:s30] =	ssyncset.done $0x0  }
0x73: {  	s6 =	sadd.s32 $0x280, s24;
	[sflag:s30] =	ssyncadd.s32 $0xFFFFF800  }
0x74: {  	[tilespmem:s21], [sflag:$0x2] =	stream.indirect.gather [spmem:s2], $0x10, s6, s20, $0xb8;
	[tilespmem:$0x1A000] =	vst v63  }
0x75: {  	_ =	swait.ge [sflag:s31], $0x800  }
0x76: {  	[sflag:s31] =	ssyncset.done $0x0  }
0x77: {  	s6 =	sadd.s32 $0x2900, s24;
	[sflag:s31] =	ssyncadd.s32 $0xFFFFF800  }
0x78: {  	[spmem:s3] =	stream.indirect.scatter.add.f32 [tilespmem:s23], [sflag:$0x7], $0x10, s6, s20, $0xb8;
	[tilespmem:$0x1A000] =	vst v63  }
0x79: {  	_ =	swait.ge [sflag:s0], $0x800  }
0x7a: {  	[sflag:s0] =	ssyncset.done $0x0  }
0x7b: {  	s6 =	sadd.s32 $0x300, s24;
	[sflag:s0] =	ssyncadd.s32 $0xFFFFF800  }
0x7c: {  	[tilespmem:s23], [sflag:$0x3] =	stream.indirect.gather [spmem:s2], $0x10, s6, s20, $0xb8;
	[tilespmem:$0x1A000] =	vst v63  }
0x7d: {  	_ =	swait.ge [sflag:s1], $0x800  }
0x7e: {  	[sflag:s1] =	ssyncset.done $0x0  }
.Ltmp1:
0x7f: {  	s6 =	sadd.s32 $0x2980, s24;
	[sflag:s1] =	ssyncadd.s32 $0xFFFFF800;
	(pc) =	sbr.rel @p0 .LBB2_4-.Ltmp1, $4  }
0x80: {  	[spmem:s3] =	stream.indirect.scatter.add.f32 [tilespmem:s25], [sflag:$0x8], $0x10, s6, s20, $0xb8;
	[tilespmem:$0x1A000] =	vst v63  }
0x81: {  	_ =	swait.ge [sflag:s19], $0x800  }
0x82: {  	[sflag:s19] =	ssyncset.done $0x0  }
0x83: {  	s24 =	sadd.s32 $0x380, s24;
	[sflag:s19] =	ssyncadd.s32 $0xFFFFF800  }
0x84: {  	[tilespmem:s25], [sflag:$0x4] =	stream.indirect.gather [spmem:s2], $0x10, s24, s20, $0xb8;
	[tilespmem:$0x1A000] =	vst v63  }
0x85: {  	_ =	swait.ge [sflag:s26], $0x800  }
0x86: {  	[sflag:s26] =	ssyncset.done $0x0  }
0x87: {  	s6 =	simm.s32 $0x4E00;
	[sflag:s26] =	ssyncadd.s32 $0xFFFFF800  }
0x88: {  	[spmem:s3] =	stream.indirect.scatter.add.f32 [tilespmem:s15], [sflag:$0x5], $0x10, s6, s20, $0xb8;
	[tilespmem:$0x1A000] =	vst v63  }
0x89: {  	_ =	swait.ge [sflag:s29], $0x800  }
0x8a: {  	[sflag:s29] =	ssyncset.done $0x0  }
0x8b: {  	s22 =	simm.s32 $0x4E80;
	[sflag:s29] =	ssyncadd.s32 $0xFFFFF800  }
0x8c: {  	[spmem:s3] =	stream.indirect.scatter.add.f32 [tilespmem:s21], [sflag:$0x6], $0x10, s22, s20, $0xb8;
	[tilespmem:$0x1A000] =	vst v63  }
0x8d: {  	_ =	swait.ge [sflag:s31], $0x800  }
0x8e: {  	[sflag:s31] =	ssyncset.done $0x0  }
0x8f: {  	s24 =	simm.s32 $0x4F00;
	[sflag:s31] =	ssyncadd.s32 $0xFFFFF800  }
0x90: {  	[spmem:s3] =	stream.indirect.scatter.add.f32 [tilespmem:s23], [sflag:$0x7], $0x10, s24, s20, $0xb8;
	[tilespmem:$0x1A000] =	vst v63  }
0x91: {  	_ =	swait.ge [sflag:s1], $0x800  }
0x92: {  	[sflag:s1] =	ssyncset.done $0x0  }
0x93: {  	s22 =	simm.s32 $0x4F80;
	[sflag:s1] =	ssyncadd.s32 $0xFFFFF800  }
0x94: {  	[spmem:s3] =	stream.indirect.scatter.add.f32 [tilespmem:s25], [sflag:$0x8], $0x10, s22, s20, $0xb8;
	[tilespmem:$0x1A000] =	vst v63  }
0x95: {  	_ =	swait.ge [sflag:s28], $0x800  }
0x96: {  	[sflag:s28] =	ssyncset.done $0x0  }
0x97: {  	[sflag:s28] =	ssyncadd.s32 $0xFFFFF800  }
0x98: {  	_ =	swait.ge [sflag:s30], $0x800  }
0x99: {  	[sflag:s30] =	ssyncset.done $0x0  }
0x9a: {  	[sflag:s30] =	ssyncadd.s32 $0xFFFFF800  }
0x9b: {  	_ =	swait.ge [sflag:s0], $0x800  }
0x9c: {  	[sflag:s0] =	ssyncset.done $0x0  }
0x9d: {  	[sflag:s0] =	ssyncadd.s32 $0xFFFFF800  }
0x9e: {  	_ =	swait.ge [sflag:s19], $0x800  }
0x9f: {  	s4 =	sadd.s32 $0x1, s4;
	[sflag:s19] =	ssyncset.done $0x0  }
0xa0: {  	p0 =	sne.s32 s4, s14;
	[sflag:s19] =	ssyncadd.s32 $0xFFFFF800  }
.Ltmp2:
0xa1: {  	s24 =	sshrl.u32 s5, $0x3;
	[bflag:$0x0] =	sbarrier.arrive $0xFFFF;
	(pc) =	sbr.rel @p0 .LBB2_1-.Ltmp2, $4  }
0xa2: {  	[hbm:s13], [sflag:s17] =	dma.local [spmem:s24], $0x2800  }
0xa3: {  	_ =	swait.ge [sflag:s16], $0x2800  }
0xa4: {  	[sflag:s16] =	ssyncset.done $0x0  }
0xa5: {  	[sflag:s16] =	ssyncadd.s32 $0xFFFFD800  }
0xa6: {  	_ =	sfence.sel $0x180000  }
0xa7: {  	[bflag:$0x0] =	sbarrier.arrive $0xFFFF  }
0xa8: {  	_ =	strace $0x9000004D  }
0xa9: {  	s0 =	stileid.u32;
	[bflag:$0x2] =	sbarrier.arrive $0xFFFF  }
0xaa: {  	p0 =	sne.s32 s0, $0x0;
	s0 =	rddreg [dreg:$0x3]  }
0xab: {  	s0 =	sadd.s32 @!p0 $0x100000, s0  }
0xac: {  	[sflag:s0] =	ssyncadd.tile.s32 @!p0 $0x1;
	_ =	shalt  }
.Lfunc_end2:
_tile_overlayer_lowered:
.L_overlay_start_2:
0xad: {  	(tag) =	ssettag $0x2  }
0xae: {  	s0 =	rddreg [dreg:$0x0];
	s2 =	stileid.u32  }
0xaf: {  	s1 =	rddreg [dreg:$0x1];
	p0 =	sne.s32 s2, $0x0  }
0xb0: {  	s3 =	rddreg [dreg:$0x2];
	[bflag:$0x3] =	sbarrier.arrive $0xFFFF;
	s2 =	simm.s32 @!p0 $0x1C09  }
0xb1: {  	[timem:s3], [sflag:s2] =	dma.local @!p0 [hbm:s0], s1  }
0xb2: {  	s0 =	simm.s32 @!p0 $0x9  }
0xb3: {  	_ =	swait.ge @!p0 [sflag:s0], s1  }
0xb4: {  	s1 =	ssub.s32 @!p0 $0x0, s1;
	[sflag:s0] =	ssyncset.done @!p0 $0x0  }
0xb5: {  	[sflag:s0] =	ssyncadd.s32 @!p0 s1  }
0xb6: {  	[bflag:$0x3] =	sbarrier.arrive $0xFFFF  }
0xb7: {  	_ =	shalt  }

// kernel: kernel.8.cloned.1.call-start
scs
__scs_entry_jumppad:
0x0: {  	(pc) =	sbr.rel $0x88, $3  }
0x1: {  	(tag) =	ssettag $0x0;
	lr =	simm.s32 $0x1  }
0x2: {  	[smem:$0x3F9B] =	sst lr;
	_ =	strace $0xD0000000  }
0x3: {  	_ = 	snop  }
0x4: {  	_ = 	snop  }
0x5: {  	_ = 	snop  }
0x6: {  	_ = 	snop  }
0x7: {  	_ = 	snop  }
__scs_overlays_trampoline_lowered:
0x8: {  	[smem:$0x3FAA] =	sst s0  }
0x9: {  	[smem:$0x3FAB] =	sst s1  }
0xa: {  	[smem:$0x3FAC] =	sst s2  }
0xb: {  	[smem:$0x3FAD] =	sst s3  }
0xc: {  	[smem:$0x3FAE] =	sst s4  }
0xd: {  	[smem:$0x3FAF] =	sst s5  }
0xe: {  	[smem:$0x3FB0] =	sst s6  }
0xf: {  	[smem:$0x3FB1] =	sst s7  }
0x10: {  	[smem:$0x3FB2] =	sst s8  }
0x11: {  	[smem:$0x3FB3] =	sst s9;
	s0 =	simm.s32 @!p0 $0x0  }
0x12: {  	s1 =	sld [smem:$0x3F99];
	s0 =	simm.s32 @p0 $0x1  }
0x13: {  	[smem:$0x3FB4] =	sst s0;
	s0 =	simm.s32 @!p1 $0x0  }
0x14: {  	s2 =	sld [smem:$0x3F98];
	s0 =	simm.s32 @p1 $0x1  }
0x15: {  	[smem:$0x3FB5] =	sst s0;
	s0 =	simm.s32 @!p2 $0x0  }
0x16: {  	s3 =	sld [smem:$0x3FDB];
	s0 =	simm.s32 @p2 $0x1  }
0x17: {  	s4 =	simm.s32 $0x1BF5;
	[smem:$0x3FB7] =	sst s0  }
0x18: {  	s0 =	sld [smem:$0x3F9A];
	_ =	swait.ge [sflag:s4], $0x0  }
0x19: {  	s7 =	sld [smem:$0x3F9B]  }
0x1a: {  	s8 =	sadd.s32 $0xFFFFE003, lr  }
0x1b: {  	s9 =	sadd.s32 $0xFFFFFEF7, lr;
	s5 =	simm.s32 $0xFFFFFFFF;
	p2 =	slt.u32 s8, $0xFFFFF086  }
0x1c: {  	p1 =	slt.u32 s9, $0xF7A;
	s5 =	simm.s32 @!p2 $0x0  }
0x1d: {  	s5 =	simm.s32 @p1 $0x1;
	p0 =	seq.s32 s7, s2  }
0x1e: {  	s7 =	smul.u32 @!p0 $0xF7A, s2;
	p2 =	seq.s32 @!p0 s5, $0x0  }
0x1f: {  	s9 =	smul.u32 $0xF7A, s1;
	s8 =	simm.s32 @!p0 $0x1BF5;
	p2 =	por !p2, p0  }
0x20: {  	[sflag:s8] =	ssyncset.s32 @!p0 $0xFFFFF086;
	s6 =	sadd.s32 @!p0 s3, s7;
	s7 =	simm.s32 @!p0 $0x108  }
0x21: {  	s3 =	sadd.s32 s3, s9;
	s6 =	sadd.s32 @!p0 $0x88, s6;
	s7 =	simm.s32 @p2 $0x1082  }
0x22: {  	[simem:s7], [sflag:s8] =	dma.local @!p0 [hbm:s6], $0xF7A  }
0x23: {  	s9 =	sor.u32 $0xD0000000, s2;
	s6 =	simm.s32 $0x108;
	_ =	swait.ge @!p0 [sflag:s8], $0x0  }
0x24: {  	s3 =	sadd.s32 $0x88, s3;
	s6 =	simm.s32 @!p1 $0x1082;
	[sflag:s4] =	ssyncset.s32 $0xFFFFF086  }
0x25: {  	[simem:s6], [sflag:s4] =	dma.local [hbm:s3], $0xF7A  }
0x26: {  	[smem:$0x3F9B] =	sst s1;
	(tag) =	ssettag s2;
	_ =	strace s9  }
0x27: {  	s1 =	sld [smem:$0x3FAB]  }
0x28: {  	s2 =	sld [smem:$0x3FAC]  }
0x29: {  	s4 =	sld [smem:$0x3FAE]  }
0x2a: {  	p0 =	seq.s32 s5, $0x0;
	s5 =	sld [smem:$0x3FAF]  }
0x2b: {  	s6 =	sld [smem:$0x3FB0]  }
0x2c: {  	s7 =	sld [smem:$0x3FB1]  }
0x2d: {  	s3 =	simm.s32 $0x108;
	s8 =	sld [smem:$0x3FB2]  }
0x2e: {  	s3 =	simm.s32 @!p0 $0x1082;
	s9 =	sld [smem:$0x3FB3]  }
0x2f: {  	lr =	sadd.s32 s0, s3;
	s0 =	sld [smem:$0x3FAA]  }
0x30: {  	s3 =	sld [smem:$0x3FAD]  }
0x31: {  	[smem:$0x3FB6] =	sst s10  }
0x32: {  	s10 =	sld [smem:$0x3FB4];
	_ =	sdelay $0x3  }
0x33: {  	p0 =	seq.s32 s10, $0x1;
	s10 =	sld [smem:$0x3FB6];
	_ =	sdelay $0x3  }
0x34: {  	[smem:$0x3FB6] =	sst s10  }
0x35: {  	s10 =	sld [smem:$0x3FB5];
	_ =	sdelay $0x3  }
0x36: {  	p1 =	seq.s32 s10, $0x1;
	s10 =	sld [smem:$0x3FB6];
	_ =	sdelay $0x3  }
0x37: {  	[smem:$0x3FB6] =	sst s10  }
0x38: {  	s10 =	sld [smem:$0x3FB7]  }
0x39: {  	_ = 	snop;
	(pc) =	sbr.ind lr, $3  }
0x3a: {  	_ = 	snop  }
0x3b: {  	_ = 	snop  }
0x3c: {  	p2 =	seq.s32 s10, $0x1;
	s10 =	sld [smem:$0x3FB6]  }
0x3d: {  	_ =	shalt  }
0x3e: {  	_ =	shalt  }
0x3f: {  	_ =	shalt  }
0x40: {  	_ =	shalt  }
0x41: {  	_ =	shalt  }
0x42: {  	_ =	shalt  }
0x43: {  	_ =	shalt  }
0x44: {  	_ =	shalt  }
0x45: {  	_ =	shalt  }
0x46: {  	_ =	shalt  }
0x47: {  	_ =	shalt  }
0x48: {  	_ =	shalt  }
0x49: {  	_ =	shalt  }
0x4a: {  	_ =	shalt  }
0x4b: {  	_ =	shalt  }
0x4c: {  	_ =	shalt  }
0x4d: {  	_ =	shalt  }
0x4e: {  	_ =	shalt  }
0x4f: {  	_ =	shalt  }
0x50: {  	_ =	shalt  }
0x51: {  	_ =	shalt  }
0x52: {  	_ =	shalt  }
0x53: {  	_ =	shalt  }
0x54: {  	_ =	shalt  }
0x55: {  	_ =	shalt  }
0x56: {  	_ =	shalt  }
0x57: {  	_ =	shalt  }
0x58: {  	_ =	shalt  }
0x59: {  	_ =	shalt  }
0x5a: {  	_ =	shalt  }
0x5b: {  	_ =	shalt  }
0x5c: {  	_ =	shalt  }
0x5d: {  	_ =	shalt  }
0x5e: {  	_ =	shalt  }
0x5f: {  	_ =	shalt  }
0x60: {  	_ =	shalt  }
0x61: {  	_ =	shalt  }
0x62: {  	_ =	shalt  }
0x63: {  	_ =	shalt  }
0x64: {  	_ =	shalt  }
0x65: {  	_ =	shalt  }
0x66: {  	_ =	shalt  }
0x67: {  	_ =	shalt  }
0x68: {  	_ =	shalt  }
0x69: {  	_ =	shalt  }
0x6a: {  	_ =	shalt  }
0x6b: {  	_ =	shalt  }
0x6c: {  	_ =	shalt  }
0x6d: {  	_ =	shalt  }
0x6e: {  	_ =	shalt  }
0x6f: {  	_ =	shalt  }
0x70: {  	_ =	shalt  }
0x71: {  	_ =	shalt  }
0x72: {  	_ =	shalt  }
0x73: {  	_ =	shalt  }
0x74: {  	_ =	shalt  }
0x75: {  	_ =	shalt  }
0x76: {  	_ =	shalt  }
0x77: {  	_ =	shalt  }
0x78: {  	_ =	shalt  }
0x79: {  	_ =	shalt  }
0x7a: {  	_ =	shalt  }
0x7b: {  	_ =	shalt  }
0x7c: {  	_ =	shalt  }
0x7d: {  	_ =	shalt  }
0x7e: {  	_ =	shalt  }
0x7f: {  	_ =	shalt  }
0x80: {  	_ =	shalt  }
0x81: {  	_ =	shalt  }
0x82: {  	_ =	shalt  }
0x83: {  	_ =	shalt  }
0x84: {  	_ =	shalt  }
0x85: {  	_ =	shalt  }
0x86: {  	_ =	shalt  }
0x87: {  	_ =	shalt  }
.Lfunc_end0:
.L_simem_size_0:
called_computation_lowered:
.L_overlay_start_0:
0x88: {  	s2 =	sld [smem:$0x3FD9]  }
0x89: {  	s3 =	sld [smem:$0x3FFE];
	_ =	sdelay $0x1  }
0x8a: {  	s1 =	srdreg.scid  }
0x8b: {  	s0 =	sand.u32 $0x1, s1  }
0x8c: {  	s16 =	sshll.u32 s0, $0xA;
	s2 =	sadd.s32 s3, s2  }
0x8d: {  	s2 =	sadd.s32 s2, s16  }
0x8e: {  	[smem:$0x3FC2] =	sst s2  }
0x8f: {  	_ = 	snop  }
0x90: {  	(tm) =	ssettm $0x1  }
0x91: {  	s17 =	sld [smem:$0x3FFB];
	_ =	sdelay $0x3  }
0x92: {  	_ =	strace s17  }
0x93: {  	s2 =	sld [smem:$0x3FFC];
	_ =	sdelay $0x3  }
0x94: {  	_ =	strace s2  }
0x95: {  	s2 =	sld [smem:$0x3FFD];
	_ =	sdelay $0x3  }
0x96: {  	_ =	strace s2  }
0x97: {  	_ =	strace $0x8FFFFFFF  }
0x98: {  	s18 =	sld [smem:$0x3FDB];
	_ =	sdelay $0x1  }
0x99: {  	s19 =	simm.s32 $_scs_section_size  }
0x9a: {  	s4 =	simm.s32 $_size__tile_overlayer_lowered;
	s5 =	simm.s32 $_tile_overlayer_lowered  }
0x9b: {  	s22 =	simm.s32 $0x1BFF;
	s21 =	sshll.u32 s5, $0x1;
	s2 =	sadd.s32 s19, s18  }
0x9c: {  	s6 =	simm.s32 $0x0;
	s20 =	sshll.u32 s4, $0x1;
	s4 =	sadd.s32 s21, s2  }
0x9d: {  	[timem:s6], [sflag:s22] =	dma.local [hbm:s4], s20  }
0x9e: {  	_ =	swait.ge [sflag:s22], s20  }
0x9f: {  	s3 =	ssub.s32 $0x0, s20;
	[sflag:s22] =	ssyncset.done $0x0  }
0xa0: {  	[sflag:s22] =	ssyncadd.s32 s3;
	_ =	sdelay $0x1  }
0xa1: {  	s23 =	simm.s32 $0x1B8B  }
0xa2: {  	_ =	swait.ge [sflag:s23], $0x1  }
0xa3: {  	[sflag:s23] =	ssyncset.done $0x0  }
0xa4: {  	s25 =	simm.s32 $0x1B8E;
	s24 =	sld [smem:$0x3FFE];
	[sflag:s23] =	ssyncadd.s32 $0xFFFFFFFF  }
0xa5: {  	s26 =	simm.s32 $execute0_lowered;
	[smem:$0x3FD2] =	sst s25  }
0xa6: {  	s4 =	sshll.u32 s26, $0x1;
	_ =	strace $0x80000046;
	[dreg:$0x1] =	wrdreg $0xFFFFFFFF  }
0xa7: {  	s28 =	simm.s32 $_size_execute0_lowered;
	s2 =	sadd.s32 s2, s4;
	[dreg:$0x0] =	wrdreg $0x0  }
0xa8: {  	s4 =	sshll.u32 s28, $0x1;
	[dreg:$0x2] =	wrdreg s2  }
0xa9: {  	[dreg:$0x3] =	wrdreg s4  }
0xaa: {  	[dreg:$0x4] =	wrdreg $0xC0  }
0xab: {  	_ =	task [dreg:s6], $0x5FFFF  }
0xac: {  	[dreg:$0x1] =	wrdreg $0xFFFFFFFF  }
0xad: {  	[dreg:$0x0] =	wrdreg $0x60  }
0xae: {  	[dreg:$0x2] =	wrdreg s24  }
0xaf: {  	[dreg:$0x3] =	wrdreg $0x68000  }
0xb0: {  	[dreg:$0x4] =	wrdreg $0x9  }
0xb1: {  	_ =	task.clear_ibuf [dreg:s6], $0x5FFFF;
	_ =	strace $0x90000046  }
0xb2: {  	s29 =	simm.s32 $0x9;
	_ =	strace $0x80000048  }
0xb3: {  	_ =	swait.ge [sflag:s29], $0x1  }
0xb4: {  	[sflag:s29] =	ssyncadd.s32 $0xFFFFFFFF  }
0xb5: {  	_ =	strace $0x90000048  }
0xb6: {  	_ =	sfence  }
0xb7: {  	s30 =	sld [smem:$0x0];
	_ =	sdelay $0x2  }
0xb8: {  	s31 =	sshll.u32 s1, $0xD;
	s1 =	sshrl.u32 s1, $0x2  }
0xb9: {  	s3 =	sand.u32 $0x4000, s31;
	s1 =	sadd.s32 s1, s30  }
0xba: {  	s0 =	sor.u32 s3, s0;
	s1 =	sshll.u32 s1, $0x11  }
0xbb: {  	s0 =	sor.u32 s1, s0  }
0xbc: {  	s0 =	sadd.s32 $0x8F2B, s0  }
0xbd: {  	[sflag:s0] =	ssyncadd.remote.s32 $0x1  }
0xbe: {  	_ =	sfence.sel $0xFFFF  }
0xbf: {  	[dreg:$0x0] =	wrdreg $0xFFFFFFFF;
	(pc) =	sbr.abs _section_cstart, $3  }
0xc0: {  	[dreg:$0x1] =	wrdreg $0xFFFFFFFF  }
0xc1: {  	_ =	task.clear_ibuf [dreg:s6], $0x2FFFF;
	_ =	strace $0x9FFFFFFF  }
0xc2: {  	(tm) =	ssettm $0x7FFFFFFF  }
0xc3: {  	_ =	shalt  }
tec
execute0_lowered:
.L_overlay_start_1:
0x0: {  	(tag) =	ssettag $0x1  }
0x1: {  	s7 =	rddreg [dreg:$0x0]  }
0x2: {  	s1 =	rddreg [dreg:$0x1];
	s2 =	srdreg.scid  }
0x3: {  	s0 =	rddreg [dreg:$0x2];
	s3 =	simm.s32 $0x0;
	s12 =	simm.s32 $0x2800  }
0x4: {  	s13 =	simm.s32 $0x5;
	s14 =	simm.s32 $0x80;
	s15 =	simm.s32 $0x100  }
0x5: {  	s16 =	simm.s32 $0x180;
	s17 =	simm.s32 $0x1;
	s18 =	simm.s32 $0x2  }
0x6: {  	s19 =	simm.s32 $0x3;
	s4 =	sand.u32 $0x1, s2;
	s2 =	stileid.u32  }
0x7: {  	s20 =	simm.s32 $0x4;
	[smem:$0x7FF] =	sst s3;
	s5 =	smul.u32 $0x140000, s4  }
0x8: {  	s23 =	simm.s32 $0x0;
	s6 =	smul.u32 $0x14000, s2;
	_ =	strace $0x80000047  }
0x9: {  	s8 =	sshll.u32 s2, $0x1;
	s29 =	smul.u32 $0x50000, s2;
	s21 =	sshll.u32 s2, $0x6  }
0xa: {  	s28 =	sor.u32 s4, s8;
	s4 =	ssub.s32 $0x2, s4;
	s21 =	sor.u32 $0x1C05, s21  }
0xb: {  	s5 =	sadd.s32 s6, s5;
	s6 =	smul.u32 $0x2800, s28;
	s30 =	sshrl.u32 s4, $0x1  }
0xc: {  	s8 =	sshrl.u32 s29, $0x2;
	s5 =	sshrl.u32 s5, $0x3;
	s11 =	ssub.s32 s4, s30  }
0xd: {  	s4 =	sadd.s32 s8, s1;
	s10 =	sadd.s32 s5, s7;
	s31 =	sshrl.u32 s6, $0x3  }
0xe: {  	s5 =	sadd.s32 $0x4000, s4;
	s6 =	sadd.s32 $0x8000, s4;
	s8 =	sadd.s32 $0x10000, s4  }
0xf: {  	s11 =	smax.u32 s11, $0x1;
	s22 =	sshrl.u32 s4, $0x3;
	s9 =	sadd.s32 s7, s31  }
0x10: {  	v0 =	vimm.f32 $0.0e+00;
	v1 =	vimm.f32 $1.000000000e+00;
	s7 =	sadd.s32 $0xC000, s4;
	s10 =	sadd.s32 $0x16A00, s10;
	s9 =	sadd.s32 $0xCA00, s9  }
.LBB2_1:
0x11: {  	s24 =	simm.s32 $0x200;
	s25 =	simm.s32 $0x0  }
.LBB2_2:
0x12: {  	p0 =	sne.s32 s24, $0xFE00;
	[tilespmem:s25+$0x2800] =	vst v0;
	s25 =	smov.u32 s24;
	s24 =	sadd.s32 $0x200, s24  }
.Ltmp0:
0x13: {  	(pc) =	sbr.rel @p0 .LBB2_2-.Ltmp0, $2  }
0x14: {  	_ =	sdelay $0x2  }
0x15: {  	s25 =	sshra.s32 s25, $0x2  }
0x16: {  	[tilespmem:s25+$0x2800] =	vst v0  }
0x17: {  	[spmem:s4] =	stream.linear.scatter [tilespmem:s12], [sflag:$0x5], $0x4000, $0x38;
	[tilespmem:$0x9000] =	vst v63  }
0x18: {  	_ =	swait.ge [sflag:s13], $0x4000  }
0x19: {  	[sflag:s13] =	ssyncset.done $0x0  }
0x1a: {  	[sflag:s13] =	ssyncadd.s32 $0xFFFFC000  }
0x1b: {  	[spmem:s5] =	stream.linear.scatter [tilespmem:s12], [sflag:$0x5], $0x4000, $0x38;
	[tilespmem:$0x9000] =	vst v63  }
0x1c: {  	_ =	swait.ge [sflag:s13], $0x4000  }
0x1d: {  	[sflag:s13] =	ssyncset.done $0x0  }
0x1e: {  	[sflag:s13] =	ssyncadd.s32 $0xFFFFC000  }
0x1f: {  	[spmem:s6] =	stream.linear.scatter [tilespmem:s12], [sflag:$0x5], $0x4000, $0x38;
	[tilespmem:$0x9000] =	vst v63  }
0x20: {  	_ =	swait.ge [sflag:s13], $0x4000  }
0x21: {  	[sflag:s13] =	ssyncset.done $0x0  }
0x22: {  	[sflag:s13] =	ssyncadd.s32 $0xFFFFC000  }
0x23: {  	[spmem:s7] =	stream.linear.scatter [tilespmem:s12], [sflag:$0x5], $0x4000, $0x38;
	[tilespmem:$0x9000] =	vst v63  }
0x24: {  	_ =	swait.ge [sflag:s13], $0x4000  }
0x25: {  	[sflag:s13] =	ssyncset.done $0x0  }
0x26: {  	[sflag:s13] =	ssyncadd.s32 $0xFFFFC000  }
0x27: {  	[spmem:s8] =	stream.linear.scatter [tilespmem:s12], [sflag:$0x5], $0x4000, $0x38;
	[tilespmem:$0x9000] =	vst v63  }
0x28: {  	_ =	swait.ge [sflag:s13], $0x4000  }
0x29: {  	[sflag:s13] =	ssyncset.done $0x0  }
0x2a: {  	s24 =	simm.s32 $0x200;
	s25 =	simm.s32 $0x0;
	[sflag:s13] =	ssyncadd.s32 $0xFFFFC000  }
.LBB2_4:
0x2b: {  	p0 =	sne.s32 s24, $0xFE00;
	[tilespmem:s25+$0x2800] =	vst v1;
	s25 =	smov.u32 s24;
	s24 =	sadd.s32 $0x200, s24  }
.Ltmp1:
0x2c: {  	(pc) =	sbr.rel @p0 .LBB2_4-.Ltmp1, $2  }
0x2d: {  	_ =	sdelay $0x2  }
0x2e: {  	s25 =	sshra.s32 s25, $0x2  }
0x2f: {  	[tilespmem:s25+$0x2800] =	vst v1  }
0x30: {  	[tilespmem:s3], [sflag:$0x5] =	stream.linear.gather [hbm4b:s9+s3], $0x2800, $0x38;
	[tilespmem:$0x9000] =	vst v63  }
0x31: {  	_ =	swait.ge [sflag:s13], $0x2800  }
0x32: {  	[sflag:s13] =	ssyncset.done $0x0  }
0x33: {  	[sflag:s13] =	ssyncadd.s32 $0xFFFFD800  }
0x34: {  	[bflag:$0x0] =	sbarrier.arrive $0xFFFF  }
0x35: {  	[spmem:s1] =	stream.indirect.scatter.add.f32 [tilespmem:s12], [sflag:$0x1], $0x10, s3, s14, $0xb8;
	[tilespmem:$0x9000] =	vst v63  }
0x36: {  	_ = 	snop  }
0x37: {  	[spmem:s1] =	stream.indirect.scatter.add.f32 [tilespmem:s12], [sflag:$0x2], $0x10, s14, s14, $0xb8;
	[tilespmem:$0x9000] =	vst v63  }
0x38: {  	_ = 	snop  }
0x39: {  	[spmem:s1] =	stream.indirect.scatter.add.f32 [tilespmem:s12], [sflag:$0x3], $0x10, s15, s14, $0xb8;
	[tilespmem:$0x9000] =	vst v63  }
0x3a: {  	_ = 	snop  }
0x3b: {  	[spmem:s1] =	stream.indirect.scatter.add.f32 [tilespmem:s12], [sflag:$0x4], $0x10, s16, s14, $0xb8;
	[tilespmem:$0x9000] =	vst v63  }
0x3c: {  	_ =	swait.ge [sflag:s17], $0x800  }
0x3d: {  	[sflag:s17] =	ssyncset.done $0x0  }
0x3e: {  	s24 =	simm.s32 $0x200;
	[sflag:s17] =	ssyncadd.s32 $0xFFFFF800  }
0x3f: {  	[spmem:s1] =	stream.indirect.scatter.add.f32 [tilespmem:s12], [sflag:$0x1], $0x10, s24, s14, $0xb8;
	[tilespmem:$0x9000] =	vst v63  }
0x40: {  	_ =	swait.ge [sflag:s18], $0x800  }
0x41: {  	[sflag:s18] =	ssyncset.done $0x0  }
0x42: {  	s30 =	simm.s32 $0x280;
	[sflag:s18] =	ssyncadd.s32 $0xFFFFF800  }
0x43: {  	[spmem:s1] =	stream.indirect.scatter.add.f32 [tilespmem:s12], [sflag:$0x2], $0x10, s30, s14, $0xb8;
	[tilespmem:$0x9000] =	vst v63  }
0x44: {  	_ =	swait.ge [sflag:s19], $0x800  }
0x45: {  	[sflag:s19] =	ssyncset.done $0x0  }
0x46: {  	s31 =	simm.s32 $0x300;
	[sflag:s19] =	ssyncadd.s32 $0xFFFFF800  }
0x47: {  	[spmem:s1] =	stream.indirect.scatter.add.f32 [tilespmem:s12], [sflag:$0x3], $0x10, s31, s14, $0xb8;
	[tilespmem:$0x9000] =	vst v63  }
0x48: {  	_ =	swait.ge [sflag:s20], $0x800  }
0x49: {  	[sflag:s20] =	ssyncset.done $0x0  }
0x4a: {  	s25 =	simm.s32 $0x380;
	s24 =	simm.s32 $0xFFFF7000;
	[sflag:s20] =	ssyncadd.s32 $0xFFFFF800  }
.LBB2_6:
0x4b: {  	[spmem:s1] =	stream.indirect.scatter.add.f32 [tilespmem:s12], [sflag:$0x4], $0x10, s25, s14, $0xb8;
	[tilespmem:$0x9000] =	vst v63  }
0x4c: {  	s25 =	smov.u32 s24  }
0x4d: {  	p0 =	sne.s32 s24, $0xFFFFF800;
	s24 =	sadd.s32 $0x800, s24;
	_ =	swait.ge [sflag:s17], $0x800  }
0x4e: {  	s25 =	sshra.s32 s25, $0x2;
	[sflag:s17] =	ssyncset.done $0x0  }
0x4f: {  	s26 =	sadd.s32 $0x2800, s25;
	[sflag:s17] =	ssyncadd.s32 $0xFFFFF800  }
0x50: {  	[spmem:s1] =	stream.indirect.scatter.add.f32 [tilespmem:s12], [sflag:$0x1], $0x10, s26, s14, $0xb8;
	[tilespmem:$0x9000] =	vst v63  }
0x51: {  	_ =	swait.ge [sflag:s18], $0x800  }
0x52: {  	[sflag:s18] =	ssyncset.done $0x0  }
0x53: {  	s26 =	sadd.s32 $0x2880, s25;
	[sflag:s18] =	ssyncadd.s32 $0xFFFFF800  }
0x54: {  	[spmem:s1] =	stream.indirect.scatter.add.f32 [tilespmem:s12], [sflag:$0x2], $0x10, s26, s14, $0xb8;
	[tilespmem:$0x9000] =	vst v63  }
0x55: {  	_ =	swait.ge [sflag:s19], $0x800  }
0x56: {  	[sflag:s19] =	ssyncset.done $0x0  }
.Ltmp2:
0x57: {  	s26 =	sadd.s32 $0x2900, s25;
	[sflag:s19] =	ssyncadd.s32 $0xFFFFF800;
	(pc) =	sbr.rel @p0 .LBB2_6-.Ltmp2, $4  }
0x58: {  	[spmem:s1] =	stream.indirect.scatter.add.f32 [tilespmem:s12], [sflag:$0x3], $0x10, s26, s14, $0xb8;
	[tilespmem:$0x9000] =	vst v63  }
0x59: {  	_ =	swait.ge [sflag:s20], $0x800  }
0x5a: {  	[sflag:s20] =	ssyncset.done $0x0  }
0x5b: {  	s25 =	sadd.s32 $0x2980, s25;
	[sflag:s20] =	ssyncadd.s32 $0xFFFFF800  }
0x5c: {  	[spmem:s1] =	stream.indirect.scatter.add.f32 [tilespmem:s12], [sflag:$0x4], $0x10, s25, s14, $0xb8;
	[tilespmem:$0x9000] =	vst v63  }
0x5d: {  	_ =	swait.ge [sflag:s17], $0x800  }
0x5e: {  	[sflag:s17] =	ssyncset.done $0x0  }
0x5f: {  	[sflag:s17] =	ssyncadd.s32 $0xFFFFF800  }
0x60: {  	_ =	swait.ge [sflag:s18], $0x800  }
0x61: {  	[sflag:s18] =	ssyncset.done $0x0  }
0x62: {  	[sflag:s18] =	ssyncadd.s32 $0xFFFFF800  }
0x63: {  	_ =	swait.ge [sflag:s19], $0x800  }
0x64: {  	[sflag:s19] =	ssyncset.done $0x0  }
0x65: {  	[sflag:s19] =	ssyncadd.s32 $0xFFFFF800  }
0x66: {  	_ =	swait.ge [sflag:s20], $0x800  }
0x67: {  	s23 =	sadd.s32 $0x1, s23;
	[sflag:s20] =	ssyncset.done $0x0  }
0x68: {  	p0 =	sne.s32 s23, s11;
	[sflag:s20] =	ssyncadd.s32 $0xFFFFF800  }
.Ltmp3:
0x69: {  	[bflag:$0x0] =	sbarrier.arrive $0xFFFF;
	(pc) =	sbr.rel @p0 .LBB2_1-.Ltmp3, $4  }
0x6a: {  	[hbm:s10], [sflag:s21] =	dma.local [spmem:s22], $0x2800  }
0x6b: {  	_ =	swait.ge [sflag:s13], $0x2800  }
0x6c: {  	[sflag:s13] =	ssyncset.done $0x0  }
0x6d: {  	[sflag:s13] =	ssyncadd.s32 $0xFFFFD800  }
0x6e: {  	_ =	sfence.sel $0x180000  }
0x6f: {  	[bflag:$0x0] =	sbarrier.arrive $0xFFFF  }
0x70: {  	p0 =	sne.s32 s2, $0x0;
	_ =	strace $0x90000047  }
0x71: {  	s0 =	sadd.s32 @!p0 $0x100000, s0;
	[bflag:$0x2] =	sbarrier.arrive $0xFFFF  }
0x72: {  	[sflag:s0] =	ssyncadd.tile.s32 @!p0 $0x1;
	_ =	shalt  }
.Lfunc_end2:
_tile_overlayer_lowered:
.L_overlay_start_2:
0x73: {  	(tag) =	ssettag $0x2  }
0x74: {  	s0 =	rddreg [dreg:$0x0];
	s2 =	stileid.u32  }
0x75: {  	s1 =	rddreg [dreg:$0x1];
	p0 =	sne.s32 s2, $0x0  }
0x76: {  	s3 =	rddreg [dreg:$0x2];
	[bflag:$0x3] =	sbarrier.arrive $0xFFFF;
	s2 =	simm.s32 @!p0 $0x1C05  }
0x77: {  	[timem:s3], [sflag:s2] =	dma.local @!p0 [hbm:s0], s1  }
0x78: {  	s0 =	simm.s32 @!p0 $0x5  }
0x79: {  	_ =	swait.ge @!p0 [sflag:s0], s1  }
0x7a: {  	s1 =	ssub.s32 @!p0 $0x0, s1;
	[sflag:s0] =	ssyncset.done @!p0 $0x0  }
0x7b: {  	[sflag:s0] =	ssyncadd.s32 @!p0 s1  }
0x7c: {  	[bflag:$0x3] =	sbarrier.arrive $0xFFFF  }
0x7d: {  	_ =	shalt  }

</sc_bundles>
